<compile_context>
chip_gen: v7x
topology: tpu7x:2x2x1
jax: 0.10.2.dev20260603
libtpu: 0.0.44.dev20260713+nightly
codegen_flags: <defaults>
</compile_context>

<pallas_src>
import functools

import jax
import jax.numpy as jnp
from jax import lax
from jax.experimental import pallas as pl
from jax.experimental.pallas import tpu as pltpu
from jax.experimental.pallas import tpu_sc as plsc

N = 10000
NP = 10240
E = 320000
EPAD = 327680
CH = EPAD // 128
NCH_T = CH // 16
NCH_D = CH // 32
RPT = NP // 16
BN = 512

_MESH = dict(core_axis_name="c", subcore_axis_name="s", num_cores=2,
             num_subcores=16)


def _deg_body(dstr, ones_h, zeros_h, out, dst_v, ones_v, acc, sem):
    c = lax.axis_index("c")
    s = lax.axis_index("s")
    wid = c * 16 + s
    pltpu.sync_copy(dstr.at[pl.ds(wid * NCH_D, NCH_D)], dst_v)
    pltpu.sync_copy(ones_h, ones_v)
    pltpu.sync_copy(zeros_h, acc.at[pl.ds(s * RPT, RPT)])
    plsc.subcore_barrier()

    def chunk(t, carry):
        pltpu.sync_copy(ones_v, acc.at[dst_v.at[t]], add=True)
        return carry

    lax.fori_loop(0, NCH_D, chunk, 0)
    plsc.subcore_barrier()
    pltpu.sync_copy(acc.at[pl.ds(s * RPT, RPT)],
                    out.at[pl.ds(c * NP + s * RPT, RPT)])


_deg_kernel = functools.partial(
    pl.kernel,
    out_type=jax.ShapeDtypeStruct((2 * NP,), jnp.float32),
    mesh=plsc.VectorSubcoreMesh(**_MESH),
    scratch_types=[
        pltpu.VMEM((NCH_D, 128), jnp.int32),
        pltpu.VMEM((128,), jnp.float32),
        pltpu.VMEM_SHARED((NP,), jnp.float32),
        pltpu.SemaphoreType.DMA,
    ],
)(_deg_body)


CHUNK = 64
CH64 = EPAD // CHUNK
KB = 32
NBUF = 4


def _agg_body(edge_split, kb, table, src2r, dstr, zeros_h, out,
              src_v0, dst_v0, src_v1, dst_v1, acc, si, *bufs_and_sems):
    bufs = bufs_and_sems[:NBUF]
    sems = bufs_and_sems[NBUF:]
    c = lax.axis_index("c")
    s = lax.axis_index("s")
    if edge_split:
        src_base = (c * 16 + s) * (CH64 // 32)
        dst_base = src_base
        nb = CH64 // 32 // kb
    else:
        src_base = c * CH64 + s * (CH64 // 16)
        dst_base = s * (CH64 // 16)
        nb = CH64 // 16 // kb
    pltpu.sync_copy(zeros_h, acc.at[pl.ds(s * RPT, RPT)])
    pltpu.sync_copy(src2r.at[pl.ds(src_base, kb)], src_v0)
    pltpu.sync_copy(dstr.at[pl.ds(dst_base, kb)], dst_v0)
    plsc.subcore_barrier()

    def half(b, src_v, dst_v, nsv, ndv):
        nsrc = src2r.at[pl.ds(src_base + (b + 1) * kb, kb)]
        ndst = dstr.at[pl.ds(dst_base + (b + 1) * kb, kb)]

        @pl.when(b + 1 < nb)
        def _():
            pltpu.async_copy(nsrc, nsv, si)
            pltpu.async_copy(ndst, ndv, si)

        for k in range(NBUF):
            pltpu.async_copy(table.at[src_v.at[k]], bufs[k], sems[k])

        def grp(t, carry2):
            j = t * NBUF
            for k in range(NBUF):
                pltpu.make_async_copy(table.at[src_v.at[j + k]], bufs[k],
                                      sems[k]).wait()
                pltpu.sync_copy(bufs[k], acc.at[dst_v.at[j + k]], add=True)

                @pl.when(j + k + NBUF < kb)
                def _():
                    pltpu.async_copy(table.at[src_v.at[j + k + NBUF]],
                                     bufs[k], sems[k])

            return carry2

        lax.fori_loop(0, kb // NBUF, grp, 0)

        @pl.when(b + 1 < nb)
        def _():
            pltpu.make_async_copy(nsrc, nsv, si).wait()
            pltpu.make_async_copy(ndst, ndv, si).wait()

    def outer(b2, carry):
        half(2 * b2, src_v0, dst_v0, src_v1, dst_v1)
        half(2 * b2 + 1, src_v1, dst_v1, src_v0, dst_v0)
        return carry

    lax.fori_loop(0, nb // 2, outer, 0)
    plsc.subcore_barrier()
    pltpu.sync_copy(acc.at[pl.ds(s * RPT, RPT)],
                    out.at[pl.ds(c * NP + s * RPT, RPT)])


def _make_agg_kernel(edge_split):
    kb = KB // 2 if edge_split else KB
    return functools.partial(
        pl.kernel,
        out_type=jax.ShapeDtypeStruct((2 * NP, 128), jnp.float32),
        mesh=plsc.VectorSubcoreMesh(**_MESH),
        scratch_types=[
            pltpu.VMEM((kb, CHUNK), jnp.int32),
            pltpu.VMEM((kb, CHUNK), jnp.int32),
            pltpu.VMEM((kb, CHUNK), jnp.int32),
            pltpu.VMEM((kb, CHUNK), jnp.int32),
            pltpu.VMEM_SHARED((NP, 128), jnp.float32),
            pltpu.SemaphoreType.DMA,
        ] + [pltpu.VMEM((CHUNK, 128), jnp.float32)] * NBUF
          + [pltpu.SemaphoreType.DMA] * NBUF,
    )(functools.partial(_agg_body, edge_split, kb))


_agg_feat = _make_agg_kernel(False)
_agg_edge = _make_agg_kernel(True)


def _dinv_block(degp_blk, i):
    dsum = degp_blk[:, 0:1] + degp_blk[:, 1:2] + 1.0
    rowid = lax.broadcasted_iota(jnp.int32, (BN, 1), 0) + i * BN
    return jnp.where(rowid < N, lax.rsqrt(dsum), 0.0)


def _tc1_body(x_ref, degp_ref, w0_ref, y2_ref):
    i = pl.program_id(0)
    xw = jnp.dot(x_ref[...], w0_ref[...], preferred_element_type=jnp.float32)
    dinv = _dinv_block(degp_ref[...], i)
    y = xw * dinv
    y2_ref[0] = y[:, :128]
    y2_ref[1] = y[:, 128:]


def _tc0_body(x_ref, w0_ref, w1_ref, x0_ref):
    xw = jnp.dot(x_ref[...], w0_ref[...], preferred_element_type=jnp.float32)
    x0_ref[...] = jnp.dot(xw, w1_ref[...], preferred_element_type=jnp.float32)


def _tcr_body(hw1_ref, h1_ref):
    h1_ref[...] = jnp.maximum(hw1_ref[...], 0.0)


def _tc2_body(acc_ref, y2_ref, degp_ref, w1_ref, b0_ref, hw1_ref, z_ref):
    i = pl.program_id(0)
    accf = jnp.concatenate([acc_ref[0], acc_ref[1]], axis=1)
    yf = jnp.concatenate([y2_ref[0], y2_ref[1]], axis=1)
    dinv = _dinv_block(degp_ref[...], i)
    h = jnp.maximum(dinv * (accf + yf) + b0_ref[...], 0.0)
    hw1 = jnp.dot(h, w1_ref[...], preferred_element_type=jnp.float32)
    hw1_ref[...] = hw1
    z_ref[...] = hw1 * dinv


def _tc3_body(acc_ref, z_ref, degp_ref, b1_ref, out_ref):
    i = pl.program_id(0)
    accf = acc_ref[0] + acc_ref[1] + z_ref[...]
    dinv = _dinv_block(degp_ref[...], i)
    out_ref[...] = jnp.maximum(dinv * accf + b1_ref[...], 0.0)


_GRID = NP // BN


def _bs(shape, index_map):
    return pl.BlockSpec(shape, index_map)


_tc1 = pl.pallas_call(
    _tc1_body,
    grid=(_GRID,),
    in_specs=[
        _bs((BN, 128), lambda i: (i, 0)),
        _bs((BN, 2), lambda i: (i, 0)),
        _bs((128, 256), lambda i: (0, 0)),
    ],
    out_specs=_bs((2, BN, 128), lambda i: (0, i, 0)),
    out_shape=jax.ShapeDtypeStruct((2, NP, 128), jnp.float32),
)

_tc0 = pl.pallas_call(
    _tc0_body,
    grid=(_GRID,),
    in_specs=[
        _bs((BN, 128), lambda i: (i, 0)),
        _bs((128, 256), lambda i: (0, 0)),
        _bs((256, 128), lambda i: (0, 0)),
    ],
    out_specs=_bs((BN, 128), lambda i: (i, 0)),
    out_shape=jax.ShapeDtypeStruct((N, 128), jnp.float32),
)

_tcr = pl.pallas_call(
    _tcr_body,
    grid=(_GRID,),
    in_specs=[_bs((BN, 128), lambda i: (i, 0))],
    out_specs=_bs((BN, 128), lambda i: (i, 0)),
    out_shape=jax.ShapeDtypeStruct((N, 128), jnp.float32),
)

_tc2 = pl.pallas_call(
    _tc2_body,
    grid=(_GRID,),
    in_specs=[
        _bs((2, BN, 128), lambda i: (0, i, 0)),
        _bs((2, BN, 128), lambda i: (0, i, 0)),
        _bs((BN, 2), lambda i: (i, 0)),
        _bs((256, 128), lambda i: (0, 0)),
        _bs((1, 256), lambda i: (0, 0)),
    ],
    out_specs=[
        _bs((BN, 128), lambda i: (i, 0)),
        _bs((BN, 128), lambda i: (i, 0)),
    ],
    out_shape=[
        jax.ShapeDtypeStruct((NP, 128), jnp.float32),
        jax.ShapeDtypeStruct((NP, 128), jnp.float32),
    ],
)

_tc3 = pl.pallas_call(
    _tc3_body,
    grid=(_GRID,),
    in_specs=[
        _bs((2, BN, 128), lambda i: (0, i, 0)),
        _bs((BN, 128), lambda i: (i, 0)),
        _bs((BN, 2), lambda i: (i, 0)),
        _bs((1, 128), lambda i: (0, 0)),
    ],
    out_specs=_bs((BN, 128), lambda i: (i, 0)),
    out_shape=jax.ShapeDtypeStruct((N, 128), jnp.float32),
)


def kernel(x, edge_index, W0, b0, W1, b1):
    src = edge_index[0]
    dst = edge_index[1]

    pad = N + (jnp.arange(EPAD - E, dtype=jnp.int32) % (NP - N))
    srcp = jnp.concatenate([src, pad])
    dstp = jnp.concatenate([dst, pad])
    src2r = jnp.concatenate([srcp, srcp + NP]).reshape(2 * CH64, CHUNK)
    srcr = srcp.reshape(CH64, CHUNK)
    dstr = dstp.reshape(CH64, CHUNK)
    dstr128 = dstp.reshape(CH, 128)

    x_pad = jnp.concatenate(
        [x, jnp.zeros((NP - N, x.shape[1]), x.dtype)], axis=0)

    zeros_r = jnp.zeros((RPT,), jnp.float32)
    zeros_r128 = jnp.zeros((RPT, 128), jnp.float32)
    ones128 = jnp.ones((128,), jnp.float32)

    degf = _deg_kernel(dstr128, ones128, zeros_r)
    degp = jnp.stack([degf[:NP], degf[NP:]], axis=1)

    y2 = _tc1(x_pad, degp, W0)
    acc1 = _agg_feat(y2.reshape(2 * NP, 128), src2r, dstr, zeros_r128)
    x0 = _tc0(x_pad, W0, W1)
    hw1, z = _tc2(acc1.reshape(2, NP, 128), y2, degp, W1,
                  b0.reshape(1, 256))
    acc2 = _agg_edge(z, srcr, dstr, zeros_r128)
    h1 = _tcr(hw1)
    out = _tc3(acc2.reshape(2, NP, 128), z, degp, b1.reshape(1, 128))
    return (out, x0, h1)

# --- scband reference (transcript-rebuilt; emitter-appended) ---
"""Pipeline reference for scband-gcn-6399501271707 (READ-ONLY COPY).

The authoritative reference and input builder live on the scoring server;
editing this copy changes nothing except your own understanding.
"""

import jax, jax.numpy as jnp
import numpy as np

N_NODES = 10000
N_EDGES = 320000
IN_DIM = 128
OUT_DIM = 128
HID = 2 * OUT_DIM


def setup_inputs(seed: int = 0) -> dict:
    key = jax.random.key(seed)
    k1, k2, k3, k4, k5, k6 = jax.random.split(key, 6)
    x = jax.random.normal(k1, (N_NODES, IN_DIM), dtype=jnp.float32)
    edge_index = jax.random.randint(k2, (2, N_EDGES), 0, N_NODES, dtype=jnp.int32)
    W0 = jax.random.normal(k3, (IN_DIM, HID), dtype=jnp.float32) * 0.05
    b0 = jnp.zeros((HID,), dtype=jnp.float32)
    W1 = jax.random.normal(k4, (HID, OUT_DIM), dtype=jnp.float32) * 0.05
    b1 = jnp.zeros((OUT_DIM,), dtype=jnp.float32)
    return {"x": x, "edge_index": edge_index, "W0": W0, "b0": b0, "W1": W1, "b1": b1}


def gcn_conv(x, edge_index, W, b):
    # PyG GCNConv: add self-loops, symmetric deg^{-1/2} normalization, then XW aggregation + bias
    n = x.shape[0]
    xw = x @ W
    loop = jnp.arange(n, dtype=edge_index.dtype)
    src = jnp.concatenate([edge_index[0], loop])
    dst = jnp.concatenate([edge_index[1], loop])
    deg = jnp.zeros((n,), dtype=xw.dtype).at[dst].add(1.0)
    dinv = jnp.where(deg > 0, deg ** -0.5, 0.0)
    norm = dinv[src] * dinv[dst]
    msg = xw[src] * norm[:, None]
    out = jnp.zeros_like(xw).at[dst].add(msg)
    return out + b


def reference(x, edge_index, W0, b0, W1, b1):
    act = jax.nn.relu
    # num_layers = 2
    # i = 0
    x0 = x
    h = act(gcn_conv(x, edge_index, W0, b0))
    x0 = x0 @ W0          # convs[0].lin (bias=False in PyG GCNConv.lin)
    h1 = act(h @ W1)      # convs[1].lin(x) then act
    # i = 1 (last layer; elif branch never taken for num_layers=2)
    out = act(gcn_conv(h, edge_index, W1, b1))
    x0 = x0 @ W1          # convs[1].lin
    return (out, x0, h1)

if __name__ == "__main__":
    import jax
    _d = setup_inputs()
    print(jax.jit(kernel)(*tuple(_d.values())))

</pallas_src>

<mosaic_0001>
#map = affine_map<(d0, d1) -> (0, 0)>
module attributes {stable_mosaic.version = 14 : i64} {
  func.func @_agg_body(%arg0: i32, %arg1: i32, %arg2: memref<20480x128xf32, #tpu.memory_space<hbm>>, %arg3: memref<10240x64xi32, #tpu.memory_space<hbm>>, %arg4: memref<5120x64xi32, #tpu.memory_space<hbm>>, %arg5: memref<640x128xf32, #tpu.memory_space<hbm>>, %arg6: memref<20480x128xf32, #tpu.memory_space<hbm>>, %arg7: memref<32x64xi32, #tpu.memory_space<vmem>>, %arg8: memref<32x64xi32, #tpu.memory_space<vmem>>, %arg9: memref<32x64xi32, #tpu.memory_space<vmem>>, %arg10: memref<32x64xi32, #tpu.memory_space<vmem>>, %arg11: memref<10240x128xf32, #tpu.memory_space<vmem_shared>>, %arg12: memref<!tpu.dma_semaphore, #tpu.memory_space<semaphore_mem>>, %arg13: memref<64x128xf32, #tpu.memory_space<vmem>>, %arg14: memref<64x128xf32, #tpu.memory_space<vmem>>, %arg15: memref<64x128xf32, #tpu.memory_space<vmem>>, %arg16: memref<64x128xf32, #tpu.memory_space<vmem>>, %arg17: memref<!tpu.dma_semaphore, #tpu.memory_space<semaphore_mem>>, %arg18: memref<!tpu.dma_semaphore, #tpu.memory_space<semaphore_mem>>, %arg19: memref<!tpu.dma_semaphore, #tpu.memory_space<semaphore_mem>>, %arg20: memref<!tpu.dma_semaphore, #tpu.memory_space<semaphore_mem>>) attributes {dimension_semantics = [#tpu.dimension_semantics<core_parallel>, #tpu.dimension_semantics<subcore_parallel>], iteration_bounds = array<i64: 2, 16>, scalar_prefetch = 0 : i64, scratch_operands = 14 : i64, tpu.core_type = #tpu.core_type<sc_vector_subcore>, window_params = [{transform_indices = #map}, {transform_indices = #map}, {transform_indices = #map}, {transform_indices = #map}, {transform_indices = #map}]} {
    %mul3A = arith.constant 5120 : i32
    %mul3A_0 = arith.muli %arg0, %mul3A : i32
    %mul3A_1 = arith.constant 320 : i32
    %mul3A_2 = arith.muli %arg1, %mul3A_1 : i32
    %add3A = arith.addi %mul3A_0, %mul3A_2 : i32
    %mul3A_3 = arith.constant 320 : i32
    %mul3A_4 = arith.muli %arg1, %mul3A_3 : i32
    %mul3A_5 = arith.constant 640 : i32
    %mul3A_6 = arith.muli %arg1, %mul3A_5 : i32
    "tpu.region"() ({
      %run_scoped3A = tpu.sem_alloc : memref<!tpu.dma_semaphore, #tpu.memory_space<semaphore_mem>>
      %dma_start3A = arith.constant 0 : i32
      %dma_start3A_20 = tpu.memref_slice %arg11[%mul3A_6, %dma_start3A] : memref<10240x128xf32, #tpu.memory_space<vmem_shared>> -> memref<640x128xf32, #tpu.memory_space<vmem_shared>>
      tpu.enqueue_dma source(%arg5 : memref<640x128xf32, #tpu.memory_space<hbm>>) target(%dma_start3A_20 : memref<640x128xf32, #tpu.memory_space<vmem_shared>>) target_semaphore(%run_scoped3A : memref<!tpu.dma_semaphore, #tpu.memory_space<semaphore_mem>>)
      %dma_wait3A = arith.constant 0 : i32
      %dma_wait3A_21 = tpu.memref_slice %arg11[%mul3A_6, %dma_wait3A] : memref<10240x128xf32, #tpu.memory_space<vmem_shared>> -> memref<640x128xf32, #tpu.memory_space<vmem_shared>>
      tpu.wait_dma2 semaphore(%run_scoped3A : memref<!tpu.dma_semaphore, #tpu.memory_space<semaphore_mem>>) src(%arg5 : memref<640x128xf32, #tpu.memory_space<hbm>>) dst(%dma_wait3A_21 : memref<640x128xf32, #tpu.memory_space<vmem_shared>>)
      tpu.yield
    }) : () -> ()
    "tpu.region"() ({
      %run_scoped3A = tpu.sem_alloc : memref<!tpu.dma_semaphore, #tpu.memory_space<semaphore_mem>>
      %dma_start3A = arith.constant 0 : i32
      %dma_start3A_20 = tpu.memref_slice %arg3[%add3A, %dma_start3A] : memref<10240x64xi32, #tpu.memory_space<hbm>> -> memref<32x64xi32, #tpu.memory_space<hbm>>
      %dma_start3A_21 = arith.constant 0 : i32
      %dma_start3A_22 = tpu.memref_slice %arg3[%add3A, %dma_start3A_21] : memref<10240x64xi32, #tpu.memory_space<hbm>> -> memref<32x64xi32, #tpu.memory_space<hbm>>
      tpu.enqueue_dma source(%dma_start3A_22 : memref<32x64xi32, #tpu.memory_space<hbm>>) target(%arg7 : memref<32x64xi32, #tpu.memory_space<vmem>>) target_semaphore(%run_scoped3A : memref<!tpu.dma_semaphore, #tpu.memory_space<semaphore_mem>>)
      %dma_wait3A = arith.constant 0 : i32
      %dma_wait3A_23 = tpu.memref_slice %arg3[%add3A, %dma_wait3A] : memref<10240x64xi32, #tpu.memory_space<hbm>> -> memref<32x64xi32, #tpu.memory_space<hbm>>
      %dma_wait3A_24 = arith.constant 0 : i32
      %dma_wait3A_25 = tpu.memref_slice %arg3[%add3A, %dma_wait3A_24] : memref<10240x64xi32, #tpu.memory_space<hbm>> -> memref<32x64xi32, #tpu.memory_space<hbm>>
      tpu.wait_dma2 semaphore(%run_scoped3A : memref<!tpu.dma_semaphore, #tpu.memory_space<semaphore_mem>>) src(%dma_wait3A_25 : memref<32x64xi32, #tpu.memory_space<hbm>>) dst(%arg7 : memref<32x64xi32, #tpu.memory_space<vmem>>)
      tpu.yield
    }) : () -> ()
    "tpu.region"() ({
      %run_scoped3A = tpu.sem_alloc : memref<!tpu.dma_semaphore, #tpu.memory_space<semaphore_mem>>
      %dma_start3A = arith.constant 0 : i32
      %dma_start3A_20 = tpu.memref_slice %arg4[%mul3A_4, %dma_start3A] : memref<5120x64xi32, #tpu.memory_space<hbm>> -> memref<32x64xi32, #tpu.memory_space<hbm>>
      %dma_start3A_21 = arith.constant 0 : i32
      %dma_start3A_22 = tpu.memref_slice %arg4[%mul3A_4, %dma_start3A_21] : memref<5120x64xi32, #tpu.memory_space<hbm>> -> memref<32x64xi32, #tpu.memory_space<hbm>>
      tpu.enqueue_dma source(%dma_start3A_22 : memref<32x64xi32, #tpu.memory_space<hbm>>) target(%arg8 : memref<32x64xi32, #tpu.memory_space<vmem>>) target_semaphore(%run_scoped3A : memref<!tpu.dma_semaphore, #tpu.memory_space<semaphore_mem>>)
      %dma_wait3A = arith.constant 0 : i32
      %dma_wait3A_23 = tpu.memref_slice %arg4[%mul3A_4, %dma_wait3A] : memref<5120x64xi32, #tpu.memory_space<hbm>> -> memref<32x64xi32, #tpu.memory_space<hbm>>
      %dma_wait3A_24 = arith.constant 0 : i32
      %dma_wait3A_25 = tpu.memref_slice %arg4[%mul3A_4, %dma_wait3A_24] : memref<5120x64xi32, #tpu.memory_space<hbm>> -> memref<32x64xi32, #tpu.memory_space<hbm>>
      tpu.wait_dma2 semaphore(%run_scoped3A : memref<!tpu.dma_semaphore, #tpu.memory_space<semaphore_mem>>) src(%dma_wait3A_25 : memref<32x64xi32, #tpu.memory_space<hbm>>) dst(%arg8 : memref<32x64xi32, #tpu.memory_space<vmem>>)
      tpu.yield
    }) : () -> ()
    %barrier3A = arith.constant 0 : index
    tpu.barrier barrier_id(%barrier3A)
    %scan3A = arith.constant 0 : i32
    %scan3A_7 = arith.constant 0 : i32
    %scan3A_8 = arith.constant 5 : i32
    %scan3A_9 = arith.addi %scan3A_7, %scan3A_8 : i32
    %scan3A_10 = arith.constant 1 : i32
    scf.for %scan3A_20 = %scan3A_7 to %scan3A_9 step %scan3A_10  : i32 {
      %mul3A_21 = arith.constant 2 : i32
      %mul3A_22 = arith.muli %mul3A_21, %scan3A_20 : i32
      %add3A_23 = arith.constant 1 : i32
      %add3A_24 = arith.addi %mul3A_22, %add3A_23 : i32
      %mul3A_25 = arith.constant 32 : i32
      %mul3A_26 = arith.muli %add3A_24, %mul3A_25 : i32
      %add3A_27 = arith.addi %add3A, %mul3A_26 : i32
      %add3A_28 = arith.constant 1 : i32
      %add3A_29 = arith.addi %mul3A_22, %add3A_28 : i32
      %mul3A_30 = arith.constant 32 : i32
      %mul3A_31 = arith.muli %add3A_29, %mul3A_30 : i32
      %add3A_32 = arith.addi %mul3A_4, %mul3A_31 : i32
      %add3A_33 = arith.constant 1 : i32
      %add3A_34 = arith.addi %mul3A_22, %add3A_33 : i32
      %lt3A = arith.constant 10 : i32
      %lt3A_35 = arith.cmpi slt, %add3A_34, %lt3A : i32
      %convert_element_type3A = arith.extui %lt3A_35 : i1 to i32
      %cond3A = arith.constant 0 : i32
      %cond3A_36 = arith.cmpi ne, %convert_element_type3A, %cond3A : i32
      scf.if %cond3A_36 {
        %dma_start3A_139 = arith.constant 0 : i32
        %dma_start3A_140 = tpu.memref_slice %arg3[%add3A_27, %dma_start3A_139] : memref<10240x64xi32, #tpu.memory_space<hbm>> -> memref<32x64xi32, #tpu.memory_space<hbm>>
        %dma_start3A_141 = arith.constant 0 : i32
        %dma_start3A_142 = tpu.memref_slice %arg3[%add3A_27, %dma_start3A_141] : memref<10240x64xi32, #tpu.memory_space<hbm>> -> memref<32x64xi32, #tpu.memory_space<hbm>>
        tpu.enqueue_dma source(%dma_start3A_142 : memref<32x64xi32, #tpu.memory_space<hbm>>) target(%arg9 : memref<32x64xi32, #tpu.memory_space<vmem>>) target_semaphore(%arg12 : memref<!tpu.dma_semaphore, #tpu.memory_space<semaphore_mem>>)
        %dma_start3A_143 = arith.constant 0 : i32
        %dma_start3A_144 = tpu.memref_slice %arg4[%add3A_32, %dma_start3A_143] : memref<5120x64xi32, #tpu.memory_space<hbm>> -> memref<32x64xi32, #tpu.memory_space<hbm>>
        %dma_start3A_145 = arith.constant 0 : i32
        %dma_start3A_146 = tpu.memref_slice %arg4[%add3A_32, %dma_start3A_145] : memref<5120x64xi32, #tpu.memory_space<hbm>> -> memref<32x64xi32, #tpu.memory_space<hbm>>
        tpu.enqueue_dma source(%dma_start3A_146 : memref<32x64xi32, #tpu.memory_space<hbm>>) target(%arg10 : memref<32x64xi32, #tpu.memory_space<vmem>>) target_semaphore(%arg12 : memref<!tpu.dma_semaphore, #tpu.memory_space<semaphore_mem>>)
      } else {
      }
      %dma_start3A = arith.constant 0 : i32
      %dma_start3A_37 = arith.constant 0 : i32
      %dma_start3A_38 = tpu.memref_slice %arg7[%dma_start3A, %dma_start3A_37] : memref<32x64xi32, #tpu.memory_space<vmem>> -> memref<1x64xi32, #tpu.memory_space<vmem>>
      %dma_start3A_39 = tpu.memref_squeeze %dma_start3A_38 : memref<1x64xi32, #tpu.memory_space<vmem>> -> memref<64xi32, #tpu.memory_space<vmem>>
      %dma_start3A_40 = arith.constant 0 : i32
      %dma_start3A_41 = arith.constant 0 : i32
      %dma_start3A_42 = tpu.memref_slice %arg2[%dma_start3A_40, %dma_start3A_41] : memref<20480x128xf32, #tpu.memory_space<hbm>> -> memref<20480x128xf32, #tpu.memory_space<hbm>>
      tpu.enqueue_indirect_dma source(%dma_start3A_42 : memref<20480x128xf32, #tpu.memory_space<hbm>>) target(%arg13 : memref<64x128xf32, #tpu.memory_space<vmem>>) offsets(%dma_start3A_39 : memref<64xi32, #tpu.memory_space<vmem>>) semaphore(%arg17 : memref<!tpu.dma_semaphore, #tpu.memory_space<semaphore_mem>>)
      %dma_start3A_43 = arith.constant 1 : i32
      %dma_start3A_44 = arith.constant 0 : i32
      %dma_start3A_45 = tpu.memref_slice %arg7[%dma_start3A_43, %dma_start3A_44] : memref<32x64xi32, #tpu.memory_space<vmem>> -> memref<1x64xi32, #tpu.memory_space<vmem>>
      %dma_start3A_46 = tpu.memref_squeeze %dma_start3A_45 : memref<1x64xi32, #tpu.memory_space<vmem>> -> memref<64xi32, #tpu.memory_space<vmem>>
      %dma_start3A_47 = arith.constant 0 : i32
      %dma_start3A_48 = arith.constant 0 : i32
      %dma_start3A_49 = tpu.memref_slice %arg2[%dma_start3A_47, %dma_start3A_48] : memref<20480x128xf32, #tpu.memory_space<hbm>> -> memref<20480x128xf32, #tpu.memory_space<hbm>>
      tpu.enqueue_indirect_dma source(%dma_start3A_49 : memref<20480x128xf32, #tpu.memory_space<hbm>>) target(%arg14 : memref<64x128xf32, #tpu.memory_space<vmem>>) offsets(%dma_start3A_46 : memref<64xi32, #tpu.memory_space<vmem>>) semaphore(%arg18 : memref<!tpu.dma_semaphore, #tpu.memory_space<semaphore_mem>>)
      %dma_start3A_50 = arith.constant 2 : i32
      %dma_start3A_51 = arith.constant 0 : i32
      %dma_start3A_52 = tpu.memref_slice %arg7[%dma_start3A_50, %dma_start3A_51] : memref<32x64xi32, #tpu.memory_space<vmem>> -> memref<1x64xi32, #tpu.memory_space<vmem>>
      %dma_start3A_53 = tpu.memref_squeeze %dma_start3A_52 : memref<1x64xi32, #tpu.memory_space<vmem>> -> memref<64xi32, #tpu.memory_space<vmem>>
      %dma_start3A_54 = arith.constant 0 : i32
      %dma_start3A_55 = arith.constant 0 : i32
      %dma_start3A_56 = tpu.memref_slice %arg2[%dma_start3A_54, %dma_start3A_55] : memref<20480x128xf32, #tpu.memory_space<hbm>> -> memref<20480x128xf32, #tpu.memory_space<hbm>>
      tpu.enqueue_indirect_dma source(%dma_start3A_56 : memref<20480x128xf32, #tpu.memory_space<hbm>>) target(%arg15 : memref<64x128xf32, #tpu.memory_space<vmem>>) offsets(%dma_start3A_53 : memref<64xi32, #tpu.memory_space<vmem>>) semaphore(%arg19 : memref<!tpu.dma_semaphore, #tpu.memory_space<semaphore_mem>>)
      %dma_start3A_57 = arith.constant 3 : i32
      %dma_start3A_58 = arith.constant 0 : i32
      %dma_start3A_59 = tpu.memref_slice %arg7[%dma_start3A_57, %dma_start3A_58] : memref<32x64xi32, #tpu.memory_space<vmem>> -> memref<1x64xi32, #tpu.memory_space<vmem>>
      %dma_start3A_60 = tpu.memref_squeeze %dma_start3A_59 : memref<1x64xi32, #tpu.memory_space<vmem>> -> memref<64xi32, #tpu.memory_space<vmem>>
      %dma_start3A_61 = arith.constant 0 : i32
      %dma_start3A_62 = arith.constant 0 : i32
      %dma_start3A_63 = tpu.memref_slice %arg2[%dma_start3A_61, %dma_start3A_62] : memref<20480x128xf32, #tpu.memory_space<hbm>> -> memref<20480x128xf32, #tpu.memory_space<hbm>>
      tpu.enqueue_indirect_dma source(%dma_start3A_63 : memref<20480x128xf32, #tpu.memory_space<hbm>>) target(%arg16 : memref<64x128xf32, #tpu.memory_space<vmem>>) offsets(%dma_start3A_60 : memref<64xi32, #tpu.memory_space<vmem>>) semaphore(%arg20 : memref<!tpu.dma_semaphore, #tpu.memory_space<semaphore_mem>>)
      %scan3A_64 = arith.constant 0 : i32
      %scan3A_65 = arith.constant 0 : i32
      %scan3A_66 = arith.constant 8 : i32
      %scan3A_67 = arith.addi %scan3A_65, %scan3A_66 : i32
      %scan3A_68 = arith.constant 1 : i32
      scf.for %scan3A_139 = %scan3A_65 to %scan3A_67 step %scan3A_68  : i32 {
        %mul3A_140 = arith.constant 4 : i32
        %mul3A_141 = arith.muli %scan3A_139, %mul3A_140 : i32
        %add3A_142 = arith.constant 0 : i32
        %add3A_143 = arith.addi %mul3A_141, %add3A_142 : i32
        %dma_wait3A = arith.constant 0 : i32
        %dma_wait3A_144 = tpu.memref_slice %arg7[%add3A_143, %dma_wait3A] : memref<32x64xi32, #tpu.memory_space<vmem>> -> memref<1x64xi32, #tpu.memory_space<vmem>>
        %dma_wait3A_145 = tpu.memref_squeeze %dma_wait3A_144 : memref<1x64xi32, #tpu.memory_space<vmem>> -> memref<64xi32, #tpu.memory_space<vmem>>
        %dma_wait3A_146 = arith.constant 0 : i32
        %dma_wait3A_147 = arith.constant 0 : i32
        %dma_wait3A_148 = tpu.memref_slice %arg2[%dma_wait3A_146, %dma_wait3A_147] : memref<20480x128xf32, #tpu.memory_space<hbm>> -> memref<20480x128xf32, #tpu.memory_space<hbm>>
        tpu.wait_indirect_dma semaphore(%arg17 : memref<!tpu.dma_semaphore, #tpu.memory_space<semaphore_mem>>) src(%dma_wait3A_148 : memref<20480x128xf32, #tpu.memory_space<hbm>>) dst(%arg13 : memref<64x128xf32, #tpu.memory_space<vmem>>)
        %add3A_149 = arith.constant 0 : i32
        %add3A_150 = arith.addi %mul3A_141, %add3A_149 : i32
        "tpu.region"() ({
          %run_scoped3A = tpu.sem_alloc : memref<!tpu.dma_semaphore, #tpu.memory_space<semaphore_mem>>
          %dma_start3A_217 = arith.constant 0 : i32
          %dma_start3A_218 = tpu.memref_slice %arg8[%add3A_150, %dma_start3A_217] : memref<32x64xi32, #tpu.memory_space<vmem>> -> memref<1x64xi32, #tpu.memory_space<vmem>>
          %dma_start3A_219 = tpu.memref_squeeze %dma_start3A_218 : memref<1x64xi32, #tpu.memory_space<vmem>> -> memref<64xi32, #tpu.memory_space<vmem>>
          %dma_start3A_220 = arith.constant 0 : i32
          %dma_start3A_221 = arith.constant 0 : i32
          %dma_start3A_222 = tpu.memref_slice %arg11[%dma_start3A_220, %dma_start3A_221] : memref<10240x128xf32, #tpu.memory_space<vmem_shared>> -> memref<10240x128xf32, #tpu.memory_space<vmem_shared>>
          tpu.enqueue_indirect_dma source(%arg13 : memref<64x128xf32, #tpu.memory_space<vmem>>) target(%dma_start3A_222 : memref<10240x128xf32, #tpu.memory_space<vmem_shared>>) offsets(%dma_start3A_219 : memref<64xi32, #tpu.memory_space<vmem>>) semaphore(%run_scoped3A : memref<!tpu.dma_semaphore, #tpu.memory_space<semaphore_mem>>) {add = true}
          %dma_wait3A_223 = arith.constant 0 : i32
          %dma_wait3A_224 = tpu.memref_slice %arg8[%add3A_150, %dma_wait3A_223] : memref<32x64xi32, #tpu.memory_space<vmem>> -> memref<1x64xi32, #tpu.memory_space<vmem>>
          %dma_wait3A_225 = tpu.memref_squeeze %dma_wait3A_224 : memref<1x64xi32, #tpu.memory_space<vmem>> -> memref<64xi32, #tpu.memory_space<vmem>>
          %dma_wait3A_226 = arith.constant 0 : i32
          %dma_wait3A_227 = arith.constant 0 : i32
          %dma_wait3A_228 = tpu.memref_slice %arg11[%dma_wait3A_226, %dma_wait3A_227] : memref<10240x128xf32, #tpu.memory_space<vmem_shared>> -> memref<10240x128xf32, #tpu.memory_space<vmem_shared>>
          tpu.wait_indirect_dma semaphore(%run_scoped3A : memref<!tpu.dma_semaphore, #tpu.memory_space<semaphore_mem>>) src(%arg13 : memref<64x128xf32, #tpu.memory_space<vmem>>) dst(%dma_wait3A_228 : memref<10240x128xf32, #tpu.memory_space<vmem_shared>>)
          tpu.yield
        }) : () -> ()
        %add3A_151 = arith.constant 0 : i32
        %add3A_152 = arith.addi %mul3A_141, %add3A_151 : i32
        %add3A_153 = arith.constant 4 : i32
        %add3A_154 = arith.addi %add3A_152, %add3A_153 : i32
        %lt3A_155 = arith.constant 32 : i32
        %lt3A_156 = arith.cmpi slt, %add3A_154, %lt3A_155 : i32
        %convert_element_type3A_157 = arith.extui %lt3A_156 : i1 to i32
        %cond3A_158 = arith.constant 0 : i32
        %cond3A_159 = arith.cmpi ne, %convert_element_type3A_157, %cond3A_158 : i32
        scf.if %cond3A_159 {
          %add3A_217 = arith.constant 0 : i32
          %add3A_218 = arith.addi %mul3A_141, %add3A_217 : i32
          %add3A_219 = arith.constant 4 : i32
          %add3A_220 = arith.addi %add3A_218, %add3A_219 : i32
          %dma_start3A_221 = arith.constant 0 : i32
          %dma_start3A_222 = tpu.memref_slice %arg7[%add3A_220, %dma_start3A_221] : memref<32x64xi32, #tpu.memory_space<vmem>> -> memref<1x64xi32, #tpu.memory_space<vmem>>
          %dma_start3A_223 = tpu.memref_squeeze %dma_start3A_222 : memref<1x64xi32, #tpu.memory_space<vmem>> -> memref<64xi32, #tpu.memory_space<vmem>>
          %dma_start3A_224 = arith.constant 0 : i32
          %dma_start3A_225 = arith.constant 0 : i32
          %dma_start3A_226 = tpu.memref_slice %arg2[%dma_start3A_224, %dma_start3A_225] : memref<20480x128xf32, #tpu.memory_space<hbm>> -> memref<20480x128xf32, #tpu.memory_space<hbm>>
          tpu.enqueue_indirect_dma source(%dma_start3A_226 : memref<20480x128xf32, #tpu.memory_space<hbm>>) target(%arg13 : memref<64x128xf32, #tpu.memory_space<vmem>>) offsets(%dma_start3A_223 : memref<64xi32, #tpu.memory_space<vmem>>) semaphore(%arg17 : memref<!tpu.dma_semaphore, #tpu.memory_space<semaphore_mem>>)
        } else {
        }
        %add3A_160 = arith.constant 1 : i32
        %add3A_161 = arith.addi %mul3A_141, %add3A_160 : i32
        %dma_wait3A_162 = arith.constant 0 : i32
        %dma_wait3A_163 = tpu.memref_slice %arg7[%add3A_161, %dma_wait3A_162] : memref<32x64xi32, #tpu.memory_space<vmem>> -> memref<1x64xi32, #tpu.memory_space<vmem>>
        %dma_wait3A_164 = tpu.memref_squeeze %dma_wait3A_163 : memref<1x64xi32, #tpu.memory_space<vmem>> -> memref<64xi32, #tpu.memory_space<vmem>>
        %dma_wait3A_165 = arith.constant 0 : i32
        %dma_wait3A_166 = arith.constant 0 : i32
        %dma_wait3A_167 = tpu.memref_slice %arg2[%dma_wait3A_165, %dma_wait3A_166] : memref<20480x128xf32, #tpu.memory_space<hbm>> -> memref<20480x128xf32, #tpu.memory_space<hbm>>
        tpu.wait_indirect_dma semaphore(%arg18 : memref<!tpu.dma_semaphore, #tpu.memory_space<semaphore_mem>>) src(%dma_wait3A_167 : memref<20480x128xf32, #tpu.memory_space<hbm>>) dst(%arg14 : memref<64x128xf32, #tpu.memory_space<vmem>>)
        %add3A_168 = arith.constant 1 : i32
        %add3A_169 = arith.addi %mul3A_141, %add3A_168 : i32
        "tpu.region"() ({
          %run_scoped3A = tpu.sem_alloc : memref<!tpu.dma_semaphore, #tpu.memory_space<semaphore_mem>>
          %dma_start3A_217 = arith.constant 0 : i32
          %dma_start3A_218 = tpu.memref_slice %arg8[%add3A_169, %dma_start3A_217] : memref<32x64xi32, #tpu.memory_space<vmem>> -> memref<1x64xi32, #tpu.memory_space<vmem>>
          %dma_start3A_219 = tpu.memref_squeeze %dma_start3A_218 : memref<1x64xi32, #tpu.memory_space<vmem>> -> memref<64xi32, #tpu.memory_space<vmem>>
          %dma_start3A_220 = arith.constant 0 : i32
          %dma_start3A_221 = arith.constant 0 : i32
          %dma_start3A_222 = tpu.memref_slice %arg11[%dma_start3A_220, %dma_start3A_221] : memref<10240x128xf32, #tpu.memory_space<vmem_shared>> -> memref<10240x128xf32, #tpu.memory_space<vmem_shared>>
          tpu.enqueue_indirect_dma source(%arg14 : memref<64x128xf32, #tpu.memory_space<vmem>>) target(%dma_start3A_222 : memref<10240x128xf32, #tpu.memory_space<vmem_shared>>) offsets(%dma_start3A_219 : memref<64xi32, #tpu.memory_space<vmem>>) semaphore(%run_scoped3A : memref<!tpu.dma_semaphore, #tpu.memory_space<semaphore_mem>>) {add = true}
          %dma_wait3A_223 = arith.constant 0 : i32
          %dma_wait3A_224 = tpu.memref_slice %arg8[%add3A_169, %dma_wait3A_223] : memref<32x64xi32, #tpu.memory_space<vmem>> -> memref<1x64xi32, #tpu.memory_space<vmem>>
          %dma_wait3A_225 = tpu.memref_squeeze %dma_wait3A_224 : memref<1x64xi32, #tpu.memory_space<vmem>> -> memref<64xi32, #tpu.memory_space<vmem>>
          %dma_wait3A_226 = arith.constant 0 : i32
          %dma_wait3A_227 = arith.constant 0 : i32
          %dma_wait3A_228 = tpu.memref_slice %arg11[%dma_wait3A_226, %dma_wait3A_227] : memref<10240x128xf32, #tpu.memory_space<vmem_shared>> -> memref<10240x128xf32, #tpu.memory_space<vmem_shared>>
          tpu.wait_indirect_dma semaphore(%run_scoped3A : memref<!tpu.dma_semaphore, #tpu.memory_space<semaphore_mem>>) src(%arg14 : memref<64x128xf32, #tpu.memory_space<vmem>>) dst(%dma_wait3A_228 : memref<10240x128xf32, #tpu.memory_space<vmem_shared>>)
          tpu.yield
        }) : () -> ()
        %add3A_170 = arith.constant 1 : i32
        %add3A_171 = arith.addi %mul3A_141, %add3A_170 : i32
        %add3A_172 = arith.constant 4 : i32
        %add3A_173 = arith.addi %add3A_171, %add3A_172 : i32
        %lt3A_174 = arith.constant 32 : i32
        %lt3A_175 = arith.cmpi slt, %add3A_173, %lt3A_174 : i32
        %convert_element_type3A_176 = arith.extui %lt3A_175 : i1 to i32
        %cond3A_177 = arith.constant 0 : i32
        %cond3A_178 = arith.cmpi ne, %convert_element_type3A_176, %cond3A_177 : i32
        scf.if %cond3A_178 {
          %add3A_217 = arith.constant 1 : i32
          %add3A_218 = arith.addi %mul3A_141, %add3A_217 : i32
          %add3A_219 = arith.constant 4 : i32
          %add3A_220 = arith.addi %add3A_218, %add3A_219 : i32
          %dma_start3A_221 = arith.constant 0 : i32
          %dma_start3A_222 = tpu.memref_slice %arg7[%add3A_220, %dma_start3A_221] : memref<32x64xi32, #tpu.memory_space<vmem>> -> memref<1x64xi32, #tpu.memory_space<vmem>>
          %dma_start3A_223 = tpu.memref_squeeze %dma_start3A_222 : memref<1x64xi32, #tpu.memory_space<vmem>> -> memref<64xi32, #tpu.memory_space<vmem>>
          %dma_start3A_224 = arith.constant 0 : i32
          %dma_start3A_225 = arith.constant 0 : i32
          %dma_start3A_226 = tpu.memref_slice %arg2[%dma_start3A_224, %dma_start3A_225] : memref<20480x128xf32, #tpu.memory_space<hbm>> -> memref<20480x128xf32, #tpu.memory_space<hbm>>
          tpu.enqueue_indirect_dma source(%dma_start3A_226 : memref<20480x128xf32, #tpu.memory_space<hbm>>) target(%arg14 : memref<64x128xf32, #tpu.memory_space<vmem>>) offsets(%dma_start3A_223 : memref<64xi32, #tpu.memory_space<vmem>>) semaphore(%arg18 : memref<!tpu.dma_semaphore, #tpu.memory_space<semaphore_mem>>)
        } else {
        }
        %add3A_179 = arith.constant 2 : i32
        %add3A_180 = arith.addi %mul3A_141, %add3A_179 : i32
        %dma_wait3A_181 = arith.constant 0 : i32
        %dma_wait3A_182 = tpu.memref_slice %arg7[%add3A_180, %dma_wait3A_181] : memref<32x64xi32, #tpu.memory_space<vmem>> -> memref<1x64xi32, #tpu.memory_space<vmem>>
        %dma_wait3A_183 = tpu.memref_squeeze %dma_wait3A_182 : memref<1x64xi32, #tpu.memory_space<vmem>> -> memref<64xi32, #tpu.memory_space<vmem>>
        %dma_wait3A_184 = arith.constant 0 : i32
        %dma_wait3A_185 = arith.constant 0 : i32
        %dma_wait3A_186 = tpu.memref_slice %arg2[%dma_wait3A_184, %dma_wait3A_185] : memref<20480x128xf32, #tpu.memory_space<hbm>> -> memref<20480x128xf32, #tpu.memory_space<hbm>>
        tpu.wait_indirect_dma semaphore(%arg19 : memref<!tpu.dma_semaphore, #tpu.memory_space<semaphore_mem>>) src(%dma_wait3A_186 : memref<20480x128xf32, #tpu.memory_space<hbm>>) dst(%arg15 : memref<64x128xf32, #tpu.memory_space<vmem>>)
        %add3A_187 = arith.constant 2 : i32
        %add3A_188 = arith.addi %mul3A_141, %add3A_187 : i32
        "tpu.region"() ({
          %run_scoped3A = tpu.sem_alloc : memref<!tpu.dma_semaphore, #tpu.memory_space<semaphore_mem>>
          %dma_start3A_217 = arith.constant 0 : i32
          %dma_start3A_218 = tpu.memref_slice %arg8[%add3A_188, %dma_start3A_217] : memref<32x64xi32, #tpu.memory_space<vmem>> -> memref<1x64xi32, #tpu.memory_space<vmem>>
          %dma_start3A_219 = tpu.memref_squeeze %dma_start3A_218 : memref<1x64xi32, #tpu.memory_space<vmem>> -> memref<64xi32, #tpu.memory_space<vmem>>
          %dma_start3A_220 = arith.constant 0 : i32
          %dma_start3A_221 = arith.constant 0 : i32
          %dma_start3A_222 = tpu.memref_slice %arg11[%dma_start3A_220, %dma_start3A_221] : memref<10240x128xf32, #tpu.memory_space<vmem_shared>> -> memref<10240x128xf32, #tpu.memory_space<vmem_shared>>
          tpu.enqueue_indirect_dma source(%arg15 : memref<64x128xf32, #tpu.memory_space<vmem>>) target(%dma_start3A_222 : memref<10240x128xf32, #tpu.memory_space<vmem_shared>>) offsets(%dma_start3A_219 : memref<64xi32, #tpu.memory_space<vmem>>) semaphore(%run_scoped3A : memref<!tpu.dma_semaphore, #tpu.memory_space<semaphore_mem>>) {add = true}
          %dma_wait3A_223 = arith.constant 0 : i32
          %dma_wait3A_224 = tpu.memref_slice %arg8[%add3A_188, %dma_wait3A_223] : memref<32x64xi32, #tpu.memory_space<vmem>> -> memref<1x64xi32, #tpu.memory_space<vmem>>
          %dma_wait3A_225 = tpu.memref_squeeze %dma_wait3A_224 : memref<1x64xi32, #tpu.memory_space<vmem>> -> memref<64xi32, #tpu.memory_space<vmem>>
          %dma_wait3A_226 = arith.constant 0 : i32
          %dma_wait3A_227 = arith.constant 0 : i32
          %dma_wait3A_228 = tpu.memref_slice %arg11[%dma_wait3A_226, %dma_wait3A_227] : memref<10240x128xf32, #tpu.memory_space<vmem_shared>> -> memref<10240x128xf32, #tpu.memory_space<vmem_shared>>
          tpu.wait_indirect_dma semaphore(%run_scoped3A : memref<!tpu.dma_semaphore, #tpu.memory_space<semaphore_mem>>) src(%arg15 : memref<64x128xf32, #tpu.memory_space<vmem>>) dst(%dma_wait3A_228 : memref<10240x128xf32, #tpu.memory_space<vmem_shared>>)
          tpu.yield
        }) : () -> ()
        %add3A_189 = arith.constant 2 : i32
        %add3A_190 = arith.addi %mul3A_141, %add3A_189 : i32
        %add3A_191 = arith.constant 4 : i32
        %add3A_192 = arith.addi %add3A_190, %add3A_191 : i32
        %lt3A_193 = arith.constant 32 : i32
        %lt3A_194 = arith.cmpi slt, %add3A_192, %lt3A_193 : i32
        %convert_element_type3A_195 = arith.extui %lt3A_194 : i1 to i32
        %cond3A_196 = arith.constant 0 : i32
        %cond3A_197 = arith.cmpi ne, %convert_element_type3A_195, %cond3A_196 : i32
        scf.if %cond3A_197 {
          %add3A_217 = arith.constant 2 : i32
          %add3A_218 = arith.addi %mul3A_141, %add3A_217 : i32
          %add3A_219 = arith.constant 4 : i32
          %add3A_220 = arith.addi %add3A_218, %add3A_219 : i32
          %dma_start3A_221 = arith.constant 0 : i32
          %dma_start3A_222 = tpu.memref_slice %arg7[%add3A_220, %dma_start3A_221] : memref<32x64xi32, #tpu.memory_space<vmem>> -> memref<1x64xi32, #tpu.memory_space<vmem>>
          %dma_start3A_223 = tpu.memref_squeeze %dma_start3A_222 : memref<1x64xi32, #tpu.memory_space<vmem>> -> memref<64xi32, #tpu.memory_space<vmem>>
          %dma_start3A_224 = arith.constant 0 : i32
          %dma_start3A_225 = arith.constant 0 : i32
          %dma_start3A_226 = tpu.memref_slice %arg2[%dma_start3A_224, %dma_start3A_225] : memref<20480x128xf32, #tpu.memory_space<hbm>> -> memref<20480x128xf32, #tpu.memory_space<hbm>>
          tpu.enqueue_indirect_dma source(%dma_start3A_226 : memref<20480x128xf32, #tpu.memory_space<hbm>>) target(%arg15 : memref<64x128xf32, #tpu.memory_space<vmem>>) offsets(%dma_start3A_223 : memref<64xi32, #tpu.memory_space<vmem>>) semaphore(%arg19 : memref<!tpu.dma_semaphore, #tpu.memory_space<semaphore_mem>>)
        } else {
        }
        %add3A_198 = arith.constant 3 : i32
        %add3A_199 = arith.addi %mul3A_141, %add3A_198 : i32
        %dma_wait3A_200 = arith.constant 0 : i32
        %dma_wait3A_201 = tpu.memref_slice %arg7[%add3A_199, %dma_wait3A_200] : memref<32x64xi32, #tpu.memory_space<vmem>> -> memref<1x64xi32, #tpu.memory_space<vmem>>
        %dma_wait3A_202 = tpu.memref_squeeze %dma_wait3A_201 : memref<1x64xi32, #tpu.memory_space<vmem>> -> memref<64xi32, #tpu.memory_space<vmem>>
        %dma_wait3A_203 = arith.constant 0 : i32
        %dma_wait3A_204 = arith.constant 0 : i32
        %dma_wait3A_205 = tpu.memref_slice %arg2[%dma_wait3A_203, %dma_wait3A_204] : memref<20480x128xf32, #tpu.memory_space<hbm>> -> memref<20480x128xf32, #tpu.memory_space<hbm>>
        tpu.wait_indirect_dma semaphore(%arg20 : memref<!tpu.dma_semaphore, #tpu.memory_space<semaphore_mem>>) src(%dma_wait3A_205 : memref<20480x128xf32, #tpu.memory_space<hbm>>) dst(%arg16 : memref<64x128xf32, #tpu.memory_space<vmem>>)
        %add3A_206 = arith.constant 3 : i32
        %add3A_207 = arith.addi %mul3A_141, %add3A_206 : i32
        "tpu.region"() ({
          %run_scoped3A = tpu.sem_alloc : memref<!tpu.dma_semaphore, #tpu.memory_space<semaphore_mem>>
          %dma_start3A_217 = arith.constant 0 : i32
          %dma_start3A_218 = tpu.memref_slice %arg8[%add3A_207, %dma_start3A_217] : memref<32x64xi32, #tpu.memory_space<vmem>> -> memref<1x64xi32, #tpu.memory_space<vmem>>
          %dma_start3A_219 = tpu.memref_squeeze %dma_start3A_218 : memref<1x64xi32, #tpu.memory_space<vmem>> -> memref<64xi32, #tpu.memory_space<vmem>>
          %dma_start3A_220 = arith.constant 0 : i32
          %dma_start3A_221 = arith.constant 0 : i32
          %dma_start3A_222 = tpu.memref_slice %arg11[%dma_start3A_220, %dma_start3A_221] : memref<10240x128xf32, #tpu.memory_space<vmem_shared>> -> memref<10240x128xf32, #tpu.memory_space<vmem_shared>>
          tpu.enqueue_indirect_dma source(%arg16 : memref<64x128xf32, #tpu.memory_space<vmem>>) target(%dma_start3A_222 : memref<10240x128xf32, #tpu.memory_space<vmem_shared>>) offsets(%dma_start3A_219 : memref<64xi32, #tpu.memory_space<vmem>>) semaphore(%run_scoped3A : memref<!tpu.dma_semaphore, #tpu.memory_space<semaphore_mem>>) {add = true}
          %dma_wait3A_223 = arith.constant 0 : i32
          %dma_wait3A_224 = tpu.memref_slice %arg8[%add3A_207, %dma_wait3A_223] : memref<32x64xi32, #tpu.memory_space<vmem>> -> memref<1x64xi32, #tpu.memory_space<vmem>>
          %dma_wait3A_225 = tpu.memref_squeeze %dma_wait3A_224 : memref<1x64xi32, #tpu.memory_space<vmem>> -> memref<64xi32, #tpu.memory_space<vmem>>
          %dma_wait3A_226 = arith.constant 0 : i32
          %dma_wait3A_227 = arith.constant 0 : i32
          %dma_wait3A_228 = tpu.memref_slice %arg11[%dma_wait3A_226, %dma_wait3A_227] : memref<10240x128xf32, #tpu.memory_space<vmem_shared>> -> memref<10240x128xf32, #tpu.memory_space<vmem_shared>>
          tpu.wait_indirect_dma semaphore(%run_scoped3A : memref<!tpu.dma_semaphore, #tpu.memory_space<semaphore_mem>>) src(%arg16 : memref<64x128xf32, #tpu.memory_space<vmem>>) dst(%dma_wait3A_228 : memref<10240x128xf32, #tpu.memory_space<vmem_shared>>)
          tpu.yield
        }) : () -> ()
        %add3A_208 = arith.constant 3 : i32
        %add3A_209 = arith.addi %mul3A_141, %add3A_208 : i32
        %add3A_210 = arith.constant 4 : i32
        %add3A_211 = arith.addi %add3A_209, %add3A_210 : i32
        %lt3A_212 = arith.constant 32 : i32
        %lt3A_213 = arith.cmpi slt, %add3A_211, %lt3A_212 : i32
        %convert_element_type3A_214 = arith.extui %lt3A_213 : i1 to i32
        %cond3A_215 = arith.constant 0 : i32
        %cond3A_216 = arith.cmpi ne, %convert_element_type3A_214, %cond3A_215 : i32
        scf.if %cond3A_216 {
          %add3A_217 = arith.constant 3 : i32
          %add3A_218 = arith.addi %mul3A_141, %add3A_217 : i32
          %add3A_219 = arith.constant 4 : i32
          %add3A_220 = arith.addi %add3A_218, %add3A_219 : i32
          %dma_start3A_221 = arith.constant 0 : i32
          %dma_start3A_222 = tpu.memref_slice %arg7[%add3A_220, %dma_start3A_221] : memref<32x64xi32, #tpu.memory_space<vmem>> -> memref<1x64xi32, #tpu.memory_space<vmem>>
          %dma_start3A_223 = tpu.memref_squeeze %dma_start3A_222 : memref<1x64xi32, #tpu.memory_space<vmem>> -> memref<64xi32, #tpu.memory_space<vmem>>
          %dma_start3A_224 = arith.constant 0 : i32
          %dma_start3A_225 = arith.constant 0 : i32
          %dma_start3A_226 = tpu.memref_slice %arg2[%dma_start3A_224, %dma_start3A_225] : memref<20480x128xf32, #tpu.memory_space<hbm>> -> memref<20480x128xf32, #tpu.memory_space<hbm>>
          tpu.enqueue_indirect_dma source(%dma_start3A_226 : memref<20480x128xf32, #tpu.memory_space<hbm>>) target(%arg16 : memref<64x128xf32, #tpu.memory_space<vmem>>) offsets(%dma_start3A_223 : memref<64xi32, #tpu.memory_space<vmem>>) semaphore(%arg20 : memref<!tpu.dma_semaphore, #tpu.memory_space<semaphore_mem>>)
        } else {
        }
      }
      %scan3A_69 = arith.constant 8 : i32
      %add3A_70 = arith.constant 1 : i32
      %add3A_71 = arith.addi %mul3A_22, %add3A_70 : i32
      %lt3A_72 = arith.constant 10 : i32
      %lt3A_73 = arith.cmpi slt, %add3A_71, %lt3A_72 : i32
      %convert_element_type3A_74 = arith.extui %lt3A_73 : i1 to i32
      %cond3A_75 = arith.constant 0 : i32
      %cond3A_76 = arith.cmpi ne, %convert_element_type3A_74, %cond3A_75 : i32
      scf.if %cond3A_76 {
        %dma_wait3A = arith.constant 0 : i32
        %dma_wait3A_139 = tpu.memref_slice %arg3[%add3A_27, %dma_wait3A] : memref<10240x64xi32, #tpu.memory_space<hbm>> -> memref<32x64xi32, #tpu.memory_space<hbm>>
        %dma_wait3A_140 = arith.constant 0 : i32
        %dma_wait3A_141 = tpu.memref_slice %arg3[%add3A_27, %dma_wait3A_140] : memref<10240x64xi32, #tpu.memory_space<hbm>> -> memref<32x64xi32, #tpu.memory_space<hbm>>
        tpu.wait_dma2 semaphore(%arg12 : memref<!tpu.dma_semaphore, #tpu.memory_space<semaphore_mem>>) src(%dma_wait3A_141 : memref<32x64xi32, #tpu.memory_space<hbm>>) dst(%arg9 : memref<32x64xi32, #tpu.memory_space<vmem>>)
        %dma_wait3A_142 = arith.constant 0 : i32
        %dma_wait3A_143 = tpu.memref_slice %arg4[%add3A_32, %dma_wait3A_142] : memref<5120x64xi32, #tpu.memory_space<hbm>> -> memref<32x64xi32, #tpu.memory_space<hbm>>
        %dma_wait3A_144 = arith.constant 0 : i32
        %dma_wait3A_145 = tpu.memref_slice %arg4[%add3A_32, %dma_wait3A_144] : memref<5120x64xi32, #tpu.memory_space<hbm>> -> memref<32x64xi32, #tpu.memory_space<hbm>>
        tpu.wait_dma2 semaphore(%arg12 : memref<!tpu.dma_semaphore, #tpu.memory_space<semaphore_mem>>) src(%dma_wait3A_145 : memref<32x64xi32, #tpu.memory_space<hbm>>) dst(%arg10 : memref<32x64xi32, #tpu.memory_space<vmem>>)
      } else {
      }
      %mul3A_77 = arith.constant 2 : i32
      %mul3A_78 = arith.muli %mul3A_77, %scan3A_20 : i32
      %add3A_79 = arith.constant 1 : i32
      %add3A_80 = arith.addi %mul3A_78, %add3A_79 : i32
      %add3A_81 = arith.constant 1 : i32
      %add3A_82 = arith.addi %add3A_80, %add3A_81 : i32
      %mul3A_83 = arith.constant 32 : i32
      %mul3A_84 = arith.muli %add3A_82, %mul3A_83 : i32
      %add3A_85 = arith.addi %add3A, %mul3A_84 : i32
      %add3A_86 = arith.constant 1 : i32
      %add3A_87 = arith.addi %add3A_80, %add3A_86 : i32
      %mul3A_88 = arith.constant 32 : i32
      %mul3A_89 = arith.muli %add3A_87, %mul3A_88 : i32
      %add3A_90 = arith.addi %mul3A_4, %mul3A_89 : i32
      %add3A_91 = arith.constant 1 : i32
      %add3A_92 = arith.addi %add3A_80, %add3A_91 : i32
      %lt3A_93 = arith.constant 10 : i32
      %lt3A_94 = arith.cmpi slt, %add3A_92, %lt3A_93 : i32
      %convert_element_type3A_95 = arith.extui %lt3A_94 : i1 to i32
      %cond3A_96 = arith.constant 0 : i32
      %cond3A_97 = arith.cmpi ne, %convert_element_type3A_95, %cond3A_96 : i32
      scf.if %cond3A_97 {
        %dma_start3A_139 = arith.constant 0 : i32
        %dma_start3A_140 = tpu.memref_slice %arg3[%add3A_85, %dma_start3A_139] : memref<10240x64xi32, #tpu.memory_space<hbm>> -> memref<32x64xi32, #tpu.memory_space<hbm>>
        %dma_start3A_141 = arith.constant 0 : i32
        %dma_start3A_142 = tpu.memref_slice %arg3[%add3A_85, %dma_start3A_141] : memref<10240x64xi32, #tpu.memory_space<hbm>> -> memref<32x64xi32, #tpu.memory_space<hbm>>
        tpu.enqueue_dma source(%dma_start3A_142 : memref<32x64xi32, #tpu.memory_space<hbm>>) target(%arg7 : memref<32x64xi32, #tpu.memory_space<vmem>>) target_semaphore(%arg12 : memref<!tpu.dma_semaphore, #tpu.memory_space<semaphore_mem>>)
        %dma_start3A_143 = arith.constant 0 : i32
        %dma_start3A_144 = tpu.memref_slice %arg4[%add3A_90, %dma_start3A_143] : memref<5120x64xi32, #tpu.memory_space<hbm>> -> memref<32x64xi32, #tpu.memory_space<hbm>>
        %dma_start3A_145 = arith.constant 0 : i32
        %dma_start3A_146 = tpu.memref_slice %arg4[%add3A_90, %dma_start3A_145] : memref<5120x64xi32, #tpu.memory_space<hbm>> -> memref<32x64xi32, #tpu.memory_space<hbm>>
        tpu.enqueue_dma source(%dma_start3A_146 : memref<32x64xi32, #tpu.memory_space<hbm>>) target(%arg8 : memref<32x64xi32, #tpu.memory_space<vmem>>) target_semaphore(%arg12 : memref<!tpu.dma_semaphore, #tpu.memory_space<semaphore_mem>>)
      } else {
      }
      %dma_start3A_98 = arith.constant 0 : i32
      %dma_start3A_99 = arith.constant 0 : i32
      %dma_start3A_100 = tpu.memref_slice %arg9[%dma_start3A_98, %dma_start3A_99] : memref<32x64xi32, #tpu.memory_space<vmem>> -> memref<1x64xi32, #tpu.memory_space<vmem>>
      %dma_start3A_101 = tpu.memref_squeeze %dma_start3A_100 : memref<1x64xi32, #tpu.memory_space<vmem>> -> memref<64xi32, #tpu.memory_space<vmem>>
      %dma_start3A_102 = arith.constant 0 : i32
      %dma_start3A_103 = arith.constant 0 : i32
      %dma_start3A_104 = tpu.memref_slice %arg2[%dma_start3A_102, %dma_start3A_103] : memref<20480x128xf32, #tpu.memory_space<hbm>> -> memref<20480x128xf32, #tpu.memory_space<hbm>>
      tpu.enqueue_indirect_dma source(%dma_start3A_104 : memref<20480x128xf32, #tpu.memory_space<hbm>>) target(%arg13 : memref<64x128xf32, #tpu.memory_space<vmem>>) offsets(%dma_start3A_101 : memref<64xi32, #tpu.memory_space<vmem>>) semaphore(%arg17 : memref<!tpu.dma_semaphore, #tpu.memory_space<semaphore_mem>>)
      %dma_start3A_105 = arith.constant 1 : i32
      %dma_start3A_106 = arith.constant 0 : i32
      %dma_start3A_107 = tpu.memref_slice %arg9[%dma_start3A_105, %dma_start3A_106] : memref<32x64xi32, #tpu.memory_space<vmem>> -> memref<1x64xi32, #tpu.memory_space<vmem>>
      %dma_start3A_108 = tpu.memref_squeeze %dma_start3A_107 : memref<1x64xi32, #tpu.memory_space<vmem>> -> memref<64xi32, #tpu.memory_space<vmem>>
      %dma_start3A_109 = arith.constant 0 : i32
      %dma_start3A_110 = arith.constant 0 : i32
      %dma_start3A_111 = tpu.memref_slice %arg2[%dma_start3A_109, %dma_start3A_110] : memref<20480x128xf32, #tpu.memory_space<hbm>> -> memref<20480x128xf32, #tpu.memory_space<hbm>>
      tpu.enqueue_indirect_dma source(%dma_start3A_111 : memref<20480x128xf32, #tpu.memory_space<hbm>>) target(%arg14 : memref<64x128xf32, #tpu.memory_space<vmem>>) offsets(%dma_start3A_108 : memref<64xi32, #tpu.memory_space<vmem>>) semaphore(%arg18 : memref<!tpu.dma_semaphore, #tpu.memory_space<semaphore_mem>>)
      %dma_start3A_112 = arith.constant 2 : i32
      %dma_start3A_113 = arith.constant 0 : i32
      %dma_start3A_114 = tpu.memref_slice %arg9[%dma_start3A_112, %dma_start3A_113] : memref<32x64xi32, #tpu.memory_space<vmem>> -> memref<1x64xi32, #tpu.memory_space<vmem>>
      %dma_start3A_115 = tpu.memref_squeeze %dma_start3A_114 : memref<1x64xi32, #tpu.memory_space<vmem>> -> memref<64xi32, #tpu.memory_space<vmem>>
      %dma_start3A_116 = arith.constant 0 : i32
      %dma_start3A_117 = arith.constant 0 : i32
      %dma_start3A_118 = tpu.memref_slice %arg2[%dma_start3A_116, %dma_start3A_117] : memref<20480x128xf32, #tpu.memory_space<hbm>> -> memref<20480x128xf32, #tpu.memory_space<hbm>>
      tpu.enqueue_indirect_dma source(%dma_start3A_118 : memref<20480x128xf32, #tpu.memory_space<hbm>>) target(%arg15 : memref<64x128xf32, #tpu.memory_space<vmem>>) offsets(%dma_start3A_115 : memref<64xi32, #tpu.memory_space<vmem>>) semaphore(%arg19 : memref<!tpu.dma_semaphore, #tpu.memory_space<semaphore_mem>>)
      %dma_start3A_119 = arith.constant 3 : i32
      %dma_start3A_120 = arith.constant 0 : i32
      %dma_start3A_121 = tpu.memref_slice %arg9[%dma_start3A_119, %dma_start3A_120] : memref<32x64xi32, #tpu.memory_space<vmem>> -> memref<1x64xi32, #tpu.memory_space<vmem>>
      %dma_start3A_122 = tpu.memref_squeeze %dma_start3A_121 : memref<1x64xi32, #tpu.memory_space<vmem>> -> memref<64xi32, #tpu.memory_space<vmem>>
      %dma_start3A_123 = arith.constant 0 : i32
      %dma_start3A_124 = arith.constant 0 : i32
      %dma_start3A_125 = tpu.memref_slice %arg2[%dma_start3A_123, %dma_start3A_124] : memref<20480x128xf32, #tpu.memory_space<hbm>> -> memref<20480x128xf32, #tpu.memory_space<hbm>>
      tpu.enqueue_indirect_dma source(%dma_start3A_125 : memref<20480x128xf32, #tpu.memory_space<hbm>>) target(%arg16 : memref<64x128xf32, #tpu.memory_space<vmem>>) offsets(%dma_start3A_122 : memref<64xi32, #tpu.memory_space<vmem>>) semaphore(%arg20 : memref<!tpu.dma_semaphore, #tpu.memory_space<semaphore_mem>>)
      %scan3A_126 = arith.constant 0 : i32
      %scan3A_127 = arith.constant 0 : i32
      %scan3A_128 = arith.constant 8 : i32
      %scan3A_129 = arith.addi %scan3A_127, %scan3A_128 : i32
      %scan3A_130 = arith.constant 1 : i32
      scf.for %scan3A_139 = %scan3A_127 to %scan3A_129 step %scan3A_130  : i32 {
        %mul3A_140 = arith.constant 4 : i32
        %mul3A_141 = arith.muli %scan3A_139, %mul3A_140 : i32
        %add3A_142 = arith.constant 0 : i32
        %add3A_143 = arith.addi %mul3A_141, %add3A_142 : i32
        %dma_wait3A = arith.constant 0 : i32
        %dma_wait3A_144 = tpu.memref_slice %arg9[%add3A_143, %dma_wait3A] : memref<32x64xi32, #tpu.memory_space<vmem>> -> memref<1x64xi32, #tpu.memory_space<vmem>>
        %dma_wait3A_145 = tpu.memref_squeeze %dma_wait3A_144 : memref<1x64xi32, #tpu.memory_space<vmem>> -> memref<64xi32, #tpu.memory_space<vmem>>
        %dma_wait3A_146 = arith.constant 0 : i32
        %dma_wait3A_147 = arith.constant 0 : i32
        %dma_wait3A_148 = tpu.memref_slice %arg2[%dma_wait3A_146, %dma_wait3A_147] : memref<20480x128xf32, #tpu.memory_space<hbm>> -> memref<20480x128xf32, #tpu.memory_space<hbm>>
        tpu.wait_indirect_dma semaphore(%arg17 : memref<!tpu.dma_semaphore, #tpu.memory_space<semaphore_mem>>) src(%dma_wait3A_148 : memref<20480x128xf32, #tpu.memory_space<hbm>>) dst(%arg13 : memref<64x128xf32, #tpu.memory_space<vmem>>)
        %add3A_149 = arith.constant 0 : i32
        %add3A_150 = arith.addi %mul3A_141, %add3A_149 : i32
        "tpu.region"() ({
          %run_scoped3A = tpu.sem_alloc : memref<!tpu.dma_semaphore, #tpu.memory_space<semaphore_mem>>
          %dma_start3A_217 = arith.constant 0 : i32
          %dma_start3A_218 = tpu.memref_slice %arg10[%add3A_150, %dma_start3A_217] : memref<32x64xi32, #tpu.memory_space<vmem>> -> memref<1x64xi32, #tpu.memory_space<vmem>>
          %dma_start3A_219 = tpu.memref_squeeze %dma_start3A_218 : memref<1x64xi32, #tpu.memory_space<vmem>> -> memref<64xi32, #tpu.memory_space<vmem>>
          %dma_start3A_220 = arith.constant 0 : i32
          %dma_start3A_221 = arith.constant 0 : i32
          %dma_start3A_222 = tpu.memref_slice %arg11[%dma_start3A_220, %dma_start3A_221] : memref<10240x128xf32, #tpu.memory_space<vmem_shared>> -> memref<10240x128xf32, #tpu.memory_space<vmem_shared>>
          tpu.enqueue_indirect_dma source(%arg13 : memref<64x128xf32, #tpu.memory_space<vmem>>) target(%dma_start3A_222 : memref<10240x128xf32, #tpu.memory_space<vmem_shared>>) offsets(%dma_start3A_219 : memref<64xi32, #tpu.memory_space<vmem>>) semaphore(%run_scoped3A : memref<!tpu.dma_semaphore, #tpu.memory_space<semaphore_mem>>) {add = true}
          %dma_wait3A_223 = arith.constant 0 : i32
          %dma_wait3A_224 = tpu.memref_slice %arg10[%add3A_150, %dma_wait3A_223] : memref<32x64xi32, #tpu.memory_space<vmem>> -> memref<1x64xi32, #tpu.memory_space<vmem>>
          %dma_wait3A_225 = tpu.memref_squeeze %dma_wait3A_224 : memref<1x64xi32, #tpu.memory_space<vmem>> -> memref<64xi32, #tpu.memory_space<vmem>>
          %dma_wait3A_226 = arith.constant 0 : i32
          %dma_wait3A_227 = arith.constant 0 : i32
          %dma_wait3A_228 = tpu.memref_slice %arg11[%dma_wait3A_226, %dma_wait3A_227] : memref<10240x128xf32, #tpu.memory_space<vmem_shared>> -> memref<10240x128xf32, #tpu.memory_space<vmem_shared>>
          tpu.wait_indirect_dma semaphore(%run_scoped3A : memref<!tpu.dma_semaphore, #tpu.memory_space<semaphore_mem>>) src(%arg13 : memref<64x128xf32, #tpu.memory_space<vmem>>) dst(%dma_wait3A_228 : memref<10240x128xf32, #tpu.memory_space<vmem_shared>>)
          tpu.yield
        }) : () -> ()
        %add3A_151 = arith.constant 0 : i32
        %add3A_152 = arith.addi %mul3A_141, %add3A_151 : i32
        %add3A_153 = arith.constant 4 : i32
        %add3A_154 = arith.addi %add3A_152, %add3A_153 : i32
        %lt3A_155 = arith.constant 32 : i32
        %lt3A_156 = arith.cmpi slt, %add3A_154, %lt3A_155 : i32
        %convert_element_type3A_157 = arith.extui %lt3A_156 : i1 to i32
        %cond3A_158 = arith.constant 0 : i32
        %cond3A_159 = arith.cmpi ne, %convert_element_type3A_157, %cond3A_158 : i32
        scf.if %cond3A_159 {
          %add3A_217 = arith.constant 0 : i32
          %add3A_218 = arith.addi %mul3A_141, %add3A_217 : i32
          %add3A_219 = arith.constant 4 : i32
          %add3A_220 = arith.addi %add3A_218, %add3A_219 : i32
          %dma_start3A_221 = arith.constant 0 : i32
          %dma_start3A_222 = tpu.memref_slice %arg9[%add3A_220, %dma_start3A_221] : memref<32x64xi32, #tpu.memory_space<vmem>> -> memref<1x64xi32, #tpu.memory_space<vmem>>
          %dma_start3A_223 = tpu.memref_squeeze %dma_start3A_222 : memref<1x64xi32, #tpu.memory_space<vmem>> -> memref<64xi32, #tpu.memory_space<vmem>>
          %dma_start3A_224 = arith.constant 0 : i32
          %dma_start3A_225 = arith.constant 0 : i32
          %dma_start3A_226 = tpu.memref_slice %arg2[%dma_start3A_224, %dma_start3A_225] : memref<20480x128xf32, #tpu.memory_space<hbm>> -> memref<20480x128xf32, #tpu.memory_space<hbm>>
          tpu.enqueue_indirect_dma source(%dma_start3A_226 : memref<20480x128xf32, #tpu.memory_space<hbm>>) target(%arg13 : memref<64x128xf32, #tpu.memory_space<vmem>>) offsets(%dma_start3A_223 : memref<64xi32, #tpu.memory_space<vmem>>) semaphore(%arg17 : memref<!tpu.dma_semaphore, #tpu.memory_space<semaphore_mem>>)
        } else {
        }
        %add3A_160 = arith.constant 1 : i32
        %add3A_161 = arith.addi %mul3A_141, %add3A_160 : i32
        %dma_wait3A_162 = arith.constant 0 : i32
        %dma_wait3A_163 = tpu.memref_slice %arg9[%add3A_161, %dma_wait3A_162] : memref<32x64xi32, #tpu.memory_space<vmem>> -> memref<1x64xi32, #tpu.memory_space<vmem>>
        %dma_wait3A_164 = tpu.memref_squeeze %dma_wait3A_163 : memref<1x64xi32, #tpu.memory_space<vmem>> -> memref<64xi32, #tpu.memory_space<vmem>>
        %dma_wait3A_165 = arith.constant 0 : i32
        %dma_wait3A_166 = arith.constant 0 : i32
        %dma_wait3A_167 = tpu.memref_slice %arg2[%dma_wait3A_165, %dma_wait3A_166] : memref<20480x128xf32, #tpu.memory_space<hbm>> -> memref<20480x128xf32, #tpu.memory_space<hbm>>
        tpu.wait_indirect_dma semaphore(%arg18 : memref<!tpu.dma_semaphore, #tpu.memory_space<semaphore_mem>>) src(%dma_wait3A_167 : memref<20480x128xf32, #tpu.memory_space<hbm>>) dst(%arg14 : memref<64x128xf32, #tpu.memory_space<vmem>>)
        %add3A_168 = arith.constant 1 : i32
        %add3A_169 = arith.addi %mul3A_141, %add3A_168 : i32
        "tpu.region"() ({
          %run_scoped3A = tpu.sem_alloc : memref<!tpu.dma_semaphore, #tpu.memory_space<semaphore_mem>>
          %dma_start3A_217 = arith.constant 0 : i32
          %dma_start3A_218 = tpu.memref_slice %arg10[%add3A_169, %dma_start3A_217] : memref<32x64xi32, #tpu.memory_space<vmem>> -> memref<1x64xi32, #tpu.memory_space<vmem>>
          %dma_start3A_219 = tpu.memref_squeeze %dma_start3A_218 : memref<1x64xi32, #tpu.memory_space<vmem>> -> memref<64xi32, #tpu.memory_space<vmem>>
          %dma_start3A_220 = arith.constant 0 : i32
          %dma_start3A_221 = arith.constant 0 : i32
          %dma_start3A_222 = tpu.memref_slice %arg11[%dma_start3A_220, %dma_start3A_221] : memref<10240x128xf32, #tpu.memory_space<vmem_shared>> -> memref<10240x128xf32, #tpu.memory_space<vmem_shared>>
          tpu.enqueue_indirect_dma source(%arg14 : memref<64x128xf32, #tpu.memory_space<vmem>>) target(%dma_start3A_222 : memref<10240x128xf32, #tpu.memory_space<vmem_shared>>) offsets(%dma_start3A_219 : memref<64xi32, #tpu.memory_space<vmem>>) semaphore(%run_scoped3A : memref<!tpu.dma_semaphore, #tpu.memory_space<semaphore_mem>>) {add = true}
          %dma_wait3A_223 = arith.constant 0 : i32
          %dma_wait3A_224 = tpu.memref_slice %arg10[%add3A_169, %dma_wait3A_223] : memref<32x64xi32, #tpu.memory_space<vmem>> -> memref<1x64xi32, #tpu.memory_space<vmem>>
          %dma_wait3A_225 = tpu.memref_squeeze %dma_wait3A_224 : memref<1x64xi32, #tpu.memory_space<vmem>> -> memref<64xi32, #tpu.memory_space<vmem>>
          %dma_wait3A_226 = arith.constant 0 : i32
          %dma_wait3A_227 = arith.constant 0 : i32
          %dma_wait3A_228 = tpu.memref_slice %arg11[%dma_wait3A_226, %dma_wait3A_227] : memref<10240x128xf32, #tpu.memory_space<vmem_shared>> -> memref<10240x128xf32, #tpu.memory_space<vmem_shared>>
          tpu.wait_indirect_dma semaphore(%run_scoped3A : memref<!tpu.dma_semaphore, #tpu.memory_space<semaphore_mem>>) src(%arg14 : memref<64x128xf32, #tpu.memory_space<vmem>>) dst(%dma_wait3A_228 : memref<10240x128xf32, #tpu.memory_space<vmem_shared>>)
          tpu.yield
        }) : () -> ()
        %add3A_170 = arith.constant 1 : i32
        %add3A_171 = arith.addi %mul3A_141, %add3A_170 : i32
        %add3A_172 = arith.constant 4 : i32
        %add3A_173 = arith.addi %add3A_171, %add3A_172 : i32
        %lt3A_174 = arith.constant 32 : i32
        %lt3A_175 = arith.cmpi slt, %add3A_173, %lt3A_174 : i32
        %convert_element_type3A_176 = arith.extui %lt3A_175 : i1 to i32
        %cond3A_177 = arith.constant 0 : i32
        %cond3A_178 = arith.cmpi ne, %convert_element_type3A_176, %cond3A_177 : i32
        scf.if %cond3A_178 {
          %add3A_217 = arith.constant 1 : i32
          %add3A_218 = arith.addi %mul3A_141, %add3A_217 : i32
          %add3A_219 = arith.constant 4 : i32
          %add3A_220 = arith.addi %add3A_218, %add3A_219 : i32
          %dma_start3A_221 = arith.constant 0 : i32
          %dma_start3A_222 = tpu.memref_slice %arg9[%add3A_220, %dma_start3A_221] : memref<32x64xi32, #tpu.memory_space<vmem>> -> memref<1x64xi32, #tpu.memory_space<vmem>>
          %dma_start3A_223 = tpu.memref_squeeze %dma_start3A_222 : memref<1x64xi32, #tpu.memory_space<vmem>> -> memref<64xi32, #tpu.memory_space<vmem>>
          %dma_start3A_224 = arith.constant 0 : i32
          %dma_start3A_225 = arith.constant 0 : i32
          %dma_start3A_226 = tpu.memref_slice %arg2[%dma_start3A_224, %dma_start3A_225] : memref<20480x128xf32, #tpu.memory_space<hbm>> -> memref<20480x128xf32, #tpu.memory_space<hbm>>
          tpu.enqueue_indirect_dma source(%dma_start3A_226 : memref<20480x128xf32, #tpu.memory_space<hbm>>) target(%arg14 : memref<64x128xf32, #tpu.memory_space<vmem>>) offsets(%dma_start3A_223 : memref<64xi32, #tpu.memory_space<vmem>>) semaphore(%arg18 : memref<!tpu.dma_semaphore, #tpu.memory_space<semaphore_mem>>)
        } else {
        }
        %add3A_179 = arith.constant 2 : i32
        %add3A_180 = arith.addi %mul3A_141, %add3A_179 : i32
        %dma_wait3A_181 = arith.constant 0 : i32
        %dma_wait3A_182 = tpu.memref_slice %arg9[%add3A_180, %dma_wait3A_181] : memref<32x64xi32, #tpu.memory_space<vmem>> -> memref<1x64xi32, #tpu.memory_space<vmem>>
        %dma_wait3A_183 = tpu.memref_squeeze %dma_wait3A_182 : memref<1x64xi32, #tpu.memory_space<vmem>> -> memref<64xi32, #tpu.memory_space<vmem>>
        %dma_wait3A_184 = arith.constant 0 : i32
        %dma_wait3A_185 = arith.constant 0 : i32
        %dma_wait3A_186 = tpu.memref_slice %arg2[%dma_wait3A_184, %dma_wait3A_185] : memref<20480x128xf32, #tpu.memory_space<hbm>> -> memref<20480x128xf32, #tpu.memory_space<hbm>>
        tpu.wait_indirect_dma semaphore(%arg19 : memref<!tpu.dma_semaphore, #tpu.memory_space<semaphore_mem>>) src(%dma_wait3A_186 : memref<20480x128xf32, #tpu.memory_space<hbm>>) dst(%arg15 : memref<64x128xf32, #tpu.memory_space<vmem>>)
        %add3A_187 = arith.constant 2 : i32
        %add3A_188 = arith.addi %mul3A_141, %add3A_187 : i32
        "tpu.region"() ({
          %run_scoped3A = tpu.sem_alloc : memref<!tpu.dma_semaphore, #tpu.memory_space<semaphore_mem>>
          %dma_start3A_217 = arith.constant 0 : i32
          %dma_start3A_218 = tpu.memref_slice %arg10[%add3A_188, %dma_start3A_217] : memref<32x64xi32, #tpu.memory_space<vmem>> -> memref<1x64xi32, #tpu.memory_space<vmem>>
          %dma_start3A_219 = tpu.memref_squeeze %dma_start3A_218 : memref<1x64xi32, #tpu.memory_space<vmem>> -> memref<64xi32, #tpu.memory_space<vmem>>
          %dma_start3A_220 = arith.constant 0 : i32
          %dma_start3A_221 = arith.constant 0 : i32
          %dma_start3A_222 = tpu.memref_slice %arg11[%dma_start3A_220, %dma_start3A_221] : memref<10240x128xf32, #tpu.memory_space<vmem_shared>> -> memref<10240x128xf32, #tpu.memory_space<vmem_shared>>
          tpu.enqueue_indirect_dma source(%arg15 : memref<64x128xf32, #tpu.memory_space<vmem>>) target(%dma_start3A_222 : memref<10240x128xf32, #tpu.memory_space<vmem_shared>>) offsets(%dma_start3A_219 : memref<64xi32, #tpu.memory_space<vmem>>) semaphore(%run_scoped3A : memref<!tpu.dma_semaphore, #tpu.memory_space<semaphore_mem>>) {add = true}
          %dma_wait3A_223 = arith.constant 0 : i32
          %dma_wait3A_224 = tpu.memref_slice %arg10[%add3A_188, %dma_wait3A_223] : memref<32x64xi32, #tpu.memory_space<vmem>> -> memref<1x64xi32, #tpu.memory_space<vmem>>
          %dma_wait3A_225 = tpu.memref_squeeze %dma_wait3A_224 : memref<1x64xi32, #tpu.memory_space<vmem>> -> memref<64xi32, #tpu.memory_space<vmem>>
          %dma_wait3A_226 = arith.constant 0 : i32
          %dma_wait3A_227 = arith.constant 0 : i32
          %dma_wait3A_228 = tpu.memref_slice %arg11[%dma_wait3A_226, %dma_wait3A_227] : memref<10240x128xf32, #tpu.memory_space<vmem_shared>> -> memref<10240x128xf32, #tpu.memory_space<vmem_shared>>
          tpu.wait_indirect_dma semaphore(%run_scoped3A : memref<!tpu.dma_semaphore, #tpu.memory_space<semaphore_mem>>) src(%arg15 : memref<64x128xf32, #tpu.memory_space<vmem>>) dst(%dma_wait3A_228 : memref<10240x128xf32, #tpu.memory_space<vmem_shared>>)
          tpu.yield
        }) : () -> ()
        %add3A_189 = arith.constant 2 : i32
        %add3A_190 = arith.addi %mul3A_141, %add3A_189 : i32
        %add3A_191 = arith.constant 4 : i32
        %add3A_192 = arith.addi %add3A_190, %add3A_191 : i32
        %lt3A_193 = arith.constant 32 : i32
        %lt3A_194 = arith.cmpi slt, %add3A_192, %lt3A_193 : i32
        %convert_element_type3A_195 = arith.extui %lt3A_194 : i1 to i32
        %cond3A_196 = arith.constant 0 : i32
        %cond3A_197 = arith.cmpi ne, %convert_element_type3A_195, %cond3A_196 : i32
        scf.if %cond3A_197 {
          %add3A_217 = arith.constant 2 : i32
          %add3A_218 = arith.addi %mul3A_141, %add3A_217 : i32
          %add3A_219 = arith.constant 4 : i32
          %add3A_220 = arith.addi %add3A_218, %add3A_219 : i32
          %dma_start3A_221 = arith.constant 0 : i32
          %dma_start3A_222 = tpu.memref_slice %arg9[%add3A_220, %dma_start3A_221] : memref<32x64xi32, #tpu.memory_space<vmem>> -> memref<1x64xi32, #tpu.memory_space<vmem>>
          %dma_start3A_223 = tpu.memref_squeeze %dma_start3A_222 : memref<1x64xi32, #tpu.memory_space<vmem>> -> memref<64xi32, #tpu.memory_space<vmem>>
          %dma_start3A_224 = arith.constant 0 : i32
          %dma_start3A_225 = arith.constant 0 : i32
          %dma_start3A_226 = tpu.memref_slice %arg2[%dma_start3A_224, %dma_start3A_225] : memref<20480x128xf32, #tpu.memory_space<hbm>> -> memref<20480x128xf32, #tpu.memory_space<hbm>>
          tpu.enqueue_indirect_dma source(%dma_start3A_226 : memref<20480x128xf32, #tpu.memory_space<hbm>>) target(%arg15 : memref<64x128xf32, #tpu.memory_space<vmem>>) offsets(%dma_start3A_223 : memref<64xi32, #tpu.memory_space<vmem>>) semaphore(%arg19 : memref<!tpu.dma_semaphore, #tpu.memory_space<semaphore_mem>>)
        } else {
        }
        %add3A_198 = arith.constant 3 : i32
        %add3A_199 = arith.addi %mul3A_141, %add3A_198 : i32
        %dma_wait3A_200 = arith.constant 0 : i32
        %dma_wait3A_201 = tpu.memref_slice %arg9[%add3A_199, %dma_wait3A_200] : memref<32x64xi32, #tpu.memory_space<vmem>> -> memref<1x64xi32, #tpu.memory_space<vmem>>
        %dma_wait3A_202 = tpu.memref_squeeze %dma_wait3A_201 : memref<1x64xi32, #tpu.memory_space<vmem>> -> memref<64xi32, #tpu.memory_space<vmem>>
        %dma_wait3A_203 = arith.constant 0 : i32
        %dma_wait3A_204 = arith.constant 0 : i32
        %dma_wait3A_205 = tpu.memref_slice %arg2[%dma_wait3A_203, %dma_wait3A_204] : memref<20480x128xf32, #tpu.memory_space<hbm>> -> memref<20480x128xf32, #tpu.memory_space<hbm>>
        tpu.wait_indirect_dma semaphore(%arg20 : memref<!tpu.dma_semaphore, #tpu.memory_space<semaphore_mem>>) src(%dma_wait3A_205 : memref<20480x128xf32, #tpu.memory_space<hbm>>) dst(%arg16 : memref<64x128xf32, #tpu.memory_space<vmem>>)
        %add3A_206 = arith.constant 3 : i32
        %add3A_207 = arith.addi %mul3A_141, %add3A_206 : i32
        "tpu.region"() ({
          %run_scoped3A = tpu.sem_alloc : memref<!tpu.dma_semaphore, #tpu.memory_space<semaphore_mem>>
          %dma_start3A_217 = arith.constant 0 : i32
          %dma_start3A_218 = tpu.memref_slice %arg10[%add3A_207, %dma_start3A_217] : memref<32x64xi32, #tpu.memory_space<vmem>> -> memref<1x64xi32, #tpu.memory_space<vmem>>
          %dma_start3A_219 = tpu.memref_squeeze %dma_start3A_218 : memref<1x64xi32, #tpu.memory_space<vmem>> -> memref<64xi32, #tpu.memory_space<vmem>>
          %dma_start3A_220 = arith.constant 0 : i32
          %dma_start3A_221 = arith.constant 0 : i32
          %dma_start3A_222 = tpu.memref_slice %arg11[%dma_start3A_220, %dma_start3A_221] : memref<10240x128xf32, #tpu.memory_space<vmem_shared>> -> memref<10240x128xf32, #tpu.memory_space<vmem_shared>>
          tpu.enqueue_indirect_dma source(%arg16 : memref<64x128xf32, #tpu.memory_space<vmem>>) target(%dma_start3A_222 : memref<10240x128xf32, #tpu.memory_space<vmem_shared>>) offsets(%dma_start3A_219 : memref<64xi32, #tpu.memory_space<vmem>>) semaphore(%run_scoped3A : memref<!tpu.dma_semaphore, #tpu.memory_space<semaphore_mem>>) {add = true}
          %dma_wait3A_223 = arith.constant 0 : i32
          %dma_wait3A_224 = tpu.memref_slice %arg10[%add3A_207, %dma_wait3A_223] : memref<32x64xi32, #tpu.memory_space<vmem>> -> memref<1x64xi32, #tpu.memory_space<vmem>>
          %dma_wait3A_225 = tpu.memref_squeeze %dma_wait3A_224 : memref<1x64xi32, #tpu.memory_space<vmem>> -> memref<64xi32, #tpu.memory_space<vmem>>
          %dma_wait3A_226 = arith.constant 0 : i32
          %dma_wait3A_227 = arith.constant 0 : i32
          %dma_wait3A_228 = tpu.memref_slice %arg11[%dma_wait3A_226, %dma_wait3A_227] : memref<10240x128xf32, #tpu.memory_space<vmem_shared>> -> memref<10240x128xf32, #tpu.memory_space<vmem_shared>>
          tpu.wait_indirect_dma semaphore(%run_scoped3A : memref<!tpu.dma_semaphore, #tpu.memory_space<semaphore_mem>>) src(%arg16 : memref<64x128xf32, #tpu.memory_space<vmem>>) dst(%dma_wait3A_228 : memref<10240x128xf32, #tpu.memory_space<vmem_shared>>)
          tpu.yield
        }) : () -> ()
        %add3A_208 = arith.constant 3 : i32
        %add3A_209 = arith.addi %mul3A_141, %add3A_208 : i32
        %add3A_210 = arith.constant 4 : i32
        %add3A_211 = arith.addi %add3A_209, %add3A_210 : i32
        %lt3A_212 = arith.constant 32 : i32
        %lt3A_213 = arith.cmpi slt, %add3A_211, %lt3A_212 : i32
        %convert_element_type3A_214 = arith.extui %lt3A_213 : i1 to i32
        %cond3A_215 = arith.constant 0 : i32
        %cond3A_216 = arith.cmpi ne, %convert_element_type3A_214, %cond3A_215 : i32
        scf.if %cond3A_216 {
          %add3A_217 = arith.constant 3 : i32
          %add3A_218 = arith.addi %mul3A_141, %add3A_217 : i32
          %add3A_219 = arith.constant 4 : i32
          %add3A_220 = arith.addi %add3A_218, %add3A_219 : i32
          %dma_start3A_221 = arith.constant 0 : i32
          %dma_start3A_222 = tpu.memref_slice %arg9[%add3A_220, %dma_start3A_221] : memref<32x64xi32, #tpu.memory_space<vmem>> -> memref<1x64xi32, #tpu.memory_space<vmem>>
          %dma_start3A_223 = tpu.memref_squeeze %dma_start3A_222 : memref<1x64xi32, #tpu.memory_space<vmem>> -> memref<64xi32, #tpu.memory_space<vmem>>
          %dma_start3A_224 = arith.constant 0 : i32
          %dma_start3A_225 = arith.constant 0 : i32
          %dma_start3A_226 = tpu.memref_slice %arg2[%dma_start3A_224, %dma_start3A_225] : memref<20480x128xf32, #tpu.memory_space<hbm>> -> memref<20480x128xf32, #tpu.memory_space<hbm>>
          tpu.enqueue_indirect_dma source(%dma_start3A_226 : memref<20480x128xf32, #tpu.memory_space<hbm>>) target(%arg16 : memref<64x128xf32, #tpu.memory_space<vmem>>) offsets(%dma_start3A_223 : memref<64xi32, #tpu.memory_space<vmem>>) semaphore(%arg20 : memref<!tpu.dma_semaphore, #tpu.memory_space<semaphore_mem>>)
        } else {
        }
      }
      %scan3A_131 = arith.constant 8 : i32
      %add3A_132 = arith.constant 1 : i32
      %add3A_133 = arith.addi %add3A_80, %add3A_132 : i32
      %lt3A_134 = arith.constant 10 : i32
      %lt3A_135 = arith.cmpi slt, %add3A_133, %lt3A_134 : i32
      %convert_element_type3A_136 = arith.extui %lt3A_135 : i1 to i32
      %cond3A_137 = arith.constant 0 : i32
      %cond3A_138 = arith.cmpi ne, %convert_element_type3A_136, %cond3A_137 : i32
      scf.if %cond3A_138 {
        %dma_wait3A = arith.constant 0 : i32
        %dma_wait3A_139 = tpu.memref_slice %arg3[%add3A_85, %dma_wait3A] : memref<10240x64xi32, #tpu.memory_space<hbm>> -> memref<32x64xi32, #tpu.memory_space<hbm>>
        %dma_wait3A_140 = arith.constant 0 : i32
        %dma_wait3A_141 = tpu.memref_slice %arg3[%add3A_85, %dma_wait3A_140] : memref<10240x64xi32, #tpu.memory_space<hbm>> -> memref<32x64xi32, #tpu.memory_space<hbm>>
        tpu.wait_dma2 semaphore(%arg12 : memref<!tpu.dma_semaphore, #tpu.memory_space<semaphore_mem>>) src(%dma_wait3A_141 : memref<32x64xi32, #tpu.memory_space<hbm>>) dst(%arg7 : memref<32x64xi32, #tpu.memory_space<vmem>>)
        %dma_wait3A_142 = arith.constant 0 : i32
        %dma_wait3A_143 = tpu.memref_slice %arg4[%add3A_90, %dma_wait3A_142] : memref<5120x64xi32, #tpu.memory_space<hbm>> -> memref<32x64xi32, #tpu.memory_space<hbm>>
        %dma_wait3A_144 = arith.constant 0 : i32
        %dma_wait3A_145 = tpu.memref_slice %arg4[%add3A_90, %dma_wait3A_144] : memref<5120x64xi32, #tpu.memory_space<hbm>> -> memref<32x64xi32, #tpu.memory_space<hbm>>
        tpu.wait_dma2 semaphore(%arg12 : memref<!tpu.dma_semaphore, #tpu.memory_space<semaphore_mem>>) src(%dma_wait3A_145 : memref<32x64xi32, #tpu.memory_space<hbm>>) dst(%arg8 : memref<32x64xi32, #tpu.memory_space<vmem>>)
      } else {
      }
    }
    %scan3A_11 = arith.constant 5 : i32
    %barrier3A_12 = arith.constant 0 : index
    tpu.barrier barrier_id(%barrier3A_12)
    %mul3A_13 = arith.constant 640 : i32
    %mul3A_14 = arith.muli %arg1, %mul3A_13 : i32
    %mul3A_15 = arith.constant 10240 : i32
    %mul3A_16 = arith.muli %arg0, %mul3A_15 : i32
    %mul3A_17 = arith.constant 640 : i32
    %mul3A_18 = arith.muli %arg1, %mul3A_17 : i32
    %add3A_19 = arith.addi %mul3A_16, %mul3A_18 : i32
    "tpu.region"() ({
      %run_scoped3A = tpu.sem_alloc : memref<!tpu.dma_semaphore, #tpu.memory_space<semaphore_mem>>
      %dma_start3A = arith.constant 0 : i32
      %dma_start3A_20 = tpu.memref_slice %arg6[%add3A_19, %dma_start3A] : memref<20480x128xf32, #tpu.memory_space<hbm>> -> memref<640x128xf32, #tpu.memory_space<hbm>>
      %dma_start3A_21 = arith.constant 0 : i32
      %dma_start3A_22 = tpu.memref_slice %arg11[%mul3A_14, %dma_start3A_21] : memref<10240x128xf32, #tpu.memory_space<vmem_shared>> -> memref<640x128xf32, #tpu.memory_space<vmem_shared>>
      tpu.enqueue_dma source(%dma_start3A_22 : memref<640x128xf32, #tpu.memory_space<vmem_shared>>) target(%dma_start3A_20 : memref<640x128xf32, #tpu.memory_space<hbm>>) target_semaphore(%run_scoped3A : memref<!tpu.dma_semaphore, #tpu.memory_space<semaphore_mem>>)
      %dma_wait3A = arith.constant 0 : i32
      %dma_wait3A_23 = tpu.memref_slice %arg6[%add3A_19, %dma_wait3A] : memref<20480x128xf32, #tpu.memory_space<hbm>> -> memref<640x128xf32, #tpu.memory_space<hbm>>
      %dma_wait3A_24 = arith.constant 0 : i32
      %dma_wait3A_25 = tpu.memref_slice %arg11[%mul3A_14, %dma_wait3A_24] : memref<10240x128xf32, #tpu.memory_space<vmem_shared>> -> memref<640x128xf32, #tpu.memory_space<vmem_shared>>
      tpu.wait_dma2 semaphore(%run_scoped3A : memref<!tpu.dma_semaphore, #tpu.memory_space<semaphore_mem>>) src(%dma_wait3A_25 : memref<640x128xf32, #tpu.memory_space<vmem_shared>>) dst(%dma_wait3A_23 : memref<640x128xf32, #tpu.memory_space<hbm>>)
      tpu.yield
    }) : () -> ()
    return
  }
}

#map = affine_map<(d0, d1) -> (0, 0)>
#map1 = affine_map<(d0, d1) -> (0)>
module attributes {stable_mosaic.version = 14 : i64} {
  func.func @_deg_body(%arg0: i32, %arg1: i32, %arg2: memref<2560x128xi32, #tpu.memory_space<hbm>>, %arg3: memref<128xf32, #tpu.memory_space<hbm>>, %arg4: memref<640xf32, #tpu.memory_space<hbm>>, %arg5: memref<20480xf32, #tpu.memory_space<hbm>>, %arg6: memref<80x128xi32, #tpu.memory_space<vmem>>, %arg7: memref<128xf32, #tpu.memory_space<vmem>>, %arg8: memref<10240xf32, #tpu.memory_space<vmem_shared>>, %arg9: memref<!tpu.dma_semaphore, #tpu.memory_space<semaphore_mem>>) attributes {dimension_semantics = [#tpu.dimension_semantics<core_parallel>, #tpu.dimension_semantics<subcore_parallel>], iteration_bounds = array<i64: 2, 16>, scalar_prefetch = 0 : i64, scratch_operands = 4 : i64, tpu.core_type = #tpu.core_type<sc_vector_subcore>, window_params = [{transform_indices = #map}, {transform_indices = #map1}, {transform_indices = #map1}, {transform_indices = #map1}]} {
    %mul3A = arith.constant 16 : i32
    %mul3A_0 = arith.muli %arg0, %mul3A : i32
    %add3A = arith.addi %mul3A_0, %arg1 : i32
    %mul3A_1 = arith.constant 80 : i32
    %mul3A_2 = arith.muli %add3A, %mul3A_1 : i32
    "tpu.region"() ({
      %run_scoped3A = tpu.sem_alloc : memref<!tpu.dma_semaphore, #tpu.memory_space<semaphore_mem>>
      %dma_start3A = arith.constant 0 : i32
      %dma_start3A_18 = tpu.memref_slice %arg2[%mul3A_2, %dma_start3A] : memref<2560x128xi32, #tpu.memory_space<hbm>> -> memref<80x128xi32, #tpu.memory_space<hbm>>
      %dma_start3A_19 = arith.constant 0 : i32
      %dma_start3A_20 = tpu.memref_slice %arg2[%mul3A_2, %dma_start3A_19] : memref<2560x128xi32, #tpu.memory_space<hbm>> -> memref<80x128xi32, #tpu.memory_space<hbm>>
      tpu.enqueue_dma source(%dma_start3A_20 : memref<80x128xi32, #tpu.memory_space<hbm>>) target(%arg6 : memref<80x128xi32, #tpu.memory_space<vmem>>) target_semaphore(%run_scoped3A : memref<!tpu.dma_semaphore, #tpu.memory_space<semaphore_mem>>)
      %dma_wait3A = arith.constant 0 : i32
      %dma_wait3A_21 = tpu.memref_slice %arg2[%mul3A_2, %dma_wait3A] : memref<2560x128xi32, #tpu.memory_space<hbm>> -> memref<80x128xi32, #tpu.memory_space<hbm>>
      %dma_wait3A_22 = arith.constant 0 : i32
      %dma_wait3A_23 = tpu.memref_slice %arg2[%mul3A_2, %dma_wait3A_22] : memref<2560x128xi32, #tpu.memory_space<hbm>> -> memref<80x128xi32, #tpu.memory_space<hbm>>
      tpu.wait_dma2 semaphore(%run_scoped3A : memref<!tpu.dma_semaphore, #tpu.memory_space<semaphore_mem>>) src(%dma_wait3A_23 : memref<80x128xi32, #tpu.memory_space<hbm>>) dst(%arg6 : memref<80x128xi32, #tpu.memory_space<vmem>>)
      tpu.yield
    }) : () -> ()
    "tpu.region"() ({
      %run_scoped3A = tpu.sem_alloc : memref<!tpu.dma_semaphore, #tpu.memory_space<semaphore_mem>>
      tpu.enqueue_dma source(%arg3 : memref<128xf32, #tpu.memory_space<hbm>>) target(%arg7 : memref<128xf32, #tpu.memory_space<vmem>>) target_semaphore(%run_scoped3A : memref<!tpu.dma_semaphore, #tpu.memory_space<semaphore_mem>>)
      tpu.wait_dma2 semaphore(%run_scoped3A : memref<!tpu.dma_semaphore, #tpu.memory_space<semaphore_mem>>) src(%arg3 : memref<128xf32, #tpu.memory_space<hbm>>) dst(%arg7 : memref<128xf32, #tpu.memory_space<vmem>>)
      tpu.yield
    }) : () -> ()
    %mul3A_3 = arith.constant 640 : i32
    %mul3A_4 = arith.muli %arg1, %mul3A_3 : i32
    "tpu.region"() ({
      %run_scoped3A = tpu.sem_alloc : memref<!tpu.dma_semaphore, #tpu.memory_space<semaphore_mem>>
      %dma_start3A = tpu.memref_slice %arg8[%mul3A_4] : memref<10240xf32, #tpu.memory_space<vmem_shared>> -> memref<640xf32, #tpu.memory_space<vmem_shared>>
      tpu.enqueue_dma source(%arg4 : memref<640xf32, #tpu.memory_space<hbm>>) target(%dma_start3A : memref<640xf32, #tpu.memory_space<vmem_shared>>) target_semaphore(%run_scoped3A : memref<!tpu.dma_semaphore, #tpu.memory_space<semaphore_mem>>)
      %dma_wait3A = tpu.memref_slice %arg8[%mul3A_4] : memref<10240xf32, #tpu.memory_space<vmem_shared>> -> memref<640xf32, #tpu.memory_space<vmem_shared>>
      tpu.wait_dma2 semaphore(%run_scoped3A : memref<!tpu.dma_semaphore, #tpu.memory_space<semaphore_mem>>) src(%arg4 : memref<640xf32, #tpu.memory_space<hbm>>) dst(%dma_wait3A : memref<640xf32, #tpu.memory_space<vmem_shared>>)
      tpu.yield
    }) : () -> ()
    %barrier3A = arith.constant 0 : index
    tpu.barrier barrier_id(%barrier3A)
    %scan3A = arith.constant 0 : i32
    %scan3A_5 = arith.constant 0 : i32
    %scan3A_6 = arith.constant 80 : i32
    %scan3A_7 = arith.addi %scan3A_5, %scan3A_6 : i32
    %scan3A_8 = arith.constant 1 : i32
    scf.for %scan3A_18 = %scan3A_5 to %scan3A_7 step %scan3A_8  : i32 {
      "tpu.region"() ({
        %run_scoped3A = tpu.sem_alloc : memref<!tpu.dma_semaphore, #tpu.memory_space<semaphore_mem>>
        %dma_start3A = arith.constant 0 : i32
        %dma_start3A_19 = tpu.memref_slice %arg6[%scan3A_18, %dma_start3A] : memref<80x128xi32, #tpu.memory_space<vmem>> -> memref<1x128xi32, #tpu.memory_space<vmem>>
        %dma_start3A_20 = tpu.memref_squeeze %dma_start3A_19 : memref<1x128xi32, #tpu.memory_space<vmem>> -> memref<128xi32, #tpu.memory_space<vmem>>
        %dma_start3A_21 = arith.constant 0 : i32
        %dma_start3A_22 = tpu.memref_slice %arg8[%dma_start3A_21] : memref<10240xf32, #tpu.memory_space<vmem_shared>> -> memref<10240xf32, #tpu.memory_space<vmem_shared>>
        tpu.enqueue_indirect_dma source(%arg7 : memref<128xf32, #tpu.memory_space<vmem>>) target(%dma_start3A_22 : memref<10240xf32, #tpu.memory_space<vmem_shared>>) offsets(%dma_start3A_20 : memref<128xi32, #tpu.memory_space<vmem>>) semaphore(%run_scoped3A : memref<!tpu.dma_semaphore, #tpu.memory_space<semaphore_mem>>) {add = true}
        %dma_wait3A = arith.constant 0 : i32
        %dma_wait3A_23 = tpu.memref_slice %arg6[%scan3A_18, %dma_wait3A] : memref<80x128xi32, #tpu.memory_space<vmem>> -> memref<1x128xi32, #tpu.memory_space<vmem>>
        %dma_wait3A_24 = tpu.memref_squeeze %dma_wait3A_23 : memref<1x128xi32, #tpu.memory_space<vmem>> -> memref<128xi32, #tpu.memory_space<vmem>>
        %dma_wait3A_25 = arith.constant 0 : i32
        %dma_wait3A_26 = tpu.memref_slice %arg8[%dma_wait3A_25] : memref<10240xf32, #tpu.memory_space<vmem_shared>> -> memref<10240xf32, #tpu.memory_space<vmem_shared>>
        tpu.wait_indirect_dma semaphore(%run_scoped3A : memref<!tpu.dma_semaphore, #tpu.memory_space<semaphore_mem>>) src(%arg7 : memref<128xf32, #tpu.memory_space<vmem>>) dst(%dma_wait3A_26 : memref<10240xf32, #tpu.memory_space<vmem_shared>>)
        tpu.yield
      }) : () -> ()
    }
    %scan3A_9 = arith.constant 80 : i32
    %barrier3A_10 = arith.constant 0 : index
    tpu.barrier barrier_id(%barrier3A_10)
    %mul3A_11 = arith.constant 640 : i32
    %mul3A_12 = arith.muli %arg1, %mul3A_11 : i32
    %mul3A_13 = arith.constant 10240 : i32
    %mul3A_14 = arith.muli %arg0, %mul3A_13 : i32
    %mul3A_15 = arith.constant 640 : i32
    %mul3A_16 = arith.muli %arg1, %mul3A_15 : i32
    %add3A_17 = arith.addi %mul3A_14, %mul3A_16 : i32
    "tpu.region"() ({
      %run_scoped3A = tpu.sem_alloc : memref<!tpu.dma_semaphore, #tpu.memory_space<semaphore_mem>>
      %dma_start3A = tpu.memref_slice %arg5[%add3A_17] : memref<20480xf32, #tpu.memory_space<hbm>> -> memref<640xf32, #tpu.memory_space<hbm>>
      %dma_start3A_18 = tpu.memref_slice %arg8[%mul3A_12] : memref<10240xf32, #tpu.memory_space<vmem_shared>> -> memref<640xf32, #tpu.memory_space<vmem_shared>>
      tpu.enqueue_dma source(%dma_start3A_18 : memref<640xf32, #tpu.memory_space<vmem_shared>>) target(%dma_start3A : memref<640xf32, #tpu.memory_space<hbm>>) target_semaphore(%run_scoped3A : memref<!tpu.dma_semaphore, #tpu.memory_space<semaphore_mem>>)
      %dma_wait3A = tpu.memref_slice %arg5[%add3A_17] : memref<20480xf32, #tpu.memory_space<hbm>> -> memref<640xf32, #tpu.memory_space<hbm>>
      %dma_wait3A_19 = tpu.memref_slice %arg8[%mul3A_12] : memref<10240xf32, #tpu.memory_space<vmem_shared>> -> memref<640xf32, #tpu.memory_space<vmem_shared>>
      tpu.wait_dma2 semaphore(%run_scoped3A : memref<!tpu.dma_semaphore, #tpu.memory_space<semaphore_mem>>) src(%dma_wait3A_19 : memref<640xf32, #tpu.memory_space<vmem_shared>>) dst(%dma_wait3A : memref<640xf32, #tpu.memory_space<hbm>>)
      tpu.yield
    }) : () -> ()
    return
  }
}

#map = affine_map<(d0, d1) -> (0, 0)>
module attributes {stable_mosaic.version = 14 : i64} {
  func.func @_agg_body(%arg0: i32, %arg1: i32, %arg2: memref<10240x128xf32, #tpu.memory_space<hbm>>, %arg3: memref<5120x64xi32, #tpu.memory_space<hbm>>, %arg4: memref<5120x64xi32, #tpu.memory_space<hbm>>, %arg5: memref<640x128xf32, #tpu.memory_space<hbm>>, %arg6: memref<20480x128xf32, #tpu.memory_space<hbm>>, %arg7: memref<16x64xi32, #tpu.memory_space<vmem>>, %arg8: memref<16x64xi32, #tpu.memory_space<vmem>>, %arg9: memref<16x64xi32, #tpu.memory_space<vmem>>, %arg10: memref<16x64xi32, #tpu.memory_space<vmem>>, %arg11: memref<10240x128xf32, #tpu.memory_space<vmem_shared>>, %arg12: memref<!tpu.dma_semaphore, #tpu.memory_space<semaphore_mem>>, %arg13: memref<64x128xf32, #tpu.memory_space<vmem>>, %arg14: memref<64x128xf32, #tpu.memory_space<vmem>>, %arg15: memref<64x128xf32, #tpu.memory_space<vmem>>, %arg16: memref<64x128xf32, #tpu.memory_space<vmem>>, %arg17: memref<!tpu.dma_semaphore, #tpu.memory_space<semaphore_mem>>, %arg18: memref<!tpu.dma_semaphore, #tpu.memory_space<semaphore_mem>>, %arg19: memref<!tpu.dma_semaphore, #tpu.memory_space<semaphore_mem>>, %arg20: memref<!tpu.dma_semaphore, #tpu.memory_space<semaphore_mem>>) attributes {dimension_semantics = [#tpu.dimension_semantics<core_parallel>, #tpu.dimension_semantics<subcore_parallel>], iteration_bounds = array<i64: 2, 16>, scalar_prefetch = 0 : i64, scratch_operands = 14 : i64, tpu.core_type = #tpu.core_type<sc_vector_subcore>, window_params = [{transform_indices = #map}, {transform_indices = #map}, {transform_indices = #map}, {transform_indices = #map}, {transform_indices = #map}]} {
    %mul3A = arith.constant 16 : i32
    %mul3A_0 = arith.muli %arg0, %mul3A : i32
    %add3A = arith.addi %mul3A_0, %arg1 : i32
    %mul3A_1 = arith.constant 160 : i32
    %mul3A_2 = arith.muli %add3A, %mul3A_1 : i32
    %mul3A_3 = arith.constant 640 : i32
    %mul3A_4 = arith.muli %arg1, %mul3A_3 : i32
    "tpu.region"() ({
      %run_scoped3A = tpu.sem_alloc : memref<!tpu.dma_semaphore, #tpu.memory_space<semaphore_mem>>
      %dma_start3A = arith.constant 0 : i32
      %dma_start3A_18 = tpu.memref_slice %arg11[%mul3A_4, %dma_start3A] : memref<10240x128xf32, #tpu.memory_space<vmem_shared>> -> memref<640x128xf32, #tpu.memory_space<vmem_shared>>
      tpu.enqueue_dma source(%arg5 : memref<640x128xf32, #tpu.memory_space<hbm>>) target(%dma_start3A_18 : memref<640x128xf32, #tpu.memory_space<vmem_shared>>) target_semaphore(%run_scoped3A : memref<!tpu.dma_semaphore, #tpu.memory_space<semaphore_mem>>)
      %dma_wait3A = arith.constant 0 : i32
      %dma_wait3A_19 = tpu.memref_slice %arg11[%mul3A_4, %dma_wait3A] : memref<10240x128xf32, #tpu.memory_space<vmem_shared>> -> memref<640x128xf32, #tpu.memory_space<vmem_shared>>
      tpu.wait_dma2 semaphore(%run_scoped3A : memref<!tpu.dma_semaphore, #tpu.memory_space<semaphore_mem>>) src(%arg5 : memref<640x128xf32, #tpu.memory_space<hbm>>) dst(%dma_wait3A_19 : memref<640x128xf32, #tpu.memory_space<vmem_shared>>)
      tpu.yield
    }) : () -> ()
    "tpu.region"() ({
      %run_scoped3A = tpu.sem_alloc : memref<!tpu.dma_semaphore, #tpu.memory_space<semaphore_mem>>
      %dma_start3A = arith.constant 0 : i32
      %dma_start3A_18 = tpu.memref_slice %arg3[%mul3A_2, %dma_start3A] : memref<5120x64xi32, #tpu.memory_space<hbm>> -> memref<16x64xi32, #tpu.memory_space<hbm>>
      %dma_start3A_19 = arith.constant 0 : i32
      %dma_start3A_20 = tpu.memref_slice %arg3[%mul3A_2, %dma_start3A_19] : memref<5120x64xi32, #tpu.memory_space<hbm>> -> memref<16x64xi32, #tpu.memory_space<hbm>>
      tpu.enqueue_dma source(%dma_start3A_20 : memref<16x64xi32, #tpu.memory_space<hbm>>) target(%arg7 : memref<16x64xi32, #tpu.memory_space<vmem>>) target_semaphore(%run_scoped3A : memref<!tpu.dma_semaphore, #tpu.memory_space<semaphore_mem>>)
      %dma_wait3A = arith.constant 0 : i32
      %dma_wait3A_21 = tpu.memref_slice %arg3[%mul3A_2, %dma_wait3A] : memref<5120x64xi32, #tpu.memory_space<hbm>> -> memref<16x64xi32, #tpu.memory_space<hbm>>
      %dma_wait3A_22 = arith.constant 0 : i32
      %dma_wait3A_23 = tpu.memref_slice %arg3[%mul3A_2, %dma_wait3A_22] : memref<5120x64xi32, #tpu.memory_space<hbm>> -> memref<16x64xi32, #tpu.memory_space<hbm>>
      tpu.wait_dma2 semaphore(%run_scoped3A : memref<!tpu.dma_semaphore, #tpu.memory_space<semaphore_mem>>) src(%dma_wait3A_23 : memref<16x64xi32, #tpu.memory_space<hbm>>) dst(%arg7 : memref<16x64xi32, #tpu.memory_space<vmem>>)
      tpu.yield
    }) : () -> ()
    "tpu.region"() ({
      %run_scoped3A = tpu.sem_alloc : memref<!tpu.dma_semaphore, #tpu.memory_space<semaphore_mem>>
      %dma_start3A = arith.constant 0 : i32
      %dma_start3A_18 = tpu.memref_slice %arg4[%mul3A_2, %dma_start3A] : memref<5120x64xi32, #tpu.memory_space<hbm>> -> memref<16x64xi32, #tpu.memory_space<hbm>>
      %dma_start3A_19 = arith.constant 0 : i32
      %dma_start3A_20 = tpu.memref_slice %arg4[%mul3A_2, %dma_start3A_19] : memref<5120x64xi32, #tpu.memory_space<hbm>> -> memref<16x64xi32, #tpu.memory_space<hbm>>
      tpu.enqueue_dma source(%dma_start3A_20 : memref<16x64xi32, #tpu.memory_space<hbm>>) target(%arg8 : memref<16x64xi32, #tpu.memory_space<vmem>>) target_semaphore(%run_scoped3A : memref<!tpu.dma_semaphore, #tpu.memory_space<semaphore_mem>>)
      %dma_wait3A = arith.constant 0 : i32
      %dma_wait3A_21 = tpu.memref_slice %arg4[%mul3A_2, %dma_wait3A] : memref<5120x64xi32, #tpu.memory_space<hbm>> -> memref<16x64xi32, #tpu.memory_space<hbm>>
      %dma_wait3A_22 = arith.constant 0 : i32
      %dma_wait3A_23 = tpu.memref_slice %arg4[%mul3A_2, %dma_wait3A_22] : memref<5120x64xi32, #tpu.memory_space<hbm>> -> memref<16x64xi32, #tpu.memory_space<hbm>>
      tpu.wait_dma2 semaphore(%run_scoped3A : memref<!tpu.dma_semaphore, #tpu.memory_space<semaphore_mem>>) src(%dma_wait3A_23 : memref<16x64xi32, #tpu.memory_space<hbm>>) dst(%arg8 : memref<16x64xi32, #tpu.memory_space<vmem>>)
      tpu.yield
    }) : () -> ()
    %barrier3A = arith.constant 0 : index
    tpu.barrier barrier_id(%barrier3A)
    %scan3A = arith.constant 0 : i32
    %scan3A_5 = arith.constant 0 : i32
    %scan3A_6 = arith.constant 5 : i32
    %scan3A_7 = arith.addi %scan3A_5, %scan3A_6 : i32
    %scan3A_8 = arith.constant 1 : i32
    scf.for %scan3A_18 = %scan3A_5 to %scan3A_7 step %scan3A_8  : i32 {
      %mul3A_19 = arith.constant 2 : i32
      %mul3A_20 = arith.muli %mul3A_19, %scan3A_18 : i32
      %add3A_21 = arith.constant 1 : i32
      %add3A_22 = arith.addi %mul3A_20, %add3A_21 : i32
      %mul3A_23 = arith.constant 16 : i32
      %mul3A_24 = arith.muli %add3A_22, %mul3A_23 : i32
      %add3A_25 = arith.addi %mul3A_2, %mul3A_24 : i32
      %add3A_26 = arith.constant 1 : i32
      %add3A_27 = arith.addi %mul3A_20, %add3A_26 : i32
      %mul3A_28 = arith.constant 16 : i32
      %mul3A_29 = arith.muli %add3A_27, %mul3A_28 : i32
      %add3A_30 = arith.addi %mul3A_2, %mul3A_29 : i32
      %add3A_31 = arith.constant 1 : i32
      %add3A_32 = arith.addi %mul3A_20, %add3A_31 : i32
      %lt3A = arith.constant 10 : i32
      %lt3A_33 = arith.cmpi slt, %add3A_32, %lt3A : i32
      %convert_element_type3A = arith.extui %lt3A_33 : i1 to i32
      %cond3A = arith.constant 0 : i32
      %cond3A_34 = arith.cmpi ne, %convert_element_type3A, %cond3A : i32
      scf.if %cond3A_34 {
        %dma_start3A_137 = arith.constant 0 : i32
        %dma_start3A_138 = tpu.memref_slice %arg3[%add3A_25, %dma_start3A_137] : memref<5120x64xi32, #tpu.memory_space<hbm>> -> memref<16x64xi32, #tpu.memory_space<hbm>>
        %dma_start3A_139 = arith.constant 0 : i32
        %dma_start3A_140 = tpu.memref_slice %arg3[%add3A_25, %dma_start3A_139] : memref<5120x64xi32, #tpu.memory_space<hbm>> -> memref<16x64xi32, #tpu.memory_space<hbm>>
        tpu.enqueue_dma source(%dma_start3A_140 : memref<16x64xi32, #tpu.memory_space<hbm>>) target(%arg9 : memref<16x64xi32, #tpu.memory_space<vmem>>) target_semaphore(%arg12 : memref<!tpu.dma_semaphore, #tpu.memory_space<semaphore_mem>>)
        %dma_start3A_141 = arith.constant 0 : i32
        %dma_start3A_142 = tpu.memref_slice %arg4[%add3A_30, %dma_start3A_141] : memref<5120x64xi32, #tpu.memory_space<hbm>> -> memref<16x64xi32, #tpu.memory_space<hbm>>
        %dma_start3A_143 = arith.constant 0 : i32
        %dma_start3A_144 = tpu.memref_slice %arg4[%add3A_30, %dma_start3A_143] : memref<5120x64xi32, #tpu.memory_space<hbm>> -> memref<16x64xi32, #tpu.memory_space<hbm>>
        tpu.enqueue_dma source(%dma_start3A_144 : memref<16x64xi32, #tpu.memory_space<hbm>>) target(%arg10 : memref<16x64xi32, #tpu.memory_space<vmem>>) target_semaphore(%arg12 : memref<!tpu.dma_semaphore, #tpu.memory_space<semaphore_mem>>)
      } else {
      }
      %dma_start3A = arith.constant 0 : i32
      %dma_start3A_35 = arith.constant 0 : i32
      %dma_start3A_36 = tpu.memref_slice %arg7[%dma_start3A, %dma_start3A_35] : memref<16x64xi32, #tpu.memory_space<vmem>> -> memref<1x64xi32, #tpu.memory_space<vmem>>
      %dma_start3A_37 = tpu.memref_squeeze %dma_start3A_36 : memref<1x64xi32, #tpu.memory_space<vmem>> -> memref<64xi32, #tpu.memory_space<vmem>>
      %dma_start3A_38 = arith.constant 0 : i32
      %dma_start3A_39 = arith.constant 0 : i32
      %dma_start3A_40 = tpu.memref_slice %arg2[%dma_start3A_38, %dma_start3A_39] : memref<10240x128xf32, #tpu.memory_space<hbm>> -> memref<10240x128xf32, #tpu.memory_space<hbm>>
      tpu.enqueue_indirect_dma source(%dma_start3A_40 : memref<10240x128xf32, #tpu.memory_space<hbm>>) target(%arg13 : memref<64x128xf32, #tpu.memory_space<vmem>>) offsets(%dma_start3A_37 : memref<64xi32, #tpu.memory_space<vmem>>) semaphore(%arg17 : memref<!tpu.dma_semaphore, #tpu.memory_space<semaphore_mem>>)
      %dma_start3A_41 = arith.constant 1 : i32
      %dma_start3A_42 = arith.constant 0 : i32
      %dma_start3A_43 = tpu.memref_slice %arg7[%dma_start3A_41, %dma_start3A_42] : memref<16x64xi32, #tpu.memory_space<vmem>> -> memref<1x64xi32, #tpu.memory_space<vmem>>
      %dma_start3A_44 = tpu.memref_squeeze %dma_start3A_43 : memref<1x64xi32, #tpu.memory_space<vmem>> -> memref<64xi32, #tpu.memory_space<vmem>>
      %dma_start3A_45 = arith.constant 0 : i32
      %dma_start3A_46 = arith.constant 0 : i32
      %dma_start3A_47 = tpu.memref_slice %arg2[%dma_start3A_45, %dma_start3A_46] : memref<10240x128xf32, #tpu.memory_space<hbm>> -> memref<10240x128xf32, #tpu.memory_space<hbm>>
      tpu.enqueue_indirect_dma source(%dma_start3A_47 : memref<10240x128xf32, #tpu.memory_space<hbm>>) target(%arg14 : memref<64x128xf32, #tpu.memory_space<vmem>>) offsets(%dma_start3A_44 : memref<64xi32, #tpu.memory_space<vmem>>) semaphore(%arg18 : memref<!tpu.dma_semaphore, #tpu.memory_space<semaphore_mem>>)
      %dma_start3A_48 = arith.constant 2 : i32
      %dma_start3A_49 = arith.constant 0 : i32
      %dma_start3A_50 = tpu.memref_slice %arg7[%dma_start3A_48, %dma_start3A_49] : memref<16x64xi32, #tpu.memory_space<vmem>> -> memref<1x64xi32, #tpu.memory_space<vmem>>
      %dma_start3A_51 = tpu.memref_squeeze %dma_start3A_50 : memref<1x64xi32, #tpu.memory_space<vmem>> -> memref<64xi32, #tpu.memory_space<vmem>>
      %dma_start3A_52 = arith.constant 0 : i32
      %dma_start3A_53 = arith.constant 0 : i32
      %dma_start3A_54 = tpu.memref_slice %arg2[%dma_start3A_52, %dma_start3A_53] : memref<10240x128xf32, #tpu.memory_space<hbm>> -> memref<10240x128xf32, #tpu.memory_space<hbm>>
      tpu.enqueue_indirect_dma source(%dma_start3A_54 : memref<10240x128xf32, #tpu.memory_space<hbm>>) target(%arg15 : memref<64x128xf32, #tpu.memory_space<vmem>>) offsets(%dma_start3A_51 : memref<64xi32, #tpu.memory_space<vmem>>) semaphore(%arg19 : memref<!tpu.dma_semaphore, #tpu.memory_space<semaphore_mem>>)
      %dma_start3A_55 = arith.constant 3 : i32
      %dma_start3A_56 = arith.constant 0 : i32
      %dma_start3A_57 = tpu.memref_slice %arg7[%dma_start3A_55, %dma_start3A_56] : memref<16x64xi32, #tpu.memory_space<vmem>> -> memref<1x64xi32, #tpu.memory_space<vmem>>
      %dma_start3A_58 = tpu.memref_squeeze %dma_start3A_57 : memref<1x64xi32, #tpu.memory_space<vmem>> -> memref<64xi32, #tpu.memory_space<vmem>>
      %dma_start3A_59 = arith.constant 0 : i32
      %dma_start3A_60 = arith.constant 0 : i32
      %dma_start3A_61 = tpu.memref_slice %arg2[%dma_start3A_59, %dma_start3A_60] : memref<10240x128xf32, #tpu.memory_space<hbm>> -> memref<10240x128xf32, #tpu.memory_space<hbm>>
      tpu.enqueue_indirect_dma source(%dma_start3A_61 : memref<10240x128xf32, #tpu.memory_space<hbm>>) target(%arg16 : memref<64x128xf32, #tpu.memory_space<vmem>>) offsets(%dma_start3A_58 : memref<64xi32, #tpu.memory_space<vmem>>) semaphore(%arg20 : memref<!tpu.dma_semaphore, #tpu.memory_space<semaphore_mem>>)
      %scan3A_62 = arith.constant 0 : i32
      %scan3A_63 = arith.constant 0 : i32
      %scan3A_64 = arith.constant 4 : i32
      %scan3A_65 = arith.addi %scan3A_63, %scan3A_64 : i32
      %scan3A_66 = arith.constant 1 : i32
      scf.for %scan3A_137 = %scan3A_63 to %scan3A_65 step %scan3A_66  : i32 {
        %mul3A_138 = arith.constant 4 : i32
        %mul3A_139 = arith.muli %scan3A_137, %mul3A_138 : i32
        %add3A_140 = arith.constant 0 : i32
        %add3A_141 = arith.addi %mul3A_139, %add3A_140 : i32
        %dma_wait3A = arith.constant 0 : i32
        %dma_wait3A_142 = tpu.memref_slice %arg7[%add3A_141, %dma_wait3A] : memref<16x64xi32, #tpu.memory_space<vmem>> -> memref<1x64xi32, #tpu.memory_space<vmem>>
        %dma_wait3A_143 = tpu.memref_squeeze %dma_wait3A_142 : memref<1x64xi32, #tpu.memory_space<vmem>> -> memref<64xi32, #tpu.memory_space<vmem>>
        %dma_wait3A_144 = arith.constant 0 : i32
        %dma_wait3A_145 = arith.constant 0 : i32
        %dma_wait3A_146 = tpu.memref_slice %arg2[%dma_wait3A_144, %dma_wait3A_145] : memref<10240x128xf32, #tpu.memory_space<hbm>> -> memref<10240x128xf32, #tpu.memory_space<hbm>>
        tpu.wait_indirect_dma semaphore(%arg17 : memref<!tpu.dma_semaphore, #tpu.memory_space<semaphore_mem>>) src(%dma_wait3A_146 : memref<10240x128xf32, #tpu.memory_space<hbm>>) dst(%arg13 : memref<64x128xf32, #tpu.memory_space<vmem>>)
        %add3A_147 = arith.constant 0 : i32
        %add3A_148 = arith.addi %mul3A_139, %add3A_147 : i32
        "tpu.region"() ({
          %run_scoped3A = tpu.sem_alloc : memref<!tpu.dma_semaphore, #tpu.memory_space<semaphore_mem>>
          %dma_start3A_215 = arith.constant 0 : i32
          %dma_start3A_216 = tpu.memref_slice %arg8[%add3A_148, %dma_start3A_215] : memref<16x64xi32, #tpu.memory_space<vmem>> -> memref<1x64xi32, #tpu.memory_space<vmem>>
          %dma_start3A_217 = tpu.memref_squeeze %dma_start3A_216 : memref<1x64xi32, #tpu.memory_space<vmem>> -> memref<64xi32, #tpu.memory_space<vmem>>
          %dma_start3A_218 = arith.constant 0 : i32
          %dma_start3A_219 = arith.constant 0 : i32
          %dma_start3A_220 = tpu.memref_slice %arg11[%dma_start3A_218, %dma_start3A_219] : memref<10240x128xf32, #tpu.memory_space<vmem_shared>> -> memref<10240x128xf32, #tpu.memory_space<vmem_shared>>
          tpu.enqueue_indirect_dma source(%arg13 : memref<64x128xf32, #tpu.memory_space<vmem>>) target(%dma_start3A_220 : memref<10240x128xf32, #tpu.memory_space<vmem_shared>>) offsets(%dma_start3A_217 : memref<64xi32, #tpu.memory_space<vmem>>) semaphore(%run_scoped3A : memref<!tpu.dma_semaphore, #tpu.memory_space<semaphore_mem>>) {add = true}
          %dma_wait3A_221 = arith.constant 0 : i32
          %dma_wait3A_222 = tpu.memref_slice %arg8[%add3A_148, %dma_wait3A_221] : memref<16x64xi32, #tpu.memory_space<vmem>> -> memref<1x64xi32, #tpu.memory_space<vmem>>
          %dma_wait3A_223 = tpu.memref_squeeze %dma_wait3A_222 : memref<1x64xi32, #tpu.memory_space<vmem>> -> memref<64xi32, #tpu.memory_space<vmem>>
          %dma_wait3A_224 = arith.constant 0 : i32
          %dma_wait3A_225 = arith.constant 0 : i32
          %dma_wait3A_226 = tpu.memref_slice %arg11[%dma_wait3A_224, %dma_wait3A_225] : memref<10240x128xf32, #tpu.memory_space<vmem_shared>> -> memref<10240x128xf32, #tpu.memory_space<vmem_shared>>
          tpu.wait_indirect_dma semaphore(%run_scoped3A : memref<!tpu.dma_semaphore, #tpu.memory_space<semaphore_mem>>) src(%arg13 : memref<64x128xf32, #tpu.memory_space<vmem>>) dst(%dma_wait3A_226 : memref<10240x128xf32, #tpu.memory_space<vmem_shared>>)
          tpu.yield
        }) : () -> ()
        %add3A_149 = arith.constant 0 : i32
        %add3A_150 = arith.addi %mul3A_139, %add3A_149 : i32
        %add3A_151 = arith.constant 4 : i32
        %add3A_152 = arith.addi %add3A_150, %add3A_151 : i32
        %lt3A_153 = arith.constant 16 : i32
        %lt3A_154 = arith.cmpi slt, %add3A_152, %lt3A_153 : i32
        %convert_element_type3A_155 = arith.extui %lt3A_154 : i1 to i32
        %cond3A_156 = arith.constant 0 : i32
        %cond3A_157 = arith.cmpi ne, %convert_element_type3A_155, %cond3A_156 : i32
        scf.if %cond3A_157 {
          %add3A_215 = arith.constant 0 : i32
          %add3A_216 = arith.addi %mul3A_139, %add3A_215 : i32
          %add3A_217 = arith.constant 4 : i32
          %add3A_218 = arith.addi %add3A_216, %add3A_217 : i32
          %dma_start3A_219 = arith.constant 0 : i32
          %dma_start3A_220 = tpu.memref_slice %arg7[%add3A_218, %dma_start3A_219] : memref<16x64xi32, #tpu.memory_space<vmem>> -> memref<1x64xi32, #tpu.memory_space<vmem>>
          %dma_start3A_221 = tpu.memref_squeeze %dma_start3A_220 : memref<1x64xi32, #tpu.memory_space<vmem>> -> memref<64xi32, #tpu.memory_space<vmem>>
          %dma_start3A_222 = arith.constant 0 : i32
          %dma_start3A_223 = arith.constant 0 : i32
          %dma_start3A_224 = tpu.memref_slice %arg2[%dma_start3A_222, %dma_start3A_223] : memref<10240x128xf32, #tpu.memory_space<hbm>> -> memref<10240x128xf32, #tpu.memory_space<hbm>>
          tpu.enqueue_indirect_dma source(%dma_start3A_224 : memref<10240x128xf32, #tpu.memory_space<hbm>>) target(%arg13 : memref<64x128xf32, #tpu.memory_space<vmem>>) offsets(%dma_start3A_221 : memref<64xi32, #tpu.memory_space<vmem>>) semaphore(%arg17 : memref<!tpu.dma_semaphore, #tpu.memory_space<semaphore_mem>>)
        } else {
        }
        %add3A_158 = arith.constant 1 : i32
        %add3A_159 = arith.addi %mul3A_139, %add3A_158 : i32
        %dma_wait3A_160 = arith.constant 0 : i32
        %dma_wait3A_161 = tpu.memref_slice %arg7[%add3A_159, %dma_wait3A_160] : memref<16x64xi32, #tpu.memory_space<vmem>> -> memref<1x64xi32, #tpu.memory_space<vmem>>
        %dma_wait3A_162 = tpu.memref_squeeze %dma_wait3A_161 : memref<1x64xi32, #tpu.memory_space<vmem>> -> memref<64xi32, #tpu.memory_space<vmem>>
        %dma_wait3A_163 = arith.constant 0 : i32
        %dma_wait3A_164 = arith.constant 0 : i32
        %dma_wait3A_165 = tpu.memref_slice %arg2[%dma_wait3A_163, %dma_wait3A_164] : memref<10240x128xf32, #tpu.memory_space<hbm>> -> memref<10240x128xf32, #tpu.memory_space<hbm>>
        tpu.wait_indirect_dma semaphore(%arg18 : memref<!tpu.dma_semaphore, #tpu.memory_space<semaphore_mem>>) src(%dma_wait3A_165 : memref<10240x128xf32, #tpu.memory_space<hbm>>) dst(%arg14 : memref<64x128xf32, #tpu.memory_space<vmem>>)
        %add3A_166 = arith.constant 1 : i32
        %add3A_167 = arith.addi %mul3A_139, %add3A_166 : i32
        "tpu.region"() ({
          %run_scoped3A = tpu.sem_alloc : memref<!tpu.dma_semaphore, #tpu.memory_space<semaphore_mem>>
          %dma_start3A_215 = arith.constant 0 : i32
          %dma_start3A_216 = tpu.memref_slice %arg8[%add3A_167, %dma_start3A_215] : memref<16x64xi32, #tpu.memory_space<vmem>> -> memref<1x64xi32, #tpu.memory_space<vmem>>
          %dma_start3A_217 = tpu.memref_squeeze %dma_start3A_216 : memref<1x64xi32, #tpu.memory_space<vmem>> -> memref<64xi32, #tpu.memory_space<vmem>>
          %dma_start3A_218 = arith.constant 0 : i32
          %dma_start3A_219 = arith.constant 0 : i32
          %dma_start3A_220 = tpu.memref_slice %arg11[%dma_start3A_218, %dma_start3A_219] : memref<10240x128xf32, #tpu.memory_space<vmem_shared>> -> memref<10240x128xf32, #tpu.memory_space<vmem_shared>>
          tpu.enqueue_indirect_dma source(%arg14 : memref<64x128xf32, #tpu.memory_space<vmem>>) target(%dma_start3A_220 : memref<10240x128xf32, #tpu.memory_space<vmem_shared>>) offsets(%dma_start3A_217 : memref<64xi32, #tpu.memory_space<vmem>>) semaphore(%run_scoped3A : memref<!tpu.dma_semaphore, #tpu.memory_space<semaphore_mem>>) {add = true}
          %dma_wait3A_221 = arith.constant 0 : i32
          %dma_wait3A_222 = tpu.memref_slice %arg8[%add3A_167, %dma_wait3A_221] : memref<16x64xi32, #tpu.memory_space<vmem>> -> memref<1x64xi32, #tpu.memory_space<vmem>>
          %dma_wait3A_223 = tpu.memref_squeeze %dma_wait3A_222 : memref<1x64xi32, #tpu.memory_space<vmem>> -> memref<64xi32, #tpu.memory_space<vmem>>
          %dma_wait3A_224 = arith.constant 0 : i32
          %dma_wait3A_225 = arith.constant 0 : i32
          %dma_wait3A_226 = tpu.memref_slice %arg11[%dma_wait3A_224, %dma_wait3A_225] : memref<10240x128xf32, #tpu.memory_space<vmem_shared>> -> memref<10240x128xf32, #tpu.memory_space<vmem_shared>>
          tpu.wait_indirect_dma semaphore(%run_scoped3A : memref<!tpu.dma_semaphore, #tpu.memory_space<semaphore_mem>>) src(%arg14 : memref<64x128xf32, #tpu.memory_space<vmem>>) dst(%dma_wait3A_226 : memref<10240x128xf32, #tpu.memory_space<vmem_shared>>)
          tpu.yield
        }) : () -> ()
        %add3A_168 = arith.constant 1 : i32
        %add3A_169 = arith.addi %mul3A_139, %add3A_168 : i32
        %add3A_170 = arith.constant 4 : i32
        %add3A_171 = arith.addi %add3A_169, %add3A_170 : i32
        %lt3A_172 = arith.constant 16 : i32
        %lt3A_173 = arith.cmpi slt, %add3A_171, %lt3A_172 : i32
        %convert_element_type3A_174 = arith.extui %lt3A_173 : i1 to i32
        %cond3A_175 = arith.constant 0 : i32
        %cond3A_176 = arith.cmpi ne, %convert_element_type3A_174, %cond3A_175 : i32
        scf.if %cond3A_176 {
          %add3A_215 = arith.constant 1 : i32
          %add3A_216 = arith.addi %mul3A_139, %add3A_215 : i32
          %add3A_217 = arith.constant 4 : i32
          %add3A_218 = arith.addi %add3A_216, %add3A_217 : i32
          %dma_start3A_219 = arith.constant 0 : i32
          %dma_start3A_220 = tpu.memref_slice %arg7[%add3A_218, %dma_start3A_219] : memref<16x64xi32, #tpu.memory_space<vmem>> -> memref<1x64xi32, #tpu.memory_space<vmem>>
          %dma_start3A_221 = tpu.memref_squeeze %dma_start3A_220 : memref<1x64xi32, #tpu.memory_space<vmem>> -> memref<64xi32, #tpu.memory_space<vmem>>
          %dma_start3A_222 = arith.constant 0 : i32
          %dma_start3A_223 = arith.constant 0 : i32
          %dma_start3A_224 = tpu.memref_slice %arg2[%dma_start3A_222, %dma_start3A_223] : memref<10240x128xf32, #tpu.memory_space<hbm>> -> memref<10240x128xf32, #tpu.memory_space<hbm>>
          tpu.enqueue_indirect_dma source(%dma_start3A_224 : memref<10240x128xf32, #tpu.memory_space<hbm>>) target(%arg14 : memref<64x128xf32, #tpu.memory_space<vmem>>) offsets(%dma_start3A_221 : memref<64xi32, #tpu.memory_space<vmem>>) semaphore(%arg18 : memref<!tpu.dma_semaphore, #tpu.memory_space<semaphore_mem>>)
        } else {
        }
        %add3A_177 = arith.constant 2 : i32
        %add3A_178 = arith.addi %mul3A_139, %add3A_177 : i32
        %dma_wait3A_179 = arith.constant 0 : i32
        %dma_wait3A_180 = tpu.memref_slice %arg7[%add3A_178, %dma_wait3A_179] : memref<16x64xi32, #tpu.memory_space<vmem>> -> memref<1x64xi32, #tpu.memory_space<vmem>>
        %dma_wait3A_181 = tpu.memref_squeeze %dma_wait3A_180 : memref<1x64xi32, #tpu.memory_space<vmem>> -> memref<64xi32, #tpu.memory_space<vmem>>
        %dma_wait3A_182 = arith.constant 0 : i32
        %dma_wait3A_183 = arith.constant 0 : i32
        %dma_wait3A_184 = tpu.memref_slice %arg2[%dma_wait3A_182, %dma_wait3A_183] : memref<10240x128xf32, #tpu.memory_space<hbm>> -> memref<10240x128xf32, #tpu.memory_space<hbm>>
        tpu.wait_indirect_dma semaphore(%arg19 : memref<!tpu.dma_semaphore, #tpu.memory_space<semaphore_mem>>) src(%dma_wait3A_184 : memref<10240x128xf32, #tpu.memory_space<hbm>>) dst(%arg15 : memref<64x128xf32, #tpu.memory_space<vmem>>)
        %add3A_185 = arith.constant 2 : i32
        %add3A_186 = arith.addi %mul3A_139, %add3A_185 : i32
        "tpu.region"() ({
          %run_scoped3A = tpu.sem_alloc : memref<!tpu.dma_semaphore, #tpu.memory_space<semaphore_mem>>
          %dma_start3A_215 = arith.constant 0 : i32
          %dma_start3A_216 = tpu.memref_slice %arg8[%add3A_186, %dma_start3A_215] : memref<16x64xi32, #tpu.memory_space<vmem>> -> memref<1x64xi32, #tpu.memory_space<vmem>>
          %dma_start3A_217 = tpu.memref_squeeze %dma_start3A_216 : memref<1x64xi32, #tpu.memory_space<vmem>> -> memref<64xi32, #tpu.memory_space<vmem>>
          %dma_start3A_218 = arith.constant 0 : i32
          %dma_start3A_219 = arith.constant 0 : i32
          %dma_start3A_220 = tpu.memref_slice %arg11[%dma_start3A_218, %dma_start3A_219] : memref<10240x128xf32, #tpu.memory_space<vmem_shared>> -> memref<10240x128xf32, #tpu.memory_space<vmem_shared>>
          tpu.enqueue_indirect_dma source(%arg15 : memref<64x128xf32, #tpu.memory_space<vmem>>) target(%dma_start3A_220 : memref<10240x128xf32, #tpu.memory_space<vmem_shared>>) offsets(%dma_start3A_217 : memref<64xi32, #tpu.memory_space<vmem>>) semaphore(%run_scoped3A : memref<!tpu.dma_semaphore, #tpu.memory_space<semaphore_mem>>) {add = true}
          %dma_wait3A_221 = arith.constant 0 : i32
          %dma_wait3A_222 = tpu.memref_slice %arg8[%add3A_186, %dma_wait3A_221] : memref<16x64xi32, #tpu.memory_space<vmem>> -> memref<1x64xi32, #tpu.memory_space<vmem>>
          %dma_wait3A_223 = tpu.memref_squeeze %dma_wait3A_222 : memref<1x64xi32, #tpu.memory_space<vmem>> -> memref<64xi32, #tpu.memory_space<vmem>>
          %dma_wait3A_224 = arith.constant 0 : i32
          %dma_wait3A_225 = arith.constant 0 : i32
          %dma_wait3A_226 = tpu.memref_slice %arg11[%dma_wait3A_224, %dma_wait3A_225] : memref<10240x128xf32, #tpu.memory_space<vmem_shared>> -> memref<10240x128xf32, #tpu.memory_space<vmem_shared>>
          tpu.wait_indirect_dma semaphore(%run_scoped3A : memref<!tpu.dma_semaphore, #tpu.memory_space<semaphore_mem>>) src(%arg15 : memref<64x128xf32, #tpu.memory_space<vmem>>) dst(%dma_wait3A_226 : memref<10240x128xf32, #tpu.memory_space<vmem_shared>>)
          tpu.yield
        }) : () -> ()
        %add3A_187 = arith.constant 2 : i32
        %add3A_188 = arith.addi %mul3A_139, %add3A_187 : i32
        %add3A_189 = arith.constant 4 : i32
        %add3A_190 = arith.addi %add3A_188, %add3A_189 : i32
        %lt3A_191 = arith.constant 16 : i32
        %lt3A_192 = arith.cmpi slt, %add3A_190, %lt3A_191 : i32
        %convert_element_type3A_193 = arith.extui %lt3A_192 : i1 to i32
        %cond3A_194 = arith.constant 0 : i32
        %cond3A_195 = arith.cmpi ne, %convert_element_type3A_193, %cond3A_194 : i32
        scf.if %cond3A_195 {
          %add3A_215 = arith.constant 2 : i32
          %add3A_216 = arith.addi %mul3A_139, %add3A_215 : i32
          %add3A_217 = arith.constant 4 : i32
          %add3A_218 = arith.addi %add3A_216, %add3A_217 : i32
          %dma_start3A_219 = arith.constant 0 : i32
          %dma_start3A_220 = tpu.memref_slice %arg7[%add3A_218, %dma_start3A_219] : memref<16x64xi32, #tpu.memory_space<vmem>> -> memref<1x64xi32, #tpu.memory_space<vmem>>
          %dma_start3A_221 = tpu.memref_squeeze %dma_start3A_220 : memref<1x64xi32, #tpu.memory_space<vmem>> -> memref<64xi32, #tpu.memory_space<vmem>>
          %dma_start3A_222 = arith.constant 0 : i32
          %dma_start3A_223 = arith.constant 0 : i32
          %dma_start3A_224 = tpu.memref_slice %arg2[%dma_start3A_222, %dma_start3A_223] : memref<10240x128xf32, #tpu.memory_space<hbm>> -> memref<10240x128xf32, #tpu.memory_space<hbm>>
          tpu.enqueue_indirect_dma source(%dma_start3A_224 : memref<10240x128xf32, #tpu.memory_space<hbm>>) target(%arg15 : memref<64x128xf32, #tpu.memory_space<vmem>>) offsets(%dma_start3A_221 : memref<64xi32, #tpu.memory_space<vmem>>) semaphore(%arg19 : memref<!tpu.dma_semaphore, #tpu.memory_space<semaphore_mem>>)
        } else {
        }
        %add3A_196 = arith.constant 3 : i32
        %add3A_197 = arith.addi %mul3A_139, %add3A_196 : i32
        %dma_wait3A_198 = arith.constant 0 : i32
        %dma_wait3A_199 = tpu.memref_slice %arg7[%add3A_197, %dma_wait3A_198] : memref<16x64xi32, #tpu.memory_space<vmem>> -> memref<1x64xi32, #tpu.memory_space<vmem>>
        %dma_wait3A_200 = tpu.memref_squeeze %dma_wait3A_199 : memref<1x64xi32, #tpu.memory_space<vmem>> -> memref<64xi32, #tpu.memory_space<vmem>>
        %dma_wait3A_201 = arith.constant 0 : i32
        %dma_wait3A_202 = arith.constant 0 : i32
        %dma_wait3A_203 = tpu.memref_slice %arg2[%dma_wait3A_201, %dma_wait3A_202] : memref<10240x128xf32, #tpu.memory_space<hbm>> -> memref<10240x128xf32, #tpu.memory_space<hbm>>
        tpu.wait_indirect_dma semaphore(%arg20 : memref<!tpu.dma_semaphore, #tpu.memory_space<semaphore_mem>>) src(%dma_wait3A_203 : memref<10240x128xf32, #tpu.memory_space<hbm>>) dst(%arg16 : memref<64x128xf32, #tpu.memory_space<vmem>>)
        %add3A_204 = arith.constant 3 : i32
        %add3A_205 = arith.addi %mul3A_139, %add3A_204 : i32
        "tpu.region"() ({
          %run_scoped3A = tpu.sem_alloc : memref<!tpu.dma_semaphore, #tpu.memory_space<semaphore_mem>>
          %dma_start3A_215 = arith.constant 0 : i32
          %dma_start3A_216 = tpu.memref_slice %arg8[%add3A_205, %dma_start3A_215] : memref<16x64xi32, #tpu.memory_space<vmem>> -> memref<1x64xi32, #tpu.memory_space<vmem>>
          %dma_start3A_217 = tpu.memref_squeeze %dma_start3A_216 : memref<1x64xi32, #tpu.memory_space<vmem>> -> memref<64xi32, #tpu.memory_space<vmem>>
          %dma_start3A_218 = arith.constant 0 : i32
          %dma_start3A_219 = arith.constant 0 : i32
          %dma_start3A_220 = tpu.memref_slice %arg11[%dma_start3A_218, %dma_start3A_219] : memref<10240x128xf32, #tpu.memory_space<vmem_shared>> -> memref<10240x128xf32, #tpu.memory_space<vmem_shared>>
          tpu.enqueue_indirect_dma source(%arg16 : memref<64x128xf32, #tpu.memory_space<vmem>>) target(%dma_start3A_220 : memref<10240x128xf32, #tpu.memory_space<vmem_shared>>) offsets(%dma_start3A_217 : memref<64xi32, #tpu.memory_space<vmem>>) semaphore(%run_scoped3A : memref<!tpu.dma_semaphore, #tpu.memory_space<semaphore_mem>>) {add = true}
          %dma_wait3A_221 = arith.constant 0 : i32
          %dma_wait3A_222 = tpu.memref_slice %arg8[%add3A_205, %dma_wait3A_221] : memref<16x64xi32, #tpu.memory_space<vmem>> -> memref<1x64xi32, #tpu.memory_space<vmem>>
          %dma_wait3A_223 = tpu.memref_squeeze %dma_wait3A_222 : memref<1x64xi32, #tpu.memory_space<vmem>> -> memref<64xi32, #tpu.memory_space<vmem>>
          %dma_wait3A_224 = arith.constant 0 : i32
          %dma_wait3A_225 = arith.constant 0 : i32
          %dma_wait3A_226 = tpu.memref_slice %arg11[%dma_wait3A_224, %dma_wait3A_225] : memref<10240x128xf32, #tpu.memory_space<vmem_shared>> -> memref<10240x128xf32, #tpu.memory_space<vmem_shared>>
          tpu.wait_indirect_dma semaphore(%run_scoped3A : memref<!tpu.dma_semaphore, #tpu.memory_space<semaphore_mem>>) src(%arg16 : memref<64x128xf32, #tpu.memory_space<vmem>>) dst(%dma_wait3A_226 : memref<10240x128xf32, #tpu.memory_space<vmem_shared>>)
          tpu.yield
        }) : () -> ()
        %add3A_206 = arith.constant 3 : i32
        %add3A_207 = arith.addi %mul3A_139, %add3A_206 : i32
        %add3A_208 = arith.constant 4 : i32
        %add3A_209 = arith.addi %add3A_207, %add3A_208 : i32
        %lt3A_210 = arith.constant 16 : i32
        %lt3A_211 = arith.cmpi slt, %add3A_209, %lt3A_210 : i32
        %convert_element_type3A_212 = arith.extui %lt3A_211 : i1 to i32
        %cond3A_213 = arith.constant 0 : i32
        %cond3A_214 = arith.cmpi ne, %convert_element_type3A_212, %cond3A_213 : i32
        scf.if %cond3A_214 {
          %add3A_215 = arith.constant 3 : i32
          %add3A_216 = arith.addi %mul3A_139, %add3A_215 : i32
          %add3A_217 = arith.constant 4 : i32
          %add3A_218 = arith.addi %add3A_216, %add3A_217 : i32
          %dma_start3A_219 = arith.constant 0 : i32
          %dma_start3A_220 = tpu.memref_slice %arg7[%add3A_218, %dma_start3A_219] : memref<16x64xi32, #tpu.memory_space<vmem>> -> memref<1x64xi32, #tpu.memory_space<vmem>>
          %dma_start3A_221 = tpu.memref_squeeze %dma_start3A_220 : memref<1x64xi32, #tpu.memory_space<vmem>> -> memref<64xi32, #tpu.memory_space<vmem>>
          %dma_start3A_222 = arith.constant 0 : i32
          %dma_start3A_223 = arith.constant 0 : i32
          %dma_start3A_224 = tpu.memref_slice %arg2[%dma_start3A_222, %dma_start3A_223] : memref<10240x128xf32, #tpu.memory_space<hbm>> -> memref<10240x128xf32, #tpu.memory_space<hbm>>
          tpu.enqueue_indirect_dma source(%dma_start3A_224 : memref<10240x128xf32, #tpu.memory_space<hbm>>) target(%arg16 : memref<64x128xf32, #tpu.memory_space<vmem>>) offsets(%dma_start3A_221 : memref<64xi32, #tpu.memory_space<vmem>>) semaphore(%arg20 : memref<!tpu.dma_semaphore, #tpu.memory_space<semaphore_mem>>)
        } else {
        }
      }
      %scan3A_67 = arith.constant 4 : i32
      %add3A_68 = arith.constant 1 : i32
      %add3A_69 = arith.addi %mul3A_20, %add3A_68 : i32
      %lt3A_70 = arith.constant 10 : i32
      %lt3A_71 = arith.cmpi slt, %add3A_69, %lt3A_70 : i32
      %convert_element_type3A_72 = arith.extui %lt3A_71 : i1 to i32
      %cond3A_73 = arith.constant 0 : i32
      %cond3A_74 = arith.cmpi ne, %convert_element_type3A_72, %cond3A_73 : i32
      scf.if %cond3A_74 {
        %dma_wait3A = arith.constant 0 : i32
        %dma_wait3A_137 = tpu.memref_slice %arg3[%add3A_25, %dma_wait3A] : memref<5120x64xi32, #tpu.memory_space<hbm>> -> memref<16x64xi32, #tpu.memory_space<hbm>>
        %dma_wait3A_138 = arith.constant 0 : i32
        %dma_wait3A_139 = tpu.memref_slice %arg3[%add3A_25, %dma_wait3A_138] : memref<5120x64xi32, #tpu.memory_space<hbm>> -> memref<16x64xi32, #tpu.memory_space<hbm>>
        tpu.wait_dma2 semaphore(%arg12 : memref<!tpu.dma_semaphore, #tpu.memory_space<semaphore_mem>>) src(%dma_wait3A_139 : memref<16x64xi32, #tpu.memory_space<hbm>>) dst(%arg9 : memref<16x64xi32, #tpu.memory_space<vmem>>)
        %dma_wait3A_140 = arith.constant 0 : i32
        %dma_wait3A_141 = tpu.memref_slice %arg4[%add3A_30, %dma_wait3A_140] : memref<5120x64xi32, #tpu.memory_space<hbm>> -> memref<16x64xi32, #tpu.memory_space<hbm>>
        %dma_wait3A_142 = arith.constant 0 : i32
        %dma_wait3A_143 = tpu.memref_slice %arg4[%add3A_30, %dma_wait3A_142] : memref<5120x64xi32, #tpu.memory_space<hbm>> -> memref<16x64xi32, #tpu.memory_space<hbm>>
        tpu.wait_dma2 semaphore(%arg12 : memref<!tpu.dma_semaphore, #tpu.memory_space<semaphore_mem>>) src(%dma_wait3A_143 : memref<16x64xi32, #tpu.memory_space<hbm>>) dst(%arg10 : memref<16x64xi32, #tpu.memory_space<vmem>>)
      } else {
      }
      %mul3A_75 = arith.constant 2 : i32
      %mul3A_76 = arith.muli %mul3A_75, %scan3A_18 : i32
      %add3A_77 = arith.constant 1 : i32
      %add3A_78 = arith.addi %mul3A_76, %add3A_77 : i32
      %add3A_79 = arith.constant 1 : i32
      %add3A_80 = arith.addi %add3A_78, %add3A_79 : i32
      %mul3A_81 = arith.constant 16 : i32
      %mul3A_82 = arith.muli %add3A_80, %mul3A_81 : i32
      %add3A_83 = arith.addi %mul3A_2, %mul3A_82 : i32
      %add3A_84 = arith.constant 1 : i32
      %add3A_85 = arith.addi %add3A_78, %add3A_84 : i32
      %mul3A_86 = arith.constant 16 : i32
      %mul3A_87 = arith.muli %add3A_85, %mul3A_86 : i32
      %add3A_88 = arith.addi %mul3A_2, %mul3A_87 : i32
      %add3A_89 = arith.constant 1 : i32
      %add3A_90 = arith.addi %add3A_78, %add3A_89 : i32
      %lt3A_91 = arith.constant 10 : i32
      %lt3A_92 = arith.cmpi slt, %add3A_90, %lt3A_91 : i32
      %convert_element_type3A_93 = arith.extui %lt3A_92 : i1 to i32
      %cond3A_94 = arith.constant 0 : i32
      %cond3A_95 = arith.cmpi ne, %convert_element_type3A_93, %cond3A_94 : i32
      scf.if %cond3A_95 {
        %dma_start3A_137 = arith.constant 0 : i32
        %dma_start3A_138 = tpu.memref_slice %arg3[%add3A_83, %dma_start3A_137] : memref<5120x64xi32, #tpu.memory_space<hbm>> -> memref<16x64xi32, #tpu.memory_space<hbm>>
        %dma_start3A_139 = arith.constant 0 : i32
        %dma_start3A_140 = tpu.memref_slice %arg3[%add3A_83, %dma_start3A_139] : memref<5120x64xi32, #tpu.memory_space<hbm>> -> memref<16x64xi32, #tpu.memory_space<hbm>>
        tpu.enqueue_dma source(%dma_start3A_140 : memref<16x64xi32, #tpu.memory_space<hbm>>) target(%arg7 : memref<16x64xi32, #tpu.memory_space<vmem>>) target_semaphore(%arg12 : memref<!tpu.dma_semaphore, #tpu.memory_space<semaphore_mem>>)
        %dma_start3A_141 = arith.constant 0 : i32
        %dma_start3A_142 = tpu.memref_slice %arg4[%add3A_88, %dma_start3A_141] : memref<5120x64xi32, #tpu.memory_space<hbm>> -> memref<16x64xi32, #tpu.memory_space<hbm>>
        %dma_start3A_143 = arith.constant 0 : i32
        %dma_start3A_144 = tpu.memref_slice %arg4[%add3A_88, %dma_start3A_143] : memref<5120x64xi32, #tpu.memory_space<hbm>> -> memref<16x64xi32, #tpu.memory_space<hbm>>
        tpu.enqueue_dma source(%dma_start3A_144 : memref<16x64xi32, #tpu.memory_space<hbm>>) target(%arg8 : memref<16x64xi32, #tpu.memory_space<vmem>>) target_semaphore(%arg12 : memref<!tpu.dma_semaphore, #tpu.memory_space<semaphore_mem>>)
      } else {
      }
      %dma_start3A_96 = arith.constant 0 : i32
      %dma_start3A_97 = arith.constant 0 : i32
      %dma_start3A_98 = tpu.memref_slice %arg9[%dma_start3A_96, %dma_start3A_97] : memref<16x64xi32, #tpu.memory_space<vmem>> -> memref<1x64xi32, #tpu.memory_space<vmem>>
      %dma_start3A_99 = tpu.memref_squeeze %dma_start3A_98 : memref<1x64xi32, #tpu.memory_space<vmem>> -> memref<64xi32, #tpu.memory_space<vmem>>
      %dma_start3A_100 = arith.constant 0 : i32
      %dma_start3A_101 = arith.constant 0 : i32
      %dma_start3A_102 = tpu.memref_slice %arg2[%dma_start3A_100, %dma_start3A_101] : memref<10240x128xf32, #tpu.memory_space<hbm>> -> memref<10240x128xf32, #tpu.memory_space<hbm>>
      tpu.enqueue_indirect_dma source(%dma_start3A_102 : memref<10240x128xf32, #tpu.memory_space<hbm>>) target(%arg13 : memref<64x128xf32, #tpu.memory_space<vmem>>) offsets(%dma_start3A_99 : memref<64xi32, #tpu.memory_space<vmem>>) semaphore(%arg17 : memref<!tpu.dma_semaphore, #tpu.memory_space<semaphore_mem>>)
      %dma_start3A_103 = arith.constant 1 : i32
      %dma_start3A_104 = arith.constant 0 : i32
      %dma_start3A_105 = tpu.memref_slice %arg9[%dma_start3A_103, %dma_start3A_104] : memref<16x64xi32, #tpu.memory_space<vmem>> -> memref<1x64xi32, #tpu.memory_space<vmem>>
      %dma_start3A_106 = tpu.memref_squeeze %dma_start3A_105 : memref<1x64xi32, #tpu.memory_space<vmem>> -> memref<64xi32, #tpu.memory_space<vmem>>
      %dma_start3A_107 = arith.constant 0 : i32
      %dma_start3A_108 = arith.constant 0 : i32
      %dma_start3A_109 = tpu.memref_slice %arg2[%dma_start3A_107, %dma_start3A_108] : memref<10240x128xf32, #tpu.memory_space<hbm>> -> memref<10240x128xf32, #tpu.memory_space<hbm>>
      tpu.enqueue_indirect_dma source(%dma_start3A_109 : memref<10240x128xf32, #tpu.memory_space<hbm>>) target(%arg14 : memref<64x128xf32, #tpu.memory_space<vmem>>) offsets(%dma_start3A_106 : memref<64xi32, #tpu.memory_space<vmem>>) semaphore(%arg18 : memref<!tpu.dma_semaphore, #tpu.memory_space<semaphore_mem>>)
      %dma_start3A_110 = arith.constant 2 : i32
      %dma_start3A_111 = arith.constant 0 : i32
      %dma_start3A_112 = tpu.memref_slice %arg9[%dma_start3A_110, %dma_start3A_111] : memref<16x64xi32, #tpu.memory_space<vmem>> -> memref<1x64xi32, #tpu.memory_space<vmem>>
      %dma_start3A_113 = tpu.memref_squeeze %dma_start3A_112 : memref<1x64xi32, #tpu.memory_space<vmem>> -> memref<64xi32, #tpu.memory_space<vmem>>
      %dma_start3A_114 = arith.constant 0 : i32
      %dma_start3A_115 = arith.constant 0 : i32
      %dma_start3A_116 = tpu.memref_slice %arg2[%dma_start3A_114, %dma_start3A_115] : memref<10240x128xf32, #tpu.memory_space<hbm>> -> memref<10240x128xf32, #tpu.memory_space<hbm>>
      tpu.enqueue_indirect_dma source(%dma_start3A_116 : memref<10240x128xf32, #tpu.memory_space<hbm>>) target(%arg15 : memref<64x128xf32, #tpu.memory_space<vmem>>) offsets(%dma_start3A_113 : memref<64xi32, #tpu.memory_space<vmem>>) semaphore(%arg19 : memref<!tpu.dma_semaphore, #tpu.memory_space<semaphore_mem>>)
      %dma_start3A_117 = arith.constant 3 : i32
      %dma_start3A_118 = arith.constant 0 : i32
      %dma_start3A_119 = tpu.memref_slice %arg9[%dma_start3A_117, %dma_start3A_118] : memref<16x64xi32, #tpu.memory_space<vmem>> -> memref<1x64xi32, #tpu.memory_space<vmem>>
      %dma_start3A_120 = tpu.memref_squeeze %dma_start3A_119 : memref<1x64xi32, #tpu.memory_space<vmem>> -> memref<64xi32, #tpu.memory_space<vmem>>
      %dma_start3A_121 = arith.constant 0 : i32
      %dma_start3A_122 = arith.constant 0 : i32
      %dma_start3A_123 = tpu.memref_slice %arg2[%dma_start3A_121, %dma_start3A_122] : memref<10240x128xf32, #tpu.memory_space<hbm>> -> memref<10240x128xf32, #tpu.memory_space<hbm>>
      tpu.enqueue_indirect_dma source(%dma_start3A_123 : memref<10240x128xf32, #tpu.memory_space<hbm>>) target(%arg16 : memref<64x128xf32, #tpu.memory_space<vmem>>) offsets(%dma_start3A_120 : memref<64xi32, #tpu.memory_space<vmem>>) semaphore(%arg20 : memref<!tpu.dma_semaphore, #tpu.memory_space<semaphore_mem>>)
      %scan3A_124 = arith.constant 0 : i32
      %scan3A_125 = arith.constant 0 : i32
      %scan3A_126 = arith.constant 4 : i32
      %scan3A_127 = arith.addi %scan3A_125, %scan3A_126 : i32
      %scan3A_128 = arith.constant 1 : i32
      scf.for %scan3A_137 = %scan3A_125 to %scan3A_127 step %scan3A_128  : i32 {
        %mul3A_138 = arith.constant 4 : i32
        %mul3A_139 = arith.muli %scan3A_137, %mul3A_138 : i32
        %add3A_140 = arith.constant 0 : i32
        %add3A_141 = arith.addi %mul3A_139, %add3A_140 : i32
        %dma_wait3A = arith.constant 0 : i32
        %dma_wait3A_142 = tpu.memref_slice %arg9[%add3A_141, %dma_wait3A] : memref<16x64xi32, #tpu.memory_space<vmem>> -> memref<1x64xi32, #tpu.memory_space<vmem>>
        %dma_wait3A_143 = tpu.memref_squeeze %dma_wait3A_142 : memref<1x64xi32, #tpu.memory_space<vmem>> -> memref<64xi32, #tpu.memory_space<vmem>>
        %dma_wait3A_144 = arith.constant 0 : i32
        %dma_wait3A_145 = arith.constant 0 : i32
        %dma_wait3A_146 = tpu.memref_slice %arg2[%dma_wait3A_144, %dma_wait3A_145] : memref<10240x128xf32, #tpu.memory_space<hbm>> -> memref<10240x128xf32, #tpu.memory_space<hbm>>
        tpu.wait_indirect_dma semaphore(%arg17 : memref<!tpu.dma_semaphore, #tpu.memory_space<semaphore_mem>>) src(%dma_wait3A_146 : memref<10240x128xf32, #tpu.memory_space<hbm>>) dst(%arg13 : memref<64x128xf32, #tpu.memory_space<vmem>>)
        %add3A_147 = arith.constant 0 : i32
        %add3A_148 = arith.addi %mul3A_139, %add3A_147 : i32
        "tpu.region"() ({
          %run_scoped3A = tpu.sem_alloc : memref<!tpu.dma_semaphore, #tpu.memory_space<semaphore_mem>>
          %dma_start3A_215 = arith.constant 0 : i32
          %dma_start3A_216 = tpu.memref_slice %arg10[%add3A_148, %dma_start3A_215] : memref<16x64xi32, #tpu.memory_space<vmem>> -> memref<1x64xi32, #tpu.memory_space<vmem>>
          %dma_start3A_217 = tpu.memref_squeeze %dma_start3A_216 : memref<1x64xi32, #tpu.memory_space<vmem>> -> memref<64xi32, #tpu.memory_space<vmem>>
          %dma_start3A_218 = arith.constant 0 : i32
          %dma_start3A_219 = arith.constant 0 : i32
          %dma_start3A_220 = tpu.memref_slice %arg11[%dma_start3A_218, %dma_start3A_219] : memref<10240x128xf32, #tpu.memory_space<vmem_shared>> -> memref<10240x128xf32, #tpu.memory_space<vmem_shared>>
          tpu.enqueue_indirect_dma source(%arg13 : memref<64x128xf32, #tpu.memory_space<vmem>>) target(%dma_start3A_220 : memref<10240x128xf32, #tpu.memory_space<vmem_shared>>) offsets(%dma_start3A_217 : memref<64xi32, #tpu.memory_space<vmem>>) semaphore(%run_scoped3A : memref<!tpu.dma_semaphore, #tpu.memory_space<semaphore_mem>>) {add = true}
          %dma_wait3A_221 = arith.constant 0 : i32
          %dma_wait3A_222 = tpu.memref_slice %arg10[%add3A_148, %dma_wait3A_221] : memref<16x64xi32, #tpu.memory_space<vmem>> -> memref<1x64xi32, #tpu.memory_space<vmem>>
          %dma_wait3A_223 = tpu.memref_squeeze %dma_wait3A_222 : memref<1x64xi32, #tpu.memory_space<vmem>> -> memref<64xi32, #tpu.memory_space<vmem>>
          %dma_wait3A_224 = arith.constant 0 : i32
          %dma_wait3A_225 = arith.constant 0 : i32
          %dma_wait3A_226 = tpu.memref_slice %arg11[%dma_wait3A_224, %dma_wait3A_225] : memref<10240x128xf32, #tpu.memory_space<vmem_shared>> -> memref<10240x128xf32, #tpu.memory_space<vmem_shared>>
          tpu.wait_indirect_dma semaphore(%run_scoped3A : memref<!tpu.dma_semaphore, #tpu.memory_space<semaphore_mem>>) src(%arg13 : memref<64x128xf32, #tpu.memory_space<vmem>>) dst(%dma_wait3A_226 : memref<10240x128xf32, #tpu.memory_space<vmem_shared>>)
          tpu.yield
        }) : () -> ()
        %add3A_149 = arith.constant 0 : i32
        %add3A_150 = arith.addi %mul3A_139, %add3A_149 : i32
        %add3A_151 = arith.constant 4 : i32
        %add3A_152 = arith.addi %add3A_150, %add3A_151 : i32
        %lt3A_153 = arith.constant 16 : i32
        %lt3A_154 = arith.cmpi slt, %add3A_152, %lt3A_153 : i32
        %convert_element_type3A_155 = arith.extui %lt3A_154 : i1 to i32
        %cond3A_156 = arith.constant 0 : i32
        %cond3A_157 = arith.cmpi ne, %convert_element_type3A_155, %cond3A_156 : i32
        scf.if %cond3A_157 {
          %add3A_215 = arith.constant 0 : i32
          %add3A_216 = arith.addi %mul3A_139, %add3A_215 : i32
          %add3A_217 = arith.constant 4 : i32
          %add3A_218 = arith.addi %add3A_216, %add3A_217 : i32
          %dma_start3A_219 = arith.constant 0 : i32
          %dma_start3A_220 = tpu.memref_slice %arg9[%add3A_218, %dma_start3A_219] : memref<16x64xi32, #tpu.memory_space<vmem>> -> memref<1x64xi32, #tpu.memory_space<vmem>>
          %dma_start3A_221 = tpu.memref_squeeze %dma_start3A_220 : memref<1x64xi32, #tpu.memory_space<vmem>> -> memref<64xi32, #tpu.memory_space<vmem>>
          %dma_start3A_222 = arith.constant 0 : i32
          %dma_start3A_223 = arith.constant 0 : i32
          %dma_start3A_224 = tpu.memref_slice %arg2[%dma_start3A_222, %dma_start3A_223] : memref<10240x128xf32, #tpu.memory_space<hbm>> -> memref<10240x128xf32, #tpu.memory_space<hbm>>
          tpu.enqueue_indirect_dma source(%dma_start3A_224 : memref<10240x128xf32, #tpu.memory_space<hbm>>) target(%arg13 : memref<64x128xf32, #tpu.memory_space<vmem>>) offsets(%dma_start3A_221 : memref<64xi32, #tpu.memory_space<vmem>>) semaphore(%arg17 : memref<!tpu.dma_semaphore, #tpu.memory_space<semaphore_mem>>)
        } else {
        }
        %add3A_158 = arith.constant 1 : i32
        %add3A_159 = arith.addi %mul3A_139, %add3A_158 : i32
        %dma_wait3A_160 = arith.constant 0 : i32
        %dma_wait3A_161 = tpu.memref_slice %arg9[%add3A_159, %dma_wait3A_160] : memref<16x64xi32, #tpu.memory_space<vmem>> -> memref<1x64xi32, #tpu.memory_space<vmem>>
        %dma_wait3A_162 = tpu.memref_squeeze %dma_wait3A_161 : memref<1x64xi32, #tpu.memory_space<vmem>> -> memref<64xi32, #tpu.memory_space<vmem>>
        %dma_wait3A_163 = arith.constant 0 : i32
        %dma_wait3A_164 = arith.constant 0 : i32
        %dma_wait3A_165 = tpu.memref_slice %arg2[%dma_wait3A_163, %dma_wait3A_164] : memref<10240x128xf32, #tpu.memory_space<hbm>> -> memref<10240x128xf32, #tpu.memory_space<hbm>>
        tpu.wait_indirect_dma semaphore(%arg18 : memref<!tpu.dma_semaphore, #tpu.memory_space<semaphore_mem>>) src(%dma_wait3A_165 : memref<10240x128xf32, #tpu.memory_space<hbm>>) dst(%arg14 : memref<64x128xf32, #tpu.memory_space<vmem>>)
        %add3A_166 = arith.constant 1 : i32
        %add3A_167 = arith.addi %mul3A_139, %add3A_166 : i32
        "tpu.region"() ({
          %run_scoped3A = tpu.sem_alloc : memref<!tpu.dma_semaphore, #tpu.memory_space<semaphore_mem>>
          %dma_start3A_215 = arith.constant 0 : i32
          %dma_start3A_216 = tpu.memref_slice %arg10[%add3A_167, %dma_start3A_215] : memref<16x64xi32, #tpu.memory_space<vmem>> -> memref<1x64xi32, #tpu.memory_space<vmem>>
          %dma_start3A_217 = tpu.memref_squeeze %dma_start3A_216 : memref<1x64xi32, #tpu.memory_space<vmem>> -> memref<64xi32, #tpu.memory_space<vmem>>
          %dma_start3A_218 = arith.constant 0 : i32
          %dma_start3A_219 = arith.constant 0 : i32
          %dma_start3A_220 = tpu.memref_slice %arg11[%dma_start3A_218, %dma_start3A_219] : memref<10240x128xf32, #tpu.memory_space<vmem_shared>> -> memref<10240x128xf32, #tpu.memory_space<vmem_shared>>
          tpu.enqueue_indirect_dma source(%arg14 : memref<64x128xf32, #tpu.memory_space<vmem>>) target(%dma_start3A_220 : memref<10240x128xf32, #tpu.memory_space<vmem_shared>>) offsets(%dma_start3A_217 : memref<64xi32, #tpu.memory_space<vmem>>) semaphore(%run_scoped3A : memref<!tpu.dma_semaphore, #tpu.memory_space<semaphore_mem>>) {add = true}
          %dma_wait3A_221 = arith.constant 0 : i32
          %dma_wait3A_222 = tpu.memref_slice %arg10[%add3A_167, %dma_wait3A_221] : memref<16x64xi32, #tpu.memory_space<vmem>> -> memref<1x64xi32, #tpu.memory_space<vmem>>
          %dma_wait3A_223 = tpu.memref_squeeze %dma_wait3A_222 : memref<1x64xi32, #tpu.memory_space<vmem>> -> memref<64xi32, #tpu.memory_space<vmem>>
          %dma_wait3A_224 = arith.constant 0 : i32
          %dma_wait3A_225 = arith.constant 0 : i32
          %dma_wait3A_226 = tpu.memref_slice %arg11[%dma_wait3A_224, %dma_wait3A_225] : memref<10240x128xf32, #tpu.memory_space<vmem_shared>> -> memref<10240x128xf32, #tpu.memory_space<vmem_shared>>
          tpu.wait_indirect_dma semaphore(%run_scoped3A : memref<!tpu.dma_semaphore, #tpu.memory_space<semaphore_mem>>) src(%arg14 : memref<64x128xf32, #tpu.memory_space<vmem>>) dst(%dma_wait3A_226 : memref<10240x128xf32, #tpu.memory_space<vmem_shared>>)
          tpu.yield
        }) : () -> ()
        %add3A_168 = arith.constant 1 : i32
        %add3A_169 = arith.addi %mul3A_139, %add3A_168 : i32
        %add3A_170 = arith.constant 4 : i32
        %add3A_171 = arith.addi %add3A_169, %add3A_170 : i32
        %lt3A_172 = arith.constant 16 : i32
        %lt3A_173 = arith.cmpi slt, %add3A_171, %lt3A_172 : i32
        %convert_element_type3A_174 = arith.extui %lt3A_173 : i1 to i32
        %cond3A_175 = arith.constant 0 : i32
        %cond3A_176 = arith.cmpi ne, %convert_element_type3A_174, %cond3A_175 : i32
        scf.if %cond3A_176 {
          %add3A_215 = arith.constant 1 : i32
          %add3A_216 = arith.addi %mul3A_139, %add3A_215 : i32
          %add3A_217 = arith.constant 4 : i32
          %add3A_218 = arith.addi %add3A_216, %add3A_217 : i32
          %dma_start3A_219 = arith.constant 0 : i32
          %dma_start3A_220 = tpu.memref_slice %arg9[%add3A_218, %dma_start3A_219] : memref<16x64xi32, #tpu.memory_space<vmem>> -> memref<1x64xi32, #tpu.memory_space<vmem>>
          %dma_start3A_221 = tpu.memref_squeeze %dma_start3A_220 : memref<1x64xi32, #tpu.memory_space<vmem>> -> memref<64xi32, #tpu.memory_space<vmem>>
          %dma_start3A_222 = arith.constant 0 : i32
          %dma_start3A_223 = arith.constant 0 : i32
          %dma_start3A_224 = tpu.memref_slice %arg2[%dma_start3A_222, %dma_start3A_223] : memref<10240x128xf32, #tpu.memory_space<hbm>> -> memref<10240x128xf32, #tpu.memory_space<hbm>>
          tpu.enqueue_indirect_dma source(%dma_start3A_224 : memref<10240x128xf32, #tpu.memory_space<hbm>>) target(%arg14 : memref<64x128xf32, #tpu.memory_space<vmem>>) offsets(%dma_start3A_221 : memref<64xi32, #tpu.memory_space<vmem>>) semaphore(%arg18 : memref<!tpu.dma_semaphore, #tpu.memory_space<semaphore_mem>>)
        } else {
        }
        %add3A_177 = arith.constant 2 : i32
        %add3A_178 = arith.addi %mul3A_139, %add3A_177 : i32
        %dma_wait3A_179 = arith.constant 0 : i32
        %dma_wait3A_180 = tpu.memref_slice %arg9[%add3A_178, %dma_wait3A_179] : memref<16x64xi32, #tpu.memory_space<vmem>> -> memref<1x64xi32, #tpu.memory_space<vmem>>
        %dma_wait3A_181 = tpu.memref_squeeze %dma_wait3A_180 : memref<1x64xi32, #tpu.memory_space<vmem>> -> memref<64xi32, #tpu.memory_space<vmem>>
        %dma_wait3A_182 = arith.constant 0 : i32
        %dma_wait3A_183 = arith.constant 0 : i32
        %dma_wait3A_184 = tpu.memref_slice %arg2[%dma_wait3A_182, %dma_wait3A_183] : memref<10240x128xf32, #tpu.memory_space<hbm>> -> memref<10240x128xf32, #tpu.memory_space<hbm>>
        tpu.wait_indirect_dma semaphore(%arg19 : memref<!tpu.dma_semaphore, #tpu.memory_space<semaphore_mem>>) src(%dma_wait3A_184 : memref<10240x128xf32, #tpu.memory_space<hbm>>) dst(%arg15 : memref<64x128xf32, #tpu.memory_space<vmem>>)
        %add3A_185 = arith.constant 2 : i32
        %add3A_186 = arith.addi %mul3A_139, %add3A_185 : i32
        "tpu.region"() ({
          %run_scoped3A = tpu.sem_alloc : memref<!tpu.dma_semaphore, #tpu.memory_space<semaphore_mem>>
          %dma_start3A_215 = arith.constant 0 : i32
          %dma_start3A_216 = tpu.memref_slice %arg10[%add3A_186, %dma_start3A_215] : memref<16x64xi32, #tpu.memory_space<vmem>> -> memref<1x64xi32, #tpu.memory_space<vmem>>
          %dma_start3A_217 = tpu.memref_squeeze %dma_start3A_216 : memref<1x64xi32, #tpu.memory_space<vmem>> -> memref<64xi32, #tpu.memory_space<vmem>>
          %dma_start3A_218 = arith.constant 0 : i32
          %dma_start3A_219 = arith.constant 0 : i32
          %dma_start3A_220 = tpu.memref_slice %arg11[%dma_start3A_218, %dma_start3A_219] : memref<10240x128xf32, #tpu.memory_space<vmem_shared>> -> memref<10240x128xf32, #tpu.memory_space<vmem_shared>>
          tpu.enqueue_indirect_dma source(%arg15 : memref<64x128xf32, #tpu.memory_space<vmem>>) target(%dma_start3A_220 : memref<10240x128xf32, #tpu.memory_space<vmem_shared>>) offsets(%dma_start3A_217 : memref<64xi32, #tpu.memory_space<vmem>>) semaphore(%run_scoped3A : memref<!tpu.dma_semaphore, #tpu.memory_space<semaphore_mem>>) {add = true}
          %dma_wait3A_221 = arith.constant 0 : i32
          %dma_wait3A_222 = tpu.memref_slice %arg10[%add3A_186, %dma_wait3A_221] : memref<16x64xi32, #tpu.memory_space<vmem>> -> memref<1x64xi32, #tpu.memory_space<vmem>>
          %dma_wait3A_223 = tpu.memref_squeeze %dma_wait3A_222 : memref<1x64xi32, #tpu.memory_space<vmem>> -> memref<64xi32, #tpu.memory_space<vmem>>
          %dma_wait3A_224 = arith.constant 0 : i32
          %dma_wait3A_225 = arith.constant 0 : i32
          %dma_wait3A_226 = tpu.memref_slice %arg11[%dma_wait3A_224, %dma_wait3A_225] : memref<10240x128xf32, #tpu.memory_space<vmem_shared>> -> memref<10240x128xf32, #tpu.memory_space<vmem_shared>>
          tpu.wait_indirect_dma semaphore(%run_scoped3A : memref<!tpu.dma_semaphore, #tpu.memory_space<semaphore_mem>>) src(%arg15 : memref<64x128xf32, #tpu.memory_space<vmem>>) dst(%dma_wait3A_226 : memref<10240x128xf32, #tpu.memory_space<vmem_shared>>)
          tpu.yield
        }) : () -> ()
        %add3A_187 = arith.constant 2 : i32
        %add3A_188 = arith.addi %mul3A_139, %add3A_187 : i32
        %add3A_189 = arith.constant 4 : i32
        %add3A_190 = arith.addi %add3A_188, %add3A_189 : i32
        %lt3A_191 = arith.constant 16 : i32
        %lt3A_192 = arith.cmpi slt, %add3A_190, %lt3A_191 : i32
        %convert_element_type3A_193 = arith.extui %lt3A_192 : i1 to i32
        %cond3A_194 = arith.constant 0 : i32
        %cond3A_195 = arith.cmpi ne, %convert_element_type3A_193, %cond3A_194 : i32
        scf.if %cond3A_195 {
          %add3A_215 = arith.constant 2 : i32
          %add3A_216 = arith.addi %mul3A_139, %add3A_215 : i32
          %add3A_217 = arith.constant 4 : i32
          %add3A_218 = arith.addi %add3A_216, %add3A_217 : i32
          %dma_start3A_219 = arith.constant 0 : i32
          %dma_start3A_220 = tpu.memref_slice %arg9[%add3A_218, %dma_start3A_219] : memref<16x64xi32, #tpu.memory_space<vmem>> -> memref<1x64xi32, #tpu.memory_space<vmem>>
          %dma_start3A_221 = tpu.memref_squeeze %dma_start3A_220 : memref<1x64xi32, #tpu.memory_space<vmem>> -> memref<64xi32, #tpu.memory_space<vmem>>
          %dma_start3A_222 = arith.constant 0 : i32
          %dma_start3A_223 = arith.constant 0 : i32
          %dma_start3A_224 = tpu.memref_slice %arg2[%dma_start3A_222, %dma_start3A_223] : memref<10240x128xf32, #tpu.memory_space<hbm>> -> memref<10240x128xf32, #tpu.memory_space<hbm>>
          tpu.enqueue_indirect_dma source(%dma_start3A_224 : memref<10240x128xf32, #tpu.memory_space<hbm>>) target(%arg15 : memref<64x128xf32, #tpu.memory_space<vmem>>) offsets(%dma_start3A_221 : memref<64xi32, #tpu.memory_space<vmem>>) semaphore(%arg19 : memref<!tpu.dma_semaphore, #tpu.memory_space<semaphore_mem>>)
        } else {
        }
        %add3A_196 = arith.constant 3 : i32
        %add3A_197 = arith.addi %mul3A_139, %add3A_196 : i32
        %dma_wait3A_198 = arith.constant 0 : i32
        %dma_wait3A_199 = tpu.memref_slice %arg9[%add3A_197, %dma_wait3A_198] : memref<16x64xi32, #tpu.memory_space<vmem>> -> memref<1x64xi32, #tpu.memory_space<vmem>>
        %dma_wait3A_200 = tpu.memref_squeeze %dma_wait3A_199 : memref<1x64xi32, #tpu.memory_space<vmem>> -> memref<64xi32, #tpu.memory_space<vmem>>
        %dma_wait3A_201 = arith.constant 0 : i32
        %dma_wait3A_202 = arith.constant 0 : i32
        %dma_wait3A_203 = tpu.memref_slice %arg2[%dma_wait3A_201, %dma_wait3A_202] : memref<10240x128xf32, #tpu.memory_space<hbm>> -> memref<10240x128xf32, #tpu.memory_space<hbm>>
        tpu.wait_indirect_dma semaphore(%arg20 : memref<!tpu.dma_semaphore, #tpu.memory_space<semaphore_mem>>) src(%dma_wait3A_203 : memref<10240x128xf32, #tpu.memory_space<hbm>>) dst(%arg16 : memref<64x128xf32, #tpu.memory_space<vmem>>)
        %add3A_204 = arith.constant 3 : i32
        %add3A_205 = arith.addi %mul3A_139, %add3A_204 : i32
        "tpu.region"() ({
          %run_scoped3A = tpu.sem_alloc : memref<!tpu.dma_semaphore, #tpu.memory_space<semaphore_mem>>
          %dma_start3A_215 = arith.constant 0 : i32
          %dma_start3A_216 = tpu.memref_slice %arg10[%add3A_205, %dma_start3A_215] : memref<16x64xi32, #tpu.memory_space<vmem>> -> memref<1x64xi32, #tpu.memory_space<vmem>>
          %dma_start3A_217 = tpu.memref_squeeze %dma_start3A_216 : memref<1x64xi32, #tpu.memory_space<vmem>> -> memref<64xi32, #tpu.memory_space<vmem>>
          %dma_start3A_218 = arith.constant 0 : i32
          %dma_start3A_219 = arith.constant 0 : i32
          %dma_start3A_220 = tpu.memref_slice %arg11[%dma_start3A_218, %dma_start3A_219] : memref<10240x128xf32, #tpu.memory_space<vmem_shared>> -> memref<10240x128xf32, #tpu.memory_space<vmem_shared>>
          tpu.enqueue_indirect_dma source(%arg16 : memref<64x128xf32, #tpu.memory_space<vmem>>) target(%dma_start3A_220 : memref<10240x128xf32, #tpu.memory_space<vmem_shared>>) offsets(%dma_start3A_217 : memref<64xi32, #tpu.memory_space<vmem>>) semaphore(%run_scoped3A : memref<!tpu.dma_semaphore, #tpu.memory_space<semaphore_mem>>) {add = true}
          %dma_wait3A_221 = arith.constant 0 : i32
          %dma_wait3A_222 = tpu.memref_slice %arg10[%add3A_205, %dma_wait3A_221] : memref<16x64xi32, #tpu.memory_space<vmem>> -> memref<1x64xi32, #tpu.memory_space<vmem>>
          %dma_wait3A_223 = tpu.memref_squeeze %dma_wait3A_222 : memref<1x64xi32, #tpu.memory_space<vmem>> -> memref<64xi32, #tpu.memory_space<vmem>>
          %dma_wait3A_224 = arith.constant 0 : i32
          %dma_wait3A_225 = arith.constant 0 : i32
          %dma_wait3A_226 = tpu.memref_slice %arg11[%dma_wait3A_224, %dma_wait3A_225] : memref<10240x128xf32, #tpu.memory_space<vmem_shared>> -> memref<10240x128xf32, #tpu.memory_space<vmem_shared>>
          tpu.wait_indirect_dma semaphore(%run_scoped3A : memref<!tpu.dma_semaphore, #tpu.memory_space<semaphore_mem>>) src(%arg16 : memref<64x128xf32, #tpu.memory_space<vmem>>) dst(%dma_wait3A_226 : memref<10240x128xf32, #tpu.memory_space<vmem_shared>>)
          tpu.yield
        }) : () -> ()
        %add3A_206 = arith.constant 3 : i32
        %add3A_207 = arith.addi %mul3A_139, %add3A_206 : i32
        %add3A_208 = arith.constant 4 : i32
        %add3A_209 = arith.addi %add3A_207, %add3A_208 : i32
        %lt3A_210 = arith.constant 16 : i32
        %lt3A_211 = arith.cmpi slt, %add3A_209, %lt3A_210 : i32
        %convert_element_type3A_212 = arith.extui %lt3A_211 : i1 to i32
        %cond3A_213 = arith.constant 0 : i32
        %cond3A_214 = arith.cmpi ne, %convert_element_type3A_212, %cond3A_213 : i32
        scf.if %cond3A_214 {
          %add3A_215 = arith.constant 3 : i32
          %add3A_216 = arith.addi %mul3A_139, %add3A_215 : i32
          %add3A_217 = arith.constant 4 : i32
          %add3A_218 = arith.addi %add3A_216, %add3A_217 : i32
          %dma_start3A_219 = arith.constant 0 : i32
          %dma_start3A_220 = tpu.memref_slice %arg9[%add3A_218, %dma_start3A_219] : memref<16x64xi32, #tpu.memory_space<vmem>> -> memref<1x64xi32, #tpu.memory_space<vmem>>
          %dma_start3A_221 = tpu.memref_squeeze %dma_start3A_220 : memref<1x64xi32, #tpu.memory_space<vmem>> -> memref<64xi32, #tpu.memory_space<vmem>>
          %dma_start3A_222 = arith.constant 0 : i32
          %dma_start3A_223 = arith.constant 0 : i32
          %dma_start3A_224 = tpu.memref_slice %arg2[%dma_start3A_222, %dma_start3A_223] : memref<10240x128xf32, #tpu.memory_space<hbm>> -> memref<10240x128xf32, #tpu.memory_space<hbm>>
          tpu.enqueue_indirect_dma source(%dma_start3A_224 : memref<10240x128xf32, #tpu.memory_space<hbm>>) target(%arg16 : memref<64x128xf32, #tpu.memory_space<vmem>>) offsets(%dma_start3A_221 : memref<64xi32, #tpu.memory_space<vmem>>) semaphore(%arg20 : memref<!tpu.dma_semaphore, #tpu.memory_space<semaphore_mem>>)
        } else {
        }
      }
      %scan3A_129 = arith.constant 4 : i32
      %add3A_130 = arith.constant 1 : i32
      %add3A_131 = arith.addi %add3A_78, %add3A_130 : i32
      %lt3A_132 = arith.constant 10 : i32
      %lt3A_133 = arith.cmpi slt, %add3A_131, %lt3A_132 : i32
      %convert_element_type3A_134 = arith.extui %lt3A_133 : i1 to i32
      %cond3A_135 = arith.constant 0 : i32
      %cond3A_136 = arith.cmpi ne, %convert_element_type3A_134, %cond3A_135 : i32
      scf.if %cond3A_136 {
        %dma_wait3A = arith.constant 0 : i32
        %dma_wait3A_137 = tpu.memref_slice %arg3[%add3A_83, %dma_wait3A] : memref<5120x64xi32, #tpu.memory_space<hbm>> -> memref<16x64xi32, #tpu.memory_space<hbm>>
        %dma_wait3A_138 = arith.constant 0 : i32
        %dma_wait3A_139 = tpu.memref_slice %arg3[%add3A_83, %dma_wait3A_138] : memref<5120x64xi32, #tpu.memory_space<hbm>> -> memref<16x64xi32, #tpu.memory_space<hbm>>
        tpu.wait_dma2 semaphore(%arg12 : memref<!tpu.dma_semaphore, #tpu.memory_space<semaphore_mem>>) src(%dma_wait3A_139 : memref<16x64xi32, #tpu.memory_space<hbm>>) dst(%arg7 : memref<16x64xi32, #tpu.memory_space<vmem>>)
        %dma_wait3A_140 = arith.constant 0 : i32
        %dma_wait3A_141 = tpu.memref_slice %arg4[%add3A_88, %dma_wait3A_140] : memref<5120x64xi32, #tpu.memory_space<hbm>> -> memref<16x64xi32, #tpu.memory_space<hbm>>
        %dma_wait3A_142 = arith.constant 0 : i32
        %dma_wait3A_143 = tpu.memref_slice %arg4[%add3A_88, %dma_wait3A_142] : memref<5120x64xi32, #tpu.memory_space<hbm>> -> memref<16x64xi32, #tpu.memory_space<hbm>>
        tpu.wait_dma2 semaphore(%arg12 : memref<!tpu.dma_semaphore, #tpu.memory_space<semaphore_mem>>) src(%dma_wait3A_143 : memref<16x64xi32, #tpu.memory_space<hbm>>) dst(%arg8 : memref<16x64xi32, #tpu.memory_space<vmem>>)
      } else {
      }
    }
    %scan3A_9 = arith.constant 5 : i32
    %barrier3A_10 = arith.constant 0 : index
    tpu.barrier barrier_id(%barrier3A_10)
    %mul3A_11 = arith.constant 640 : i32
    %mul3A_12 = arith.muli %arg1, %mul3A_11 : i32
    %mul3A_13 = arith.constant 10240 : i32
    %mul3A_14 = arith.muli %arg0, %mul3A_13 : i32
    %mul3A_15 = arith.constant 640 : i32
    %mul3A_16 = arith.muli %arg1, %mul3A_15 : i32
    %add3A_17 = arith.addi %mul3A_14, %mul3A_16 : i32
    "tpu.region"() ({
      %run_scoped3A = tpu.sem_alloc : memref<!tpu.dma_semaphore, #tpu.memory_space<semaphore_mem>>
      %dma_start3A = arith.constant 0 : i32
      %dma_start3A_18 = tpu.memref_slice %arg6[%add3A_17, %dma_start3A] : memref<20480x128xf32, #tpu.memory_space<hbm>> -> memref<640x128xf32, #tpu.memory_space<hbm>>
      %dma_start3A_19 = arith.constant 0 : i32
      %dma_start3A_20 = tpu.memref_slice %arg11[%mul3A_12, %dma_start3A_19] : memref<10240x128xf32, #tpu.memory_space<vmem_shared>> -> memref<640x128xf32, #tpu.memory_space<vmem_shared>>
      tpu.enqueue_dma source(%dma_start3A_20 : memref<640x128xf32, #tpu.memory_space<vmem_shared>>) target(%dma_start3A_18 : memref<640x128xf32, #tpu.memory_space<hbm>>) target_semaphore(%run_scoped3A : memref<!tpu.dma_semaphore, #tpu.memory_space<semaphore_mem>>)
      %dma_wait3A = arith.constant 0 : i32
      %dma_wait3A_21 = tpu.memref_slice %arg6[%add3A_17, %dma_wait3A] : memref<20480x128xf32, #tpu.memory_space<hbm>> -> memref<640x128xf32, #tpu.memory_space<hbm>>
      %dma_wait3A_22 = arith.constant 0 : i32
      %dma_wait3A_23 = tpu.memref_slice %arg11[%mul3A_12, %dma_wait3A_22] : memref<10240x128xf32, #tpu.memory_space<vmem_shared>> -> memref<640x128xf32, #tpu.memory_space<vmem_shared>>
      tpu.wait_dma2 semaphore(%run_scoped3A : memref<!tpu.dma_semaphore, #tpu.memory_space<semaphore_mem>>) src(%dma_wait3A_23 : memref<640x128xf32, #tpu.memory_space<vmem_shared>>) dst(%dma_wait3A_21 : memref<640x128xf32, #tpu.memory_space<hbm>>)
      tpu.yield
    }) : () -> ()
    return
  }
}

module attributes {stable_mosaic.version = 14 : i64} {
  func.func @_tc1_body(%arg0: i32, %arg1: memref<512x128xf32, #tpu.memory_space<vmem>>, %arg2: memref<512x2xf32, #tpu.memory_space<vmem>>, %arg3: memref<128x256xf32, #tpu.memory_space<vmem>>, %arg4: memref<2x512x128xf32, #tpu.memory_space<vmem>>) attributes {dimension_semantics = [#tpu.dimension_semantics<arbitrary>], iteration_bounds = array<i64: 20>, scalar_prefetch = 0 : i64, scratch_operands = 0 : i64, tpu.core_type = #tpu.core_type<tc>, window_params = [{transform_indices = @transform_0, window_bounds = array<i64: 512, 128>}, {transform_indices = @transform_1, window_bounds = array<i64: 512, 2>}, {pipeline_mode = #tpu.pipeline_mode<synchronous>, transform_indices = @transform_2, window_bounds = array<i64: 128, 256>}, {transform_indices = @transform_3, window_bounds = array<i64: 2, 512, 128>}]} {
    %get3A = arith.constant 0 : index
    %get3A_0 = arith.constant 0 : index
    %get3A_1 = vector.load %arg1[%get3A, %get3A_0] : memref<512x128xf32, #tpu.memory_space<vmem>>, vector<512x128xf32>
    %get3A_2 = arith.constant 0 : index
    %get3A_3 = arith.constant 0 : index
    %get3A_4 = vector.load %arg3[%get3A_2, %get3A_3] : memref<128x256xf32, #tpu.memory_space<vmem>>, vector<128x256xf32>
    %dot_general3A = arith.constant dense<0.000000e+00> : vector<512x256xf32>
    %dot_general3A_5 = tpu.matmul %get3A_1, %get3A_4, %dot_general3A {dimension_numbers = #tpu.dot_dimension_numbers<[1], [0], [0], [1], [0, 0, 1, 1], [], []>, transpose_lhs_hint = false} : vector<512x128xf32>, vector<128x256xf32>, vector<512x256xf32> -> vector<512x256xf32>
    %get3A_6 = arith.constant 0 : index
    %get3A_7 = arith.constant 0 : index
    %get3A_8 = vector.load %arg2[%get3A_6, %get3A_7] : memref<512x2xf32, #tpu.memory_space<vmem>>, vector<512x2xf32>
    %slice3A = vector.extract_strided_slice %get3A_8 {offsets = [0, 0], sizes = [512, 1], strides = [1, 1]} : vector<512x2xf32> to vector<512x1xf32>
    %slice3A_9 = vector.extract_strided_slice %get3A_8 {offsets = [0, 1], sizes = [512, 1], strides = [1, 1]} : vector<512x2xf32> to vector<512x1xf32>
    %add3A = arith.addf %slice3A, %slice3A_9 : vector<512x1xf32>
    %add3A_10 = arith.constant 1.000000e+00 : f32
    %add3A_11 = vector.broadcast %add3A_10 : f32 to vector<512x1xf32>
    %add3A_12 = arith.addf %add3A, %add3A_11 : vector<512x1xf32>
    %iota3A = tpu.iota {dimensions = array<i32: 0>} : vector<512x1xi32>
    %mul3A = arith.constant 512 : i32
    %mul3A_13 = arith.muli %arg0, %mul3A : i32
    %add3A_14 = vector.broadcast %mul3A_13 : i32 to vector<512x1xi32>
    %add3A_15 = arith.addi %iota3A, %add3A_14 : vector<512x1xi32>
    %lt3A = arith.constant 10000 : i32
    %lt3A_16 = vector.broadcast %lt3A : i32 to vector<512x1xi32>
    %lt3A_17 = arith.cmpi slt, %add3A_15, %lt3A_16 : vector<512x1xi32>
    %rsqrt3A = math.rsqrt %add3A_12 : vector<512x1xf32>
    %jit3A = arith.constant 0.000000e+00 : f32
    %broadcast_in_dim3A = vector.broadcast %jit3A : f32 to vector<512x1xf32>
    %select_n3A = arith.select %lt3A_17, %rsqrt3A, %broadcast_in_dim3A : vector<512x1xi1>, vector<512x1xf32>
    %mul3A_18 = vector.broadcast %select_n3A : vector<512x1xf32> to vector<512x256xf32>
    %mul3A_19 = arith.mulf %dot_general3A_5, %mul3A_18 : vector<512x256xf32>
    %slice3A_20 = vector.extract_strided_slice %mul3A_19 {offsets = [0, 0], sizes = [512, 128], strides = [1, 1]} : vector<512x256xf32> to vector<512x128xf32>
    %swap3A = arith.constant 0 : index
    %swap3A_21 = arith.constant 0 : index
    %swap3A_22 = arith.constant 0 : index
    %swap3A_23 = vector.load %arg4[%swap3A, %swap3A_21, %swap3A_22] : memref<2x512x128xf32, #tpu.memory_space<vmem>>, vector<1x512x128xf32>
    %swap3A_24 = vector.shape_cast %swap3A_23 : vector<1x512x128xf32> to vector<512x128xf32>
    %swap3A_25 = vector.shape_cast %slice3A_20 : vector<512x128xf32> to vector<1x512x128xf32>
    tpu.vector_store %arg4[%swap3A, %swap3A_21, %swap3A_22], %swap3A_25 {strides = array<i32>} : memref<2x512x128xf32, #tpu.memory_space<vmem>>, vector<1x512x128xf32>,
    %slice3A_26 = vector.extract_strided_slice %mul3A_19 {offsets = [0, 128], sizes = [512, 128], strides = [1, 1]} : vector<512x256xf32> to vector<512x128xf32>
    %swap3A_27 = arith.constant 1 : index
    %swap3A_28 = arith.constant 0 : index
    %swap3A_29 = arith.constant 0 : index
    %swap3A_30 = vector.load %arg4[%swap3A_27, %swap3A_28, %swap3A_29] : memref<2x512x128xf32, #tpu.memory_space<vmem>>, vector<1x512x128xf32>
    %swap3A_31 = vector.shape_cast %swap3A_30 : vector<1x512x128xf32> to vector<512x128xf32>
    %swap3A_32 = vector.shape_cast %slice3A_26 : vector<512x128xf32> to vector<1x512x128xf32>
    tpu.vector_store %arg4[%swap3A_27, %swap3A_28, %swap3A_29], %swap3A_32 {strides = array<i32>} : memref<2x512x128xf32, #tpu.memory_space<vmem>>, vector<1x512x128xf32>,
    return
  }
  func.func @transform_0(%arg0: i32) -> (i32, i32) {
    %c0_i32 = arith.constant 0 : i32
    %c0_i32_0 = arith.constant 0 : i32
    return %arg0, %c0_i32 : i32, i32
  }
  func.func @transform_1(%arg0: i32) -> (i32, i32) {
    %c0_i32 = arith.constant 0 : i32
    %c0_i32_0 = arith.constant 0 : i32
    return %arg0, %c0_i32 : i32, i32
  }
  func.func @transform_2(%arg0: i32) -> (i32, i32) {
    %c0_i32 = arith.constant 0 : i32
    %c0_i32_0 = arith.constant 0 : i32
    %c0_i32_1 = arith.constant 0 : i32
    return %c0_i32, %c0_i32_0 : i32, i32
  }
  func.func @transform_3(%arg0: i32) -> (i32, i32, i32) {
    %c0_i32 = arith.constant 0 : i32
    %c0_i32_0 = arith.constant 0 : i32
    %c0_i32_1 = arith.constant 0 : i32
    return %c0_i32, %arg0, %c0_i32_0 : i32, i32, i32
  }
}

module attributes {stable_mosaic.version = 14 : i64} {
  func.func @_tc2_body(%arg0: i32, %arg1: memref<2x512x128xf32, #tpu.memory_space<vmem>>, %arg2: memref<2x512x128xf32, #tpu.memory_space<vmem>>, %arg3: memref<512x2xf32, #tpu.memory_space<vmem>>, %arg4: memref<256x128xf32, #tpu.memory_space<vmem>>, %arg5: memref<1x256xf32, #tpu.memory_space<vmem>>, %arg6: memref<512x128xf32, #tpu.memory_space<vmem>>, %arg7: memref<512x128xf32, #tpu.memory_space<vmem>>) attributes {dimension_semantics = [#tpu.dimension_semantics<arbitrary>], iteration_bounds = array<i64: 20>, scalar_prefetch = 0 : i64, scratch_operands = 0 : i64, tpu.core_type = #tpu.core_type<tc>, window_params = [{transform_indices = @transform_0, window_bounds = array<i64: 2, 512, 128>}, {transform_indices = @transform_1, window_bounds = array<i64: 2, 512, 128>}, {transform_indices = @transform_2, window_bounds = array<i64: 512, 2>}, {pipeline_mode = #tpu.pipeline_mode<synchronous>, transform_indices = @transform_3, window_bounds = array<i64: 256, 128>}, {pipeline_mode = #tpu.pipeline_mode<synchronous>, transform_indices = @transform_4, window_bounds = array<i64: 1, 256>}, {transform_indices = @transform_5, window_bounds = array<i64: 512, 128>}, {transform_indices = @transform_6, window_bounds = array<i64: 512, 128>}]} {
    %get3A = arith.constant 0 : index
    %get3A_0 = arith.constant 0 : index
    %get3A_1 = arith.constant 0 : index
    %get3A_2 = vector.load %arg1[%get3A, %get3A_0, %get3A_1] : memref<2x512x128xf32, #tpu.memory_space<vmem>>, vector<1x512x128xf32>
    %get3A_3 = vector.shape_cast %get3A_2 : vector<1x512x128xf32> to vector<512x128xf32>
    %get3A_4 = arith.constant 1 : index
    %get3A_5 = arith.constant 0 : index
    %get3A_6 = arith.constant 0 : index
    %get3A_7 = vector.load %arg1[%get3A_4, %get3A_5, %get3A_6] : memref<2x512x128xf32, #tpu.memory_space<vmem>>, vector<1x512x128xf32>
    %get3A_8 = vector.shape_cast %get3A_7 : vector<1x512x128xf32> to vector<512x128xf32>
    %concatenate3A = tpu.concatenate %get3A_3, %get3A_8 in 1 : vector<512x128xf32>, vector<512x128xf32> -> vector<512x256xf32>
    %get3A_9 = arith.constant 0 : index
    %get3A_10 = arith.constant 0 : index
    %get3A_11 = arith.constant 0 : index
    %get3A_12 = vector.load %arg2[%get3A_9, %get3A_10, %get3A_11] : memref<2x512x128xf32, #tpu.memory_space<vmem>>, vector<1x512x128xf32>
    %get3A_13 = vector.shape_cast %get3A_12 : vector<1x512x128xf32> to vector<512x128xf32>
    %get3A_14 = arith.constant 1 : index
    %get3A_15 = arith.constant 0 : index
    %get3A_16 = arith.constant 0 : index
    %get3A_17 = vector.load %arg2[%get3A_14, %get3A_15, %get3A_16] : memref<2x512x128xf32, #tpu.memory_space<vmem>>, vector<1x512x128xf32>
    %get3A_18 = vector.shape_cast %get3A_17 : vector<1x512x128xf32> to vector<512x128xf32>
    %concatenate3A_19 = tpu.concatenate %get3A_13, %get3A_18 in 1 : vector<512x128xf32>, vector<512x128xf32> -> vector<512x256xf32>
    %get3A_20 = arith.constant 0 : index
    %get3A_21 = arith.constant 0 : index
    %get3A_22 = vector.load %arg3[%get3A_20, %get3A_21] : memref<512x2xf32, #tpu.memory_space<vmem>>, vector<512x2xf32>
    %slice3A = vector.extract_strided_slice %get3A_22 {offsets = [0, 0], sizes = [512, 1], strides = [1, 1]} : vector<512x2xf32> to vector<512x1xf32>
    %slice3A_23 = vector.extract_strided_slice %get3A_22 {offsets = [0, 1], sizes = [512, 1], strides = [1, 1]} : vector<512x2xf32> to vector<512x1xf32>
    %add3A = arith.addf %slice3A, %slice3A_23 : vector<512x1xf32>
    %add3A_24 = arith.constant 1.000000e+00 : f32
    %add3A_25 = vector.broadcast %add3A_24 : f32 to vector<512x1xf32>
    %add3A_26 = arith.addf %add3A, %add3A_25 : vector<512x1xf32>
    %iota3A = tpu.iota {dimensions = array<i32: 0>} : vector<512x1xi32>
    %mul3A = arith.constant 512 : i32
    %mul3A_27 = arith.muli %arg0, %mul3A : i32
    %add3A_28 = vector.broadcast %mul3A_27 : i32 to vector<512x1xi32>
    %add3A_29 = arith.addi %iota3A, %add3A_28 : vector<512x1xi32>
    %lt3A = arith.constant 10000 : i32
    %lt3A_30 = vector.broadcast %lt3A : i32 to vector<512x1xi32>
    %lt3A_31 = arith.cmpi slt, %add3A_29, %lt3A_30 : vector<512x1xi32>
    %rsqrt3A = math.rsqrt %add3A_26 : vector<512x1xf32>
    %jit3A = arith.constant 0.000000e+00 : f32
    %broadcast_in_dim3A = vector.broadcast %jit3A : f32 to vector<512x1xf32>
    %select_n3A = arith.select %lt3A_31, %rsqrt3A, %broadcast_in_dim3A : vector<512x1xi1>, vector<512x1xf32>
    %add3A_32 = arith.addf %concatenate3A, %concatenate3A_19 : vector<512x256xf32>
    %mul3A_33 = vector.broadcast %select_n3A : vector<512x1xf32> to vector<512x256xf32>
    %mul3A_34 = arith.mulf %mul3A_33, %add3A_32 : vector<512x256xf32>
    %get3A_35 = arith.constant 0 : index
    %get3A_36 = arith.constant 0 : index
    %get3A_37 = vector.load %arg5[%get3A_35, %get3A_36] : memref<1x256xf32, #tpu.memory_space<vmem>>, vector<1x256xf32>
    %add3A_38 = vector.broadcast %get3A_37 : vector<1x256xf32> to vector<512x256xf32>
    %add3A_39 = arith.addf %mul3A_34, %add3A_38 : vector<512x256xf32>
    %max3A = arith.constant 0.000000e+00 : f32
    %max3A_40 = vector.broadcast %max3A : f32 to vector<512x256xf32>
    %max3A_41 = arith.maximumf %add3A_39, %max3A_40 : vector<512x256xf32>
    %get3A_42 = arith.constant 0 : index
    %get3A_43 = arith.constant 0 : index
    %get3A_44 = vector.load %arg4[%get3A_42, %get3A_43] : memref<256x128xf32, #tpu.memory_space<vmem>>, vector<256x128xf32>
    %dot_general3A = arith.constant dense<0.000000e+00> : vector<512x128xf32>
    %dot_general3A_45 = tpu.matmul %max3A_41, %get3A_44, %dot_general3A {dimension_numbers = #tpu.dot_dimension_numbers<[1], [0], [0], [1], [0, 0, 1, 1], [], []>, transpose_lhs_hint = false} : vector<512x256xf32>, vector<256x128xf32>, vector<512x128xf32> -> vector<512x128xf32>
    %swap3A = arith.constant 0 : index
    %swap3A_46 = arith.constant 0 : index
    %swap3A_47 = vector.load %arg6[%swap3A, %swap3A_46] : memref<512x128xf32, #tpu.memory_space<vmem>>, vector<512x128xf32>
    tpu.vector_store %arg6[%swap3A, %swap3A_46], %dot_general3A_45 {strides = array<i32>} : memref<512x128xf32, #tpu.memory_space<vmem>>, vector<512x128xf32>,
    %mul3A_48 = vector.broadcast %select_n3A : vector<512x1xf32> to vector<512x128xf32>
    %mul3A_49 = arith.mulf %dot_general3A_45, %mul3A_48 : vector<512x128xf32>
    %swap3A_50 = arith.constant 0 : index
    %swap3A_51 = arith.constant 0 : index
    %swap3A_52 = vector.load %arg7[%swap3A_50, %swap3A_51] : memref<512x128xf32, #tpu.memory_space<vmem>>, vector<512x128xf32>
    tpu.vector_store %arg7[%swap3A_50, %swap3A_51], %mul3A_49 {strides = array<i32>} : memref<512x128xf32, #tpu.memory_space<vmem>>, vector<512x128xf32>,
    return
  }
  func.func @transform_0(%arg0: i32) -> (i32, i32, i32) {
    %c0_i32 = arith.constant 0 : i32
    %c0_i32_0 = arith.constant 0 : i32
    %c0_i32_1 = arith.constant 0 : i32
    return %c0_i32, %arg0, %c0_i32_0 : i32, i32, i32
  }
  func.func @transform_1(%arg0: i32) -> (i32, i32, i32) {
    %c0_i32 = arith.constant 0 : i32
    %c0_i32_0 = arith.constant 0 : i32
    %c0_i32_1 = arith.constant 0 : i32
    return %c0_i32, %arg0, %c0_i32_0 : i32, i32, i32
  }
  func.func @transform_2(%arg0: i32) -> (i32, i32) {
    %c0_i32 = arith.constant 0 : i32
    %c0_i32_0 = arith.constant 0 : i32
    return %arg0, %c0_i32 : i32, i32
  }
  func.func @transform_3(%arg0: i32) -> (i32, i32) {
    %c0_i32 = arith.constant 0 : i32
    %c0_i32_0 = arith.constant 0 : i32
    %c0_i32_1 = arith.constant 0 : i32
    return %c0_i32, %c0_i32_0 : i32, i32
  }
  func.func @transform_4(%arg0: i32) -> (i32, i32) {
    %c0_i32 = arith.constant 0 : i32
    %c0_i32_0 = arith.constant 0 : i32
    %c0_i32_1 = arith.constant 0 : i32
    return %c0_i32, %c0_i32_0 : i32, i32
  }
  func.func @transform_5(%arg0: i32) -> (i32, i32) {
    %c0_i32 = arith.constant 0 : i32
    %c0_i32_0 = arith.constant 0 : i32
    return %arg0, %c0_i32 : i32, i32
  }
  func.func @transform_6(%arg0: i32) -> (i32, i32) {
    %c0_i32 = arith.constant 0 : i32
    %c0_i32_0 = arith.constant 0 : i32
    return %arg0, %c0_i32 : i32, i32
  }
}

module attributes {stable_mosaic.version = 14 : i64} {
  func.func @_tc0_body(%arg0: i32, %arg1: memref<512x128xf32, #tpu.memory_space<vmem>>, %arg2: memref<128x256xf32, #tpu.memory_space<vmem>>, %arg3: memref<256x128xf32, #tpu.memory_space<vmem>>, %arg4: memref<512x128xf32, #tpu.memory_space<vmem>>) attributes {dimension_semantics = [#tpu.dimension_semantics<arbitrary>], iteration_bounds = array<i64: 20>, scalar_prefetch = 0 : i64, scratch_operands = 0 : i64, tpu.core_type = #tpu.core_type<tc>, window_params = [{transform_indices = @transform_0, window_bounds = array<i64: 512, 128>}, {pipeline_mode = #tpu.pipeline_mode<synchronous>, transform_indices = @transform_1, window_bounds = array<i64: 128, 256>}, {pipeline_mode = #tpu.pipeline_mode<synchronous>, transform_indices = @transform_2, window_bounds = array<i64: 256, 128>}, {transform_indices = @transform_3, window_bounds = array<i64: 512, 128>}]} {
    %get3A = arith.constant 0 : index
    %get3A_0 = arith.constant 0 : index
    %get3A_1 = vector.load %arg1[%get3A, %get3A_0] : memref<512x128xf32, #tpu.memory_space<vmem>>, vector<512x128xf32>
    %get3A_2 = arith.constant 0 : index
    %get3A_3 = arith.constant 0 : index
    %get3A_4 = vector.load %arg2[%get3A_2, %get3A_3] : memref<128x256xf32, #tpu.memory_space<vmem>>, vector<128x256xf32>
    %dot_general3A = arith.constant dense<0.000000e+00> : vector<512x256xf32>
    %dot_general3A_5 = tpu.matmul %get3A_1, %get3A_4, %dot_general3A {dimension_numbers = #tpu.dot_dimension_numbers<[1], [0], [0], [1], [0, 0, 1, 1], [], []>, transpose_lhs_hint = false} : vector<512x128xf32>, vector<128x256xf32>, vector<512x256xf32> -> vector<512x256xf32>
    %get3A_6 = arith.constant 0 : index
    %get3A_7 = arith.constant 0 : index
    %get3A_8 = vector.load %arg3[%get3A_6, %get3A_7] : memref<256x128xf32, #tpu.memory_space<vmem>>, vector<256x128xf32>
    %dot_general3A_9 = arith.constant dense<0.000000e+00> : vector<512x128xf32>
    %dot_general3A_10 = tpu.matmul %dot_general3A_5, %get3A_8, %dot_general3A_9 {dimension_numbers = #tpu.dot_dimension_numbers<[1], [0], [0], [1], [0, 0, 1, 1], [], []>, transpose_lhs_hint = false} : vector<512x256xf32>, vector<256x128xf32>, vector<512x128xf32> -> vector<512x128xf32>
    %swap3A = arith.constant 0 : index
    %swap3A_11 = arith.constant 0 : index
    %swap3A_12 = vector.load %arg4[%swap3A, %swap3A_11] : memref<512x128xf32, #tpu.memory_space<vmem>>, vector<512x128xf32>
    tpu.vector_store %arg4[%swap3A, %swap3A_11], %dot_general3A_10 {strides = array<i32>} : memref<512x128xf32, #tpu.memory_space<vmem>>, vector<512x128xf32>,
    return
  }
  func.func @transform_0(%arg0: i32) -> (i32, i32) {
    %c0_i32 = arith.constant 0 : i32
    %c0_i32_0 = arith.constant 0 : i32
    return %arg0, %c0_i32 : i32, i32
  }
  func.func @transform_1(%arg0: i32) -> (i32, i32) {
    %c0_i32 = arith.constant 0 : i32
    %c0_i32_0 = arith.constant 0 : i32
    %c0_i32_1 = arith.constant 0 : i32
    return %c0_i32, %c0_i32_0 : i32, i32
  }
  func.func @transform_2(%arg0: i32) -> (i32, i32) {
    %c0_i32 = arith.constant 0 : i32
    %c0_i32_0 = arith.constant 0 : i32
    %c0_i32_1 = arith.constant 0 : i32
    return %c0_i32, %c0_i32_0 : i32, i32
  }
  func.func @transform_3(%arg0: i32) -> (i32, i32) {
    %c0_i32 = arith.constant 0 : i32
    %c0_i32_0 = arith.constant 0 : i32
    return %arg0, %c0_i32 : i32, i32
  }
}

module attributes {stable_mosaic.version = 14 : i64} {
  func.func @_tcr_body(%arg0: i32, %arg1: memref<512x128xf32, #tpu.memory_space<vmem>>, %arg2: memref<512x128xf32, #tpu.memory_space<vmem>>) attributes {dimension_semantics = [#tpu.dimension_semantics<arbitrary>], iteration_bounds = array<i64: 20>, scalar_prefetch = 0 : i64, scratch_operands = 0 : i64, tpu.core_type = #tpu.core_type<tc>, window_params = [{transform_indices = @transform_0, window_bounds = array<i64: 512, 128>}, {transform_indices = @transform_1, window_bounds = array<i64: 512, 128>}]} {
    %get3A = arith.constant 0 : index
    %get3A_0 = arith.constant 0 : index
    %get3A_1 = vector.load %arg1[%get3A, %get3A_0] : memref<512x128xf32, #tpu.memory_space<vmem>>, vector<512x128xf32>
    %max3A = arith.constant 0.000000e+00 : f32
    %max3A_2 = vector.broadcast %max3A : f32 to vector<512x128xf32>
    %max3A_3 = arith.maximumf %get3A_1, %max3A_2 : vector<512x128xf32>
    %swap3A = arith.constant 0 : index
    %swap3A_4 = arith.constant 0 : index
    %swap3A_5 = vector.load %arg2[%swap3A, %swap3A_4] : memref<512x128xf32, #tpu.memory_space<vmem>>, vector<512x128xf32>
    tpu.vector_store %arg2[%swap3A, %swap3A_4], %max3A_3 {strides = array<i32>} : memref<512x128xf32, #tpu.memory_space<vmem>>, vector<512x128xf32>,
    return
  }
  func.func @transform_0(%arg0: i32) -> (i32, i32) {
    %c0_i32 = arith.constant 0 : i32
    %c0_i32_0 = arith.constant 0 : i32
    return %arg0, %c0_i32 : i32, i32
  }
  func.func @transform_1(%arg0: i32) -> (i32, i32) {
    %c0_i32 = arith.constant 0 : i32
    %c0_i32_0 = arith.constant 0 : i32
    return %arg0, %c0_i32 : i32, i32
  }
}

module attributes {stable_mosaic.version = 14 : i64} {
  func.func @_tc3_body(%arg0: i32, %arg1: memref<2x512x128xf32, #tpu.memory_space<vmem>>, %arg2: memref<512x128xf32, #tpu.memory_space<vmem>>, %arg3: memref<512x2xf32, #tpu.memory_space<vmem>>, %arg4: memref<1x128xf32, #tpu.memory_space<vmem>>, %arg5: memref<512x128xf32, #tpu.memory_space<vmem>>) attributes {dimension_semantics = [#tpu.dimension_semantics<arbitrary>], iteration_bounds = array<i64: 20>, scalar_prefetch = 0 : i64, scratch_operands = 0 : i64, tpu.core_type = #tpu.core_type<tc>, window_params = [{transform_indices = @transform_0, window_bounds = array<i64: 2, 512, 128>}, {transform_indices = @transform_1, window_bounds = array<i64: 512, 128>}, {transform_indices = @transform_2, window_bounds = array<i64: 512, 2>}, {pipeline_mode = #tpu.pipeline_mode<synchronous>, transform_indices = @transform_3, window_bounds = array<i64: 1, 128>}, {transform_indices = @transform_4, window_bounds = array<i64: 512, 128>}]} {
    %get3A = arith.constant 0 : index
    %get3A_0 = arith.constant 0 : index
    %get3A_1 = arith.constant 0 : index
    %get3A_2 = vector.load %arg1[%get3A, %get3A_0, %get3A_1] : memref<2x512x128xf32, #tpu.memory_space<vmem>>, vector<1x512x128xf32>
    %get3A_3 = vector.shape_cast %get3A_2 : vector<1x512x128xf32> to vector<512x128xf32>
    %get3A_4 = arith.constant 1 : index
    %get3A_5 = arith.constant 0 : index
    %get3A_6 = arith.constant 0 : index
    %get3A_7 = vector.load %arg1[%get3A_4, %get3A_5, %get3A_6] : memref<2x512x128xf32, #tpu.memory_space<vmem>>, vector<1x512x128xf32>
    %get3A_8 = vector.shape_cast %get3A_7 : vector<1x512x128xf32> to vector<512x128xf32>
    %add3A = arith.addf %get3A_3, %get3A_8 : vector<512x128xf32>
    %get3A_9 = arith.constant 0 : index
    %get3A_10 = arith.constant 0 : index
    %get3A_11 = vector.load %arg2[%get3A_9, %get3A_10] : memref<512x128xf32, #tpu.memory_space<vmem>>, vector<512x128xf32>
    %add3A_12 = arith.addf %add3A, %get3A_11 : vector<512x128xf32>
    %get3A_13 = arith.constant 0 : index
    %get3A_14 = arith.constant 0 : index
    %get3A_15 = vector.load %arg3[%get3A_13, %get3A_14] : memref<512x2xf32, #tpu.memory_space<vmem>>, vector<512x2xf32>
    %slice3A = vector.extract_strided_slice %get3A_15 {offsets = [0, 0], sizes = [512, 1], strides = [1, 1]} : vector<512x2xf32> to vector<512x1xf32>
    %slice3A_16 = vector.extract_strided_slice %get3A_15 {offsets = [0, 1], sizes = [512, 1], strides = [1, 1]} : vector<512x2xf32> to vector<512x1xf32>
    %add3A_17 = arith.addf %slice3A, %slice3A_16 : vector<512x1xf32>
    %add3A_18 = arith.constant 1.000000e+00 : f32
    %add3A_19 = vector.broadcast %add3A_18 : f32 to vector<512x1xf32>
    %add3A_20 = arith.addf %add3A_17, %add3A_19 : vector<512x1xf32>
    %iota3A = tpu.iota {dimensions = array<i32: 0>} : vector<512x1xi32>
    %mul3A = arith.constant 512 : i32
    %mul3A_21 = arith.muli %arg0, %mul3A : i32
    %add3A_22 = vector.broadcast %mul3A_21 : i32 to vector<512x1xi32>
    %add3A_23 = arith.addi %iota3A, %add3A_22 : vector<512x1xi32>
    %lt3A = arith.constant 10000 : i32
    %lt3A_24 = vector.broadcast %lt3A : i32 to vector<512x1xi32>
    %lt3A_25 = arith.cmpi slt, %add3A_23, %lt3A_24 : vector<512x1xi32>
    %rsqrt3A = math.rsqrt %add3A_20 : vector<512x1xf32>
    %jit3A = arith.constant 0.000000e+00 : f32
    %broadcast_in_dim3A = vector.broadcast %jit3A : f32 to vector<512x1xf32>
    %select_n3A = arith.select %lt3A_25, %rsqrt3A, %broadcast_in_dim3A : vector<512x1xi1>, vector<512x1xf32>
    %mul3A_26 = vector.broadcast %select_n3A : vector<512x1xf32> to vector<512x128xf32>
    %mul3A_27 = arith.mulf %mul3A_26, %add3A_12 : vector<512x128xf32>
    %get3A_28 = arith.constant 0 : index
    %get3A_29 = arith.constant 0 : index
    %get3A_30 = vector.load %arg4[%get3A_28, %get3A_29] : memref<1x128xf32, #tpu.memory_space<vmem>>, vector<1x128xf32>
    %add3A_31 = vector.broadcast %get3A_30 : vector<1x128xf32> to vector<512x128xf32>
    %add3A_32 = arith.addf %mul3A_27, %add3A_31 : vector<512x128xf32>
    %max3A = arith.constant 0.000000e+00 : f32
    %max3A_33 = vector.broadcast %max3A : f32 to vector<512x128xf32>
    %max3A_34 = arith.maximumf %add3A_32, %max3A_33 : vector<512x128xf32>
    %swap3A = arith.constant 0 : index
    %swap3A_35 = arith.constant 0 : index
    %swap3A_36 = vector.load %arg5[%swap3A, %swap3A_35] : memref<512x128xf32, #tpu.memory_space<vmem>>, vector<512x128xf32>
    tpu.vector_store %arg5[%swap3A, %swap3A_35], %max3A_34 {strides = array<i32>} : memref<512x128xf32, #tpu.memory_space<vmem>>, vector<512x128xf32>,
    return
  }
  func.func @transform_0(%arg0: i32) -> (i32, i32, i32) {
    %c0_i32 = arith.constant 0 : i32
    %c0_i32_0 = arith.constant 0 : i32
    %c0_i32_1 = arith.constant 0 : i32
    return %c0_i32, %arg0, %c0_i32_0 : i32, i32, i32
  }
  func.func @transform_1(%arg0: i32) -> (i32, i32) {
    %c0_i32 = arith.constant 0 : i32
    %c0_i32_0 = arith.constant 0 : i32
    return %arg0, %c0_i32 : i32, i32
  }
  func.func @transform_2(%arg0: i32) -> (i32, i32) {
    %c0_i32 = arith.constant 0 : i32
    %c0_i32_0 = arith.constant 0 : i32
    return %arg0, %c0_i32 : i32, i32
  }
  func.func @transform_3(%arg0: i32) -> (i32, i32) {
    %c0_i32 = arith.constant 0 : i32
    %c0_i32_0 = arith.constant 0 : i32
    %c0_i32_1 = arith.constant 0 : i32
    return %c0_i32, %c0_i32_0 : i32, i32
  }
  func.func @transform_4(%arg0: i32) -> (i32, i32) {
    %c0_i32 = arith.constant 0 : i32
    %c0_i32_0 = arith.constant 0 : i32
    return %arg0, %c0_i32 : i32, i32
  }
}

</mosaic_0001>

<sc_bundles>
// kernel: kernel.10.cloned.1.call-start
scs
__scs_entry_jumppad:
0x0: {  	(pc) =	sbr.rel $0x88, $3  }
0x1: {  	(tag) =	ssettag $0x0;
	lr =	simm.s32 $0x1  }
0x2: {  	[smem:$0x3F9B] =	sst lr;
	_ =	strace $0xD0000000  }
0x3: {  	_ = 	snop  }
0x4: {  	_ = 	snop  }
0x5: {  	_ = 	snop  }
0x6: {  	_ = 	snop  }
0x7: {  	_ = 	snop  }
__scs_overlays_trampoline_lowered:
0x8: {  	[smem:$0x3FAA] =	sst s0  }
0x9: {  	[smem:$0x3FAB] =	sst s1  }
0xa: {  	[smem:$0x3FAC] =	sst s2  }
0xb: {  	[smem:$0x3FAD] =	sst s3  }
0xc: {  	[smem:$0x3FAE] =	sst s4  }
0xd: {  	[smem:$0x3FAF] =	sst s5  }
0xe: {  	[smem:$0x3FB0] =	sst s6  }
0xf: {  	[smem:$0x3FB1] =	sst s7  }
0x10: {  	[smem:$0x3FB2] =	sst s8  }
0x11: {  	[smem:$0x3FB3] =	sst s9;
	s0 =	simm.s32 @!p0 $0x0  }
0x12: {  	s1 =	sld [smem:$0x3F99];
	s0 =	simm.s32 @p0 $0x1  }
0x13: {  	[smem:$0x3FB4] =	sst s0;
	s0 =	simm.s32 @!p1 $0x0  }
0x14: {  	s2 =	sld [smem:$0x3F98];
	s0 =	simm.s32 @p1 $0x1  }
0x15: {  	[smem:$0x3FB5] =	sst s0;
	s0 =	simm.s32 @!p2 $0x0  }
0x16: {  	s3 =	sld [smem:$0x3FDB];
	s0 =	simm.s32 @p2 $0x1  }
0x17: {  	s4 =	simm.s32 $0x1BF5;
	[smem:$0x3FB7] =	sst s0  }
0x18: {  	s0 =	sld [smem:$0x3F9A];
	_ =	swait.ge [sflag:s4], $0x0  }
0x19: {  	s7 =	sld [smem:$0x3F9B]  }
0x1a: {  	s8 =	sadd.s32 $0xFFFFE003, lr  }
0x1b: {  	s9 =	sadd.s32 $0xFFFFFEF7, lr;
	s5 =	simm.s32 $0xFFFFFFFF;
	p2 =	slt.u32 s8, $0xFFFFF086  }
0x1c: {  	p1 =	slt.u32 s9, $0xF7A;
	s5 =	simm.s32 @!p2 $0x0  }
0x1d: {  	s5 =	simm.s32 @p1 $0x1;
	p0 =	seq.s32 s7, s2  }
0x1e: {  	s7 =	smul.u32 @!p0 $0xF7A, s2;
	p2 =	seq.s32 @!p0 s5, $0x0  }
0x1f: {  	s9 =	smul.u32 $0xF7A, s1;
	s8 =	simm.s32 @!p0 $0x1BF5;
	p2 =	por !p2, p0  }
0x20: {  	[sflag:s8] =	ssyncset.s32 @!p0 $0xFFFFF086;
	s6 =	sadd.s32 @!p0 s3, s7;
	s7 =	simm.s32 @!p0 $0x108  }
0x21: {  	s3 =	sadd.s32 s3, s9;
	s6 =	sadd.s32 @!p0 $0x88, s6;
	s7 =	simm.s32 @p2 $0x1082  }
0x22: {  	[simem:s7], [sflag:s8] =	dma.local @!p0 [hbm:s6], $0xF7A  }
0x23: {  	s9 =	sor.u32 $0xD0000000, s2;
	s6 =	simm.s32 $0x108;
	_ =	swait.ge @!p0 [sflag:s8], $0x0  }
0x24: {  	s3 =	sadd.s32 $0x88, s3;
	s6 =	simm.s32 @!p1 $0x1082;
	[sflag:s4] =	ssyncset.s32 $0xFFFFF086  }
0x25: {  	[simem:s6], [sflag:s4] =	dma.local [hbm:s3], $0xF7A  }
0x26: {  	[smem:$0x3F9B] =	sst s1;
	(tag) =	ssettag s2;
	_ =	strace s9  }
0x27: {  	s1 =	sld [smem:$0x3FAB]  }
0x28: {  	s2 =	sld [smem:$0x3FAC]  }
0x29: {  	s4 =	sld [smem:$0x3FAE]  }
0x2a: {  	p0 =	seq.s32 s5, $0x0;
	s5 =	sld [smem:$0x3FAF]  }
0x2b: {  	s6 =	sld [smem:$0x3FB0]  }
0x2c: {  	s7 =	sld [smem:$0x3FB1]  }
0x2d: {  	s3 =	simm.s32 $0x108;
	s8 =	sld [smem:$0x3FB2]  }
0x2e: {  	s3 =	simm.s32 @!p0 $0x1082;
	s9 =	sld [smem:$0x3FB3]  }
0x2f: {  	lr =	sadd.s32 s0, s3;
	s0 =	sld [smem:$0x3FAA]  }
0x30: {  	s3 =	sld [smem:$0x3FAD]  }
0x31: {  	[smem:$0x3FB6] =	sst s10  }
0x32: {  	s10 =	sld [smem:$0x3FB4];
	_ =	sdelay $0x3  }
0x33: {  	p0 =	seq.s32 s10, $0x1;
	s10 =	sld [smem:$0x3FB6];
	_ =	sdelay $0x3  }
0x34: {  	[smem:$0x3FB6] =	sst s10  }
0x35: {  	s10 =	sld [smem:$0x3FB5];
	_ =	sdelay $0x3  }
0x36: {  	p1 =	seq.s32 s10, $0x1;
	s10 =	sld [smem:$0x3FB6];
	_ =	sdelay $0x3  }
0x37: {  	[smem:$0x3FB6] =	sst s10  }
0x38: {  	s10 =	sld [smem:$0x3FB7]  }
0x39: {  	_ = 	snop;
	(pc) =	sbr.ind lr, $3  }
0x3a: {  	_ = 	snop  }
0x3b: {  	_ = 	snop  }
0x3c: {  	p2 =	seq.s32 s10, $0x1;
	s10 =	sld [smem:$0x3FB6]  }
0x3d: {  	_ =	shalt  }
0x3e: {  	_ =	shalt  }
0x3f: {  	_ =	shalt  }
0x40: {  	_ =	shalt  }
0x41: {  	_ =	shalt  }
0x42: {  	_ =	shalt  }
0x43: {  	_ =	shalt  }
0x44: {  	_ =	shalt  }
0x45: {  	_ =	shalt  }
0x46: {  	_ =	shalt  }
0x47: {  	_ =	shalt  }
0x48: {  	_ =	shalt  }
0x49: {  	_ =	shalt  }
0x4a: {  	_ =	shalt  }
0x4b: {  	_ =	shalt  }
0x4c: {  	_ =	shalt  }
0x4d: {  	_ =	shalt  }
0x4e: {  	_ =	shalt  }
0x4f: {  	_ =	shalt  }
0x50: {  	_ =	shalt  }
0x51: {  	_ =	shalt  }
0x52: {  	_ =	shalt  }
0x53: {  	_ =	shalt  }
0x54: {  	_ =	shalt  }
0x55: {  	_ =	shalt  }
0x56: {  	_ =	shalt  }
0x57: {  	_ =	shalt  }
0x58: {  	_ =	shalt  }
0x59: {  	_ =	shalt  }
0x5a: {  	_ =	shalt  }
0x5b: {  	_ =	shalt  }
0x5c: {  	_ =	shalt  }
0x5d: {  	_ =	shalt  }
0x5e: {  	_ =	shalt  }
0x5f: {  	_ =	shalt  }
0x60: {  	_ =	shalt  }
0x61: {  	_ =	shalt  }
0x62: {  	_ =	shalt  }
0x63: {  	_ =	shalt  }
0x64: {  	_ =	shalt  }
0x65: {  	_ =	shalt  }
0x66: {  	_ =	shalt  }
0x67: {  	_ =	shalt  }
0x68: {  	_ =	shalt  }
0x69: {  	_ =	shalt  }
0x6a: {  	_ =	shalt  }
0x6b: {  	_ =	shalt  }
0x6c: {  	_ =	shalt  }
0x6d: {  	_ =	shalt  }
0x6e: {  	_ =	shalt  }
0x6f: {  	_ =	shalt  }
0x70: {  	_ =	shalt  }
0x71: {  	_ =	shalt  }
0x72: {  	_ =	shalt  }
0x73: {  	_ =	shalt  }
0x74: {  	_ =	shalt  }
0x75: {  	_ =	shalt  }
0x76: {  	_ =	shalt  }
0x77: {  	_ =	shalt  }
0x78: {  	_ =	shalt  }
0x79: {  	_ =	shalt  }
0x7a: {  	_ =	shalt  }
0x7b: {  	_ =	shalt  }
0x7c: {  	_ =	shalt  }
0x7d: {  	_ =	shalt  }
0x7e: {  	_ =	shalt  }
0x7f: {  	_ =	shalt  }
0x80: {  	_ =	shalt  }
0x81: {  	_ =	shalt  }
0x82: {  	_ =	shalt  }
0x83: {  	_ =	shalt  }
0x84: {  	_ =	shalt  }
0x85: {  	_ =	shalt  }
0x86: {  	_ =	shalt  }
0x87: {  	_ =	shalt  }
.Lfunc_end0:
.L_simem_size_0:
called_computation_lowered:
.L_overlay_start_0:
0x88: {  	s2 =	sld [smem:$0x3FD9]  }
0x89: {  	s3 =	sld [smem:$0x3FFE];
	_ =	sdelay $0x1  }
0x8a: {  	s1 =	srdreg.scid  }
0x8b: {  	s0 =	sand.u32 $0x1, s1  }
0x8c: {  	s14 =	sshll.u32 s0, $0xA;
	s2 =	sadd.s32 s3, s2  }
0x8d: {  	s2 =	sadd.s32 s2, s14  }
0x8e: {  	[smem:$0x3FC2] =	sst s2  }
0x8f: {  	_ = 	snop  }
0x90: {  	s2 =	sld [smem:$0x3FD0];
	_ =	sdelay $0x2  }
0x91: {  	s15 =	simm.s32 $0xA;
	s4 =	simm.s32 $0x10  }
0x92: {  	[smem:s4], [sflag:s15] =	dma.local [hbm:s2], $0x1  }
0x93: {  	_ =	swait.eq [sflag:s15], $0x1  }
0x94: {  	[sflag:s15] =	ssyncset.done $0x0  }
0x95: {  	s16 =	sld [smem:$0x11];
	[sflag:s15] =	ssyncadd.s32 $0xFFFFFFFF  }
0x96: {  	s17 =	sld [smem:$0x12];
	(tm) =	ssettm $0x1  }
0x97: {  	s18 =	sld [smem:$0x3FFB];
	_ =	sdelay $0x3  }
0x98: {  	_ =	strace s18  }
0x99: {  	s4 =	sld [smem:$0x3FFC];
	_ =	sdelay $0x3  }
0x9a: {  	_ =	strace s4  }
0x9b: {  	s4 =	sld [smem:$0x3FFD];
	_ =	sdelay $0x3  }
0x9c: {  	_ =	strace s4  }
0x9d: {  	_ =	strace $0x8FFFFFFF  }
0x9e: {  	s19 =	sld [smem:$0x3FDB];
	_ =	sdelay $0x1  }
0x9f: {  	s5 =	simm.s32 $_scs_section_size  }
0xa0: {  	s6 =	simm.s32 $_size__tile_overlayer_lowered;
	s7 =	simm.s32 $_tile_overlayer_lowered  }
0xa1: {  	s22 =	simm.s32 $0x1BFF;
	s21 =	sshll.u32 s7, $0x1;
	s4 =	sadd.s32 s5, s19  }
0xa2: {  	s8 =	simm.s32 $0x0;
	s20 =	sshll.u32 s6, $0x1;
	s6 =	sadd.s32 s21, s4  }
0xa3: {  	[timem:s8], [sflag:s22] =	dma.local [hbm:s6], s20  }
0xa4: {  	_ =	swait.ge [sflag:s22], s20  }
0xa5: {  	s5 =	ssub.s32 $0x0, s20;
	[sflag:s22] =	ssyncset.done $0x0  }
0xa6: {  	[sflag:s22] =	ssyncadd.s32 s5;
	_ =	sdelay $0x1  }
0xa7: {  	s23 =	simm.s32 $0x1B8B  }
0xa8: {  	_ =	swait.ge [sflag:s23], $0x1  }
0xa9: {  	[sflag:s23] =	ssyncset.done $0x0  }
0xaa: {  	s25 =	simm.s32 $0x1B8E;
	s24 =	sld [smem:$0x3FFE];
	[sflag:s23] =	ssyncadd.s32 $0xFFFFFFFF  }
0xab: {  	s26 =	simm.s32 $execute0_lowered;
	[smem:$0x3FD2] =	sst s25  }
0xac: {  	s6 =	sshll.u32 s26, $0x1;
	_ =	strace $0x80000046;
	[dreg:$0x1] =	wrdreg $0xFFFFFFFF  }
0xad: {  	s28 =	simm.s32 $_size_execute0_lowered;
	s4 =	sadd.s32 s4, s6;
	[dreg:$0x0] =	wrdreg $0x0  }
0xae: {  	s6 =	sshll.u32 s28, $0x1;
	[dreg:$0x2] =	wrdreg s4  }
0xaf: {  	[dreg:$0x3] =	wrdreg s6  }
0xb0: {  	[dreg:$0x4] =	wrdreg $0xC0  }
0xb1: {  	_ =	task [dreg:s8], $0x5FFFF  }
0xb2: {  	[dreg:$0x1] =	wrdreg $0xFFFFFFFF  }
0xb3: {  	[dreg:$0x0] =	wrdreg $0x60  }
0xb4: {  	[dreg:$0x2] =	wrdreg s17  }
0xb5: {  	[dreg:$0x3] =	wrdreg s24  }
0xb6: {  	[dreg:$0x4] =	wrdreg s16  }
0xb7: {  	[dreg:$0x5] =	wrdreg $0x28800  }
0xb8: {  	[dreg:$0x6] =	wrdreg $0x9  }
0xb9: {  	_ =	task.clear_ibuf [dreg:s8], $0x7FFFF;
	_ =	strace $0x90000046  }
0xba: {  	s29 =	simm.s32 $0x9;
	_ =	strace $0x80000048  }
0xbb: {  	_ =	swait.ge [sflag:s29], $0x1  }
0xbc: {  	[sflag:s29] =	ssyncadd.s32 $0xFFFFFFFF  }
0xbd: {  	_ =	strace $0x90000048  }
0xbe: {  	_ =	sfence  }
0xbf: {  	s30 =	sld [smem:$0x0];
	_ =	sdelay $0x2  }
0xc0: {  	s31 =	sshll.u32 s1, $0xD;
	s1 =	sshrl.u32 s1, $0x2  }
0xc1: {  	s3 =	sand.u32 $0x4000, s31;
	s1 =	sadd.s32 s1, s30  }
0xc2: {  	s0 =	sor.u32 s3, s0;
	s1 =	sshll.u32 s1, $0x11  }
0xc3: {  	s0 =	sor.u32 s1, s0  }
0xc4: {  	s0 =	sadd.s32 $0x8F2B, s0  }
0xc5: {  	[sflag:s0] =	ssyncadd.remote.s32 $0x1  }
0xc6: {  	_ =	sfence.sel $0xFFFF  }
0xc7: {  	[dreg:$0x0] =	wrdreg $0xFFFFFFFF;
	(pc) =	sbr.abs _section_cstart, $3  }
0xc8: {  	[dreg:$0x1] =	wrdreg $0xFFFFFFFF  }
0xc9: {  	_ =	task.clear_ibuf [dreg:s8], $0x2FFFF;
	_ =	strace $0x9FFFFFFF  }
0xca: {  	(tm) =	ssettm $0x7FFFFFFF  }
0xcb: {  	_ =	shalt  }
tec
execute0_lowered:
.L_overlay_start_1:
0x0: {  	(tag) =	ssettag $0x1  }
0x1: {  	s6 =	rddreg [dreg:$0x0]  }
0x2: {  	s5 =	rddreg [dreg:$0x1]  }
0x3: {  	s7 =	rddreg [dreg:$0x2]  }
0x4: {  	s1 =	rddreg [dreg:$0x3]  }
0x5: {  	s0 =	rddreg [dreg:$0x4];
	s3 =	simm.s32 $0x0;
	s4 =	srdreg.scid  }
0x6: {  	s2 =	stileid.u32;
	s13 =	simm.s32 $0x80;
	s14 =	simm.s32 $0x0  }
0x7: {  	[smem:$0x7FF] =	sst s3;
	s4 =	sand.u32 $0x1, s4;
	s9 =	smul.u32 $0x280, s2  }
0x8: {  	s31 =	sshll.u32 s2, $0x6;
	_ =	strace $0x80000047;
	s8 =	sshll.u32 s4, $0x4  }
0x9: {  	s10 =	ssub.s32 $0x2, s4;
	s11 =	smul.u32 $0x2800, s4;
	s4 =	sadd.s32 $0x3600, s5  }
0xa: {  	s5 =	sadd.s32 $0x3400, s5;
	s8 =	sor.u32 s2, s8;
	s12 =	sshrl.u32 s10, $0x1  }
0xb: {  	s29 =	sadd.s32 s9, s1;
	s8 =	smul.u32 $0x500, s8;
	s10 =	ssub.s32 s10, s12  }
0xc: {  	s11 =	sadd.s32 s9, s11;
	s9 =	simm.s32 $0x1;
	s12 =	sshrl.u32 s29, $0x3  }
0xd: {  	s30 =	sshrl.u32 s11, $0x3;
	s11 =	sor.u32 $0x1C01, s31;
	s6 =	sadd.s32 s6, s8  }
0xe: {  	s7 =	sadd.s32 s7, s30;
	s8 =	smax.u32 s10, $0x1;
	s10 =	simm.s32 $0x2800  }
.LBB2_1:
0xf: {  	[tilespmem:s3], [sflag:$0x1] =	stream.linear.gather [hbm4b:s6+s3], $0x2800, $0x38;
	[tilespmem:$0x2B00] =	vst v63  }
0x10: {  	_ =	swait.ge [sflag:s9], $0x2800  }
0x11: {  	[sflag:s9] =	ssyncset.done $0x0  }
0x12: {  	[sflag:s9] =	ssyncadd.s32 $0xFFFFD800  }
0x13: {  	[tilespmem:s10], [sflag:$0x1] =	stream.linear.gather [hbm4b:s4+s3], $0x80, $0x38;
	[tilespmem:$0x2B00] =	vst v63  }
0x14: {  	_ =	swait.ge [sflag:s9], $0x80  }
0x15: {  	[sflag:s9] =	ssyncset.done $0x0  }
0x16: {  	[sflag:s9] =	ssyncadd.s32 $0xFFFFFF80  }
0x17: {  	[spmem:s12], [sflag:s11] =	dma.local [hbm:s5], $0x50  }
0x18: {  	_ =	swait.ge [sflag:s9], $0x50  }
0x19: {  	[sflag:s9] =	ssyncset.done $0x0  }
0x1a: {  	[sflag:s9] =	ssyncadd.s32 $0xFFFFFFB0  }
0x1b: {  	s15 =	simm.s32 $0x0;
	[bflag:$0x0] =	sbarrier.arrive $0xFFFF  }
0x1c: {  	[spmem:s1] =	stream.indirect.scatter.add.f32 [tilespmem:s10], [sflag:$0x1], $0x1, s15, s13, $0xb8;
	[tilespmem:$0x2B00] =	vst v63  }
0x1d: {  	_ =	swait.ge [sflag:s9], $0x80  }
0x1e: {  	s15 =	simm.s32 $0x200;
	[sflag:s9] =	ssyncset.done $0x0  }
.LBB2_2:
0x1f: {  	s16 =	sshra.s32 s15, $0x2;
	[sflag:s9] =	ssyncadd.s32 $0xFFFFFF80;
	p0 =	sne.s32 s15, $0x9E00  }
0x20: {  	[spmem:s1] =	stream.indirect.scatter.add.f32 [tilespmem:s10], [sflag:$0x1], $0x1, s16, s13, $0xb8;
	[tilespmem:$0x2B00] =	vst v63  }
.Ltmp0:
0x21: {  	_ = 	snop;
	(pc) =	sbr.rel @p0 .LBB2_2-.Ltmp0, $4  }
0x22: {  	_ = 	snop  }
0x23: {  	s15 =	sadd.s32 $0x200, s15  }
0x24: {  	_ =	swait.ge [sflag:s9], $0x80  }
0x25: {  	[sflag:s9] =	ssyncset.done $0x0  }
0x26: {  	s14 =	sadd.s32 $0x1, s14  }
0x27: {  	[sflag:s9] =	ssyncadd.s32 $0xFFFFFF80;
	p0 =	sne.s32 s14, s8  }
.Ltmp1:
0x28: {  	[bflag:$0x0] =	sbarrier.arrive $0xFFFF;
	(pc) =	sbr.rel @p0 .LBB2_1-.Ltmp1, $4  }
0x29: {  	[hbm:s7], [sflag:s11] =	dma.local [spmem:s12], $0x50  }
0x2a: {  	_ =	swait.ge [sflag:s9], $0x50  }
0x2b: {  	[sflag:s9] =	ssyncset.done $0x0  }
0x2c: {  	[sflag:s9] =	ssyncadd.s32 $0xFFFFFFB0  }
0x2d: {  	_ =	sfence.sel $0x180000  }
0x2e: {  	[bflag:$0x0] =	sbarrier.arrive $0xFFFF  }
0x2f: {  	p0 =	sne.s32 s2, $0x0;
	_ =	strace $0x90000047  }
0x30: {  	s0 =	sadd.s32 @!p0 $0x100000, s0;
	[bflag:$0x2] =	sbarrier.arrive $0xFFFF  }
0x31: {  	[sflag:s0] =	ssyncadd.tile.s32 @!p0 $0x1;
	_ =	shalt  }
.Lfunc_end2:
_tile_overlayer_lowered:
.L_overlay_start_2:
0x32: {  	(tag) =	ssettag $0x2  }
0x33: {  	s0 =	rddreg [dreg:$0x0];
	s2 =	stileid.u32  }
0x34: {  	s1 =	rddreg [dreg:$0x1];
	p0 =	sne.s32 s2, $0x0  }
0x35: {  	s3 =	rddreg [dreg:$0x2];
	[bflag:$0x3] =	sbarrier.arrive $0xFFFF;
	s2 =	simm.s32 @!p0 $0x1C01  }
0x36: {  	[timem:s3], [sflag:s2] =	dma.local @!p0 [hbm:s0], s1  }
0x37: {  	s0 =	simm.s32 @!p0 $0x1  }
0x38: {  	_ =	swait.ge @!p0 [sflag:s0], s1  }
0x39: {  	s1 =	ssub.s32 @!p0 $0x0, s1;
	[sflag:s0] =	ssyncset.done @!p0 $0x0  }
0x3a: {  	[sflag:s0] =	ssyncadd.s32 @!p0 s1  }
0x3b: {  	[bflag:$0x3] =	sbarrier.arrive $0xFFFF  }
0x3c: {  	_ =	shalt  }

// kernel: kernel.13.cloned.1.call-start
scs
__scs_entry_jumppad:
0x0: {  	(pc) =	sbr.rel $0x88, $3  }
0x1: {  	(tag) =	ssettag $0x0;
	lr =	simm.s32 $0x1  }
0x2: {  	[smem:$0x3F9B] =	sst lr;
	_ =	strace $0xD0000000  }
0x3: {  	_ = 	snop  }
0x4: {  	_ = 	snop  }
0x5: {  	_ = 	snop  }
0x6: {  	_ = 	snop  }
0x7: {  	_ = 	snop  }
__scs_overlays_trampoline_lowered:
0x8: {  	[smem:$0x3FAA] =	sst s0  }
0x9: {  	[smem:$0x3FAB] =	sst s1  }
0xa: {  	[smem:$0x3FAC] =	sst s2  }
0xb: {  	[smem:$0x3FAD] =	sst s3  }
0xc: {  	[smem:$0x3FAE] =	sst s4  }
0xd: {  	[smem:$0x3FAF] =	sst s5  }
0xe: {  	[smem:$0x3FB0] =	sst s6  }
0xf: {  	[smem:$0x3FB1] =	sst s7  }
0x10: {  	[smem:$0x3FB2] =	sst s8  }
0x11: {  	[smem:$0x3FB3] =	sst s9;
	s0 =	simm.s32 @!p0 $0x0  }
0x12: {  	s1 =	sld [smem:$0x3F99];
	s0 =	simm.s32 @p0 $0x1  }
0x13: {  	[smem:$0x3FB4] =	sst s0;
	s0 =	simm.s32 @!p1 $0x0  }
0x14: {  	s2 =	sld [smem:$0x3F98];
	s0 =	simm.s32 @p1 $0x1  }
0x15: {  	[smem:$0x3FB5] =	sst s0;
	s0 =	simm.s32 @!p2 $0x0  }
0x16: {  	s3 =	sld [smem:$0x3FDB];
	s0 =	simm.s32 @p2 $0x1  }
0x17: {  	s4 =	simm.s32 $0x1BF5;
	[smem:$0x3FB7] =	sst s0  }
0x18: {  	s0 =	sld [smem:$0x3F9A];
	_ =	swait.ge [sflag:s4], $0x0  }
0x19: {  	s7 =	sld [smem:$0x3F9B]  }
0x1a: {  	s8 =	sadd.s32 $0xFFFFE003, lr  }
0x1b: {  	s9 =	sadd.s32 $0xFFFFFEF7, lr;
	s5 =	simm.s32 $0xFFFFFFFF;
	p2 =	slt.u32 s8, $0xFFFFF086  }
0x1c: {  	p1 =	slt.u32 s9, $0xF7A;
	s5 =	simm.s32 @!p2 $0x0  }
0x1d: {  	s5 =	simm.s32 @p1 $0x1;
	p0 =	seq.s32 s7, s2  }
0x1e: {  	s7 =	smul.u32 @!p0 $0xF7A, s2;
	p2 =	seq.s32 @!p0 s5, $0x0  }
0x1f: {  	s9 =	smul.u32 $0xF7A, s1;
	s8 =	simm.s32 @!p0 $0x1BF5;
	p2 =	por !p2, p0  }
0x20: {  	[sflag:s8] =	ssyncset.s32 @!p0 $0xFFFFF086;
	s6 =	sadd.s32 @!p0 s3, s7;
	s7 =	simm.s32 @!p0 $0x108  }
0x21: {  	s3 =	sadd.s32 s3, s9;
	s6 =	sadd.s32 @!p0 $0x88, s6;
	s7 =	simm.s32 @p2 $0x1082  }
0x22: {  	[simem:s7], [sflag:s8] =	dma.local @!p0 [hbm:s6], $0xF7A  }
0x23: {  	s9 =	sor.u32 $0xD0000000, s2;
	s6 =	simm.s32 $0x108;
	_ =	swait.ge @!p0 [sflag:s8], $0x0  }
0x24: {  	s3 =	sadd.s32 $0x88, s3;
	s6 =	simm.s32 @!p1 $0x1082;
	[sflag:s4] =	ssyncset.s32 $0xFFFFF086  }
0x25: {  	[simem:s6], [sflag:s4] =	dma.local [hbm:s3], $0xF7A  }
0x26: {  	[smem:$0x3F9B] =	sst s1;
	(tag) =	ssettag s2;
	_ =	strace s9  }
0x27: {  	s1 =	sld [smem:$0x3FAB]  }
0x28: {  	s2 =	sld [smem:$0x3FAC]  }
0x29: {  	s4 =	sld [smem:$0x3FAE]  }
0x2a: {  	p0 =	seq.s32 s5, $0x0;
	s5 =	sld [smem:$0x3FAF]  }
0x2b: {  	s6 =	sld [smem:$0x3FB0]  }
0x2c: {  	s7 =	sld [smem:$0x3FB1]  }
0x2d: {  	s3 =	simm.s32 $0x108;
	s8 =	sld [smem:$0x3FB2]  }
0x2e: {  	s3 =	simm.s32 @!p0 $0x1082;
	s9 =	sld [smem:$0x3FB3]  }
0x2f: {  	lr =	sadd.s32 s0, s3;
	s0 =	sld [smem:$0x3FAA]  }
0x30: {  	s3 =	sld [smem:$0x3FAD]  }
0x31: {  	[smem:$0x3FB6] =	sst s10  }
0x32: {  	s10 =	sld [smem:$0x3FB4];
	_ =	sdelay $0x3  }
0x33: {  	p0 =	seq.s32 s10, $0x1;
	s10 =	sld [smem:$0x3FB6];
	_ =	sdelay $0x3  }
0x34: {  	[smem:$0x3FB6] =	sst s10  }
0x35: {  	s10 =	sld [smem:$0x3FB5];
	_ =	sdelay $0x3  }
0x36: {  	p1 =	seq.s32 s10, $0x1;
	s10 =	sld [smem:$0x3FB6];
	_ =	sdelay $0x3  }
0x37: {  	[smem:$0x3FB6] =	sst s10  }
0x38: {  	s10 =	sld [smem:$0x3FB7]  }
0x39: {  	_ = 	snop;
	(pc) =	sbr.ind lr, $3  }
0x3a: {  	_ = 	snop  }
0x3b: {  	_ = 	snop  }
0x3c: {  	p2 =	seq.s32 s10, $0x1;
	s10 =	sld [smem:$0x3FB6]  }
0x3d: {  	_ =	shalt  }
0x3e: {  	_ =	shalt  }
0x3f: {  	_ =	shalt  }
0x40: {  	_ =	shalt  }
0x41: {  	_ =	shalt  }
0x42: {  	_ =	shalt  }
0x43: {  	_ =	shalt  }
0x44: {  	_ =	shalt  }
0x45: {  	_ =	shalt  }
0x46: {  	_ =	shalt  }
0x47: {  	_ =	shalt  }
0x48: {  	_ =	shalt  }
0x49: {  	_ =	shalt  }
0x4a: {  	_ =	shalt  }
0x4b: {  	_ =	shalt  }
0x4c: {  	_ =	shalt  }
0x4d: {  	_ =	shalt  }
0x4e: {  	_ =	shalt  }
0x4f: {  	_ =	shalt  }
0x50: {  	_ =	shalt  }
0x51: {  	_ =	shalt  }
0x52: {  	_ =	shalt  }
0x53: {  	_ =	shalt  }
0x54: {  	_ =	shalt  }
0x55: {  	_ =	shalt  }
0x56: {  	_ =	shalt  }
0x57: {  	_ =	shalt  }
0x58: {  	_ =	shalt  }
0x59: {  	_ =	shalt  }
0x5a: {  	_ =	shalt  }
0x5b: {  	_ =	shalt  }
0x5c: {  	_ =	shalt  }
0x5d: {  	_ =	shalt  }
0x5e: {  	_ =	shalt  }
0x5f: {  	_ =	shalt  }
0x60: {  	_ =	shalt  }
0x61: {  	_ =	shalt  }
0x62: {  	_ =	shalt  }
0x63: {  	_ =	shalt  }
0x64: {  	_ =	shalt  }
0x65: {  	_ =	shalt  }
0x66: {  	_ =	shalt  }
0x67: {  	_ =	shalt  }
0x68: {  	_ =	shalt  }
0x69: {  	_ =	shalt  }
0x6a: {  	_ =	shalt  }
0x6b: {  	_ =	shalt  }
0x6c: {  	_ =	shalt  }
0x6d: {  	_ =	shalt  }
0x6e: {  	_ =	shalt  }
0x6f: {  	_ =	shalt  }
0x70: {  	_ =	shalt  }
0x71: {  	_ =	shalt  }
0x72: {  	_ =	shalt  }
0x73: {  	_ =	shalt  }
0x74: {  	_ =	shalt  }
0x75: {  	_ =	shalt  }
0x76: {  	_ =	shalt  }
0x77: {  	_ =	shalt  }
0x78: {  	_ =	shalt  }
0x79: {  	_ =	shalt  }
0x7a: {  	_ =	shalt  }
0x7b: {  	_ =	shalt  }
0x7c: {  	_ =	shalt  }
0x7d: {  	_ =	shalt  }
0x7e: {  	_ =	shalt  }
0x7f: {  	_ =	shalt  }
0x80: {  	_ =	shalt  }
0x81: {  	_ =	shalt  }
0x82: {  	_ =	shalt  }
0x83: {  	_ =	shalt  }
0x84: {  	_ =	shalt  }
0x85: {  	_ =	shalt  }
0x86: {  	_ =	shalt  }
0x87: {  	_ =	shalt  }
.Lfunc_end0:
.L_simem_size_0:
called_computation.1_lowered:
.L_overlay_start_0:
0x88: {  	s2 =	sld [smem:$0x3FD9]  }
0x89: {  	s3 =	sld [smem:$0x3FFE];
	_ =	sdelay $0x1  }
0x8a: {  	s1 =	srdreg.scid  }
0x8b: {  	s0 =	sand.u32 $0x1, s1  }
0x8c: {  	s14 =	sshll.u32 s0, $0xA;
	s2 =	sadd.s32 s3, s2  }
0x8d: {  	s2 =	sadd.s32 s2, s14  }
0x8e: {  	[smem:$0x3FC2] =	sst s2  }
0x8f: {  	_ = 	snop  }
0x90: {  	s2 =	sld [smem:$0x3FD0];
	_ =	sdelay $0x2  }
0x91: {  	s15 =	simm.s32 $0xA;
	s4 =	simm.s32 $0x10  }
0x92: {  	[smem:s4], [sflag:s15] =	dma.local [hbm:s2], $0x1  }
0x93: {  	_ =	swait.eq [sflag:s15], $0x1  }
0x94: {  	[sflag:s15] =	ssyncset.done $0x0  }
0x95: {  	[sflag:s15] =	ssyncadd.s32 $0xFFFFFFFF  }
0x96: {  	s16 =	sld [smem:$0x10];
	(tm) =	ssettm $0x1  }
0x97: {  	s17 =	sld [smem:$0x3FFB];
	_ =	sdelay $0x3  }
0x98: {  	_ =	strace s17  }
0x99: {  	s3 =	sld [smem:$0x3FFC];
	_ =	sdelay $0x3  }
0x9a: {  	_ =	strace s3  }
0x9b: {  	s3 =	sld [smem:$0x3FFD];
	_ =	sdelay $0x3  }
0x9c: {  	_ =	strace s3  }
0x9d: {  	_ =	strace $0x8FFFFFFF  }
0x9e: {  	s18 =	sld [smem:$0x3FDB];
	_ =	sdelay $0x1  }
0x9f: {  	s19 =	simm.s32 $_scs_section_size  }
0xa0: {  	s5 =	simm.s32 $_size__tile_overlayer_lowered;
	s6 =	simm.s32 $_tile_overlayer_lowered  }
0xa1: {  	s22 =	simm.s32 $0x1BFF;
	s21 =	sshll.u32 s6, $0x1;
	s3 =	sadd.s32 s19, s18  }
0xa2: {  	s7 =	simm.s32 $0x0;
	s20 =	sshll.u32 s5, $0x1;
	s5 =	sadd.s32 s21, s3  }
0xa3: {  	[timem:s7], [sflag:s22] =	dma.local [hbm:s5], s20  }
0xa4: {  	_ =	swait.ge [sflag:s22], s20  }
0xa5: {  	s4 =	ssub.s32 $0x0, s20;
	[sflag:s22] =	ssyncset.done $0x0  }
0xa6: {  	[sflag:s22] =	ssyncadd.s32 s4;
	_ =	sdelay $0x1  }
0xa7: {  	s23 =	simm.s32 $0x1B8B  }
0xa8: {  	_ =	swait.ge [sflag:s23], $0x1  }
0xa9: {  	[sflag:s23] =	ssyncset.done $0x0  }
0xaa: {  	s25 =	simm.s32 $0x1B8E;
	s24 =	sld [smem:$0x3FFE];
	[sflag:s23] =	ssyncadd.s32 $0xFFFFFFFF  }
0xab: {  	s26 =	simm.s32 $execute0_lowered;
	[smem:$0x3FD2] =	sst s25  }
0xac: {  	s5 =	sshll.u32 s26, $0x1;
	_ =	strace $0x80000049;
	[dreg:$0x1] =	wrdreg $0xFFFFFFFF  }
0xad: {  	s28 =	simm.s32 $_size_execute0_lowered;
	s3 =	sadd.s32 s3, s5;
	[dreg:$0x0] =	wrdreg $0x0  }
0xae: {  	s5 =	sshll.u32 s28, $0x1;
	[dreg:$0x2] =	wrdreg s3  }
0xaf: {  	[dreg:$0x3] =	wrdreg s5  }
0xb0: {  	[dreg:$0x4] =	wrdreg $0xC0  }
0xb1: {  	_ =	task [dreg:s7], $0x5FFFF  }
0xb2: {  	[dreg:$0x1] =	wrdreg $0xFFFFFFFF  }
0xb3: {  	[dreg:$0x0] =	wrdreg $0x60  }
0xb4: {  	[dreg:$0x2] =	wrdreg s24  }
0xb5: {  	[dreg:$0x3] =	wrdreg s16  }
0xb6: {  	[dreg:$0x4] =	wrdreg $0x40000  }
0xb7: {  	[dreg:$0x5] =	wrdreg $0x9  }
0xb8: {  	_ =	task.clear_ibuf [dreg:s7], $0x6FFFF;
	_ =	strace $0x90000049  }
0xb9: {  	s29 =	simm.s32 $0x9;
	_ =	strace $0x8000004B  }
0xba: {  	_ =	swait.ge [sflag:s29], $0x1  }
0xbb: {  	[sflag:s29] =	ssyncadd.s32 $0xFFFFFFFF  }
0xbc: {  	_ =	strace $0x9000004B  }
0xbd: {  	_ =	sfence  }
0xbe: {  	s30 =	sld [smem:$0x0];
	_ =	sdelay $0x2  }
0xbf: {  	s31 =	sshll.u32 s1, $0xD;
	s1 =	sshrl.u32 s1, $0x2  }
0xc0: {  	s3 =	sand.u32 $0x4000, s31;
	s1 =	sadd.s32 s1, s30  }
0xc1: {  	s0 =	sor.u32 s3, s0;
	s1 =	sshll.u32 s1, $0x11  }
0xc2: {  	s0 =	sor.u32 s1, s0  }
0xc3: {  	s0 =	sadd.s32 $0x8F2B, s0  }
0xc4: {  	[sflag:s0] =	ssyncadd.remote.s32 $0x1  }
0xc5: {  	_ =	sfence.sel $0xFFFF  }
0xc6: {  	[dreg:$0x0] =	wrdreg $0xFFFFFFFF;
	(pc) =	sbr.abs _section_cstart, $3  }
0xc7: {  	[dreg:$0x1] =	wrdreg $0xFFFFFFFF  }
0xc8: {  	_ =	task.clear_ibuf [dreg:s7], $0x2FFFF;
	_ =	strace $0x9FFFFFFF  }
0xc9: {  	(tm) =	ssettm $0x7FFFFFFF  }
tec
execute0_lowered:
.L_overlay_start_1:
0x0: {  	(tag) =	ssettag $0x1  }
0x1: {  	s0 =	rddreg [dreg:$0x0]  }
0x2: {  	s2 =	rddreg [dreg:$0x1]  }
0x3: {  	s3 =	rddreg [dreg:$0x2]  }
0x4: {  	s1 =	srdreg.scid;
	s11 =	stileid.u32;
	s5 =	simm.s32 $0x0  }
0x5: {  	s16 =	simm.s32 $0x6;
	s18 =	simm.s32 $0x2000;
	s28 =	simm.s32 $0x1E000  }
0x6: {  	s29 =	simm.s32 $0x2;
	s30 =	simm.s32 $0x3;
	s31 =	simm.s32 $0x4  }
0x7: {  	s12 =	simm.s32 $0x2080;
	s13 =	simm.s32 $0x2100;
	s4 =	smul.u32 $0x2800, s11  }
0x8: {  	s14 =	simm.s32 $0x2180;
	s15 =	simm.s32 $0x3E80;
	s7 =	smul.u32 $0x140, s11  }
0x9: {  	s1 =	sand.u32 $0x1, s1;
	[smem:$0x7FF] =	sst s5;
	s19 =	smul.u32 $0x50000, s11  }
0xa: {  	s5 =	sadd.s32 $0x53800, s0;
	s22 =	sshll.u32 s11, $0x6;
	s11 =	smul.u32 $0x1400, s11  }
0xb: {  	s6 =	sadd.s32 $0x2B800, s0;
	s10 =	sadd.s32 $0xA3800, s0;
	s8 =	smul.u32 $0x28000, s1  }
0xc: {  	_ =	strace $0x8000004A;
	s9 =	smul.u32 $0x1400, s1;
	s1 =	ssub.s32 $0x2, s1  }
0xd: {  	[dreg:$0x4] =	wrdreg s10;
	s17 =	sor.u32 $0x1C06, s22;
	s10 =	simm.s32 $0x3E00  }
0xe: {  	s22 =	simm.s32 $0x3F80;
	s20 =	sshrl.u32 s1, $0x1;
	s21 =	sshrl.u32 s19, $0x2  }
0xf: {  	s25 =	sadd.s32 s2, s11;
	s11 =	simm.s32 $0x1;
	s19 =	simm.s32 $0x3F00  }
0x10: {  	[dreg:$0x5] =	wrdreg s17;
	s4 =	sadd.s32 s4, s8;
	s1 =	ssub.s32 s1, s20  }
0x11: {  	s9 =	sadd.s32 s7, s9;
	[dreg:$0x7] =	wrdreg s25;
	s20 =	simm.s32 $0x40  }
0x12: {  	s25 =	simm.s32 $0x1C000;
	s8 =	simm.s32 $0x1F80;
	s0 =	sadd.s32 s4, s0  }
.Ltmp0:
0x13: {  	s23 =	sshll.u32 s9, $0x4;
	s26 =	smax.u32 s1, $0x1;
	(pc) =	sbr.rel .LBB2_1-.Ltmp0, $4  }
0x14: {  	s4 =	sadd.s32 s21, s3;
	s24 =	sadd.s32 s6, s23;
	[dreg:$0x9] =	wrdreg s26  }
0x15: {  	s21 =	simm.s32 $0x18000;
	s0 =	sadd.s32 $0xA6000, s0;
	[dreg:$0x6] =	wrdreg s24  }
0x16: {  	s4 =	sshrl.u32 s4, $0x3;
	s23 =	simm.s32 $0x1A000;
	[dreg:$0x8] =	wrdreg s0  }
0x17: {  	s0 =	simm.s32 $0x5;
	s24 =	simm.s32 $0x0;
	[dreg:$0xa] =	wrdreg s4  }
.LBB2_8:
0x18: {  	[bflag:$0x0] =	sbarrier.arrive $0xFFFF  }
0x19: {  	s17 =	rddreg [dreg:$0x5]  }
0x1a: {  	s1 =	rddreg [dreg:$0x8]  }
0x1b: {  	s4 =	rddreg [dreg:$0xa]  }
0x1c: {  	[hbm:s1], [sflag:s17] =	dma.local [spmem:s4], $0x2800  }
0x1d: {  	_ =	swait.ge [sflag:s16], $0x2800  }
0x1e: {  	s24 =	rddreg [dreg:$0xb]  }
0x1f: {  	s26 =	rddreg [dreg:$0x9];
	s24 =	sadd.s32 $0x1, s24  }
0x20: {  	p0 =	sne.s32 s24, s26  }
.Ltmp1:
0x21: {  	_ = 	snop;
	(pc) =	sbr.rel @!p0 .LBB2_9-.Ltmp1, $3  }
0x22: {  	_ =	sdelay $0x1  }
0x23: {  	[sflag:s16] =	ssyncset.done $0x0  }
0x24: {  	[sflag:s16] =	ssyncadd.s32 $0xFFFFD800  }
.LBB2_1:
0x25: {  	[dreg:$0xb] =	wrdreg s24  }
0x26: {  	s1 =	rddreg [dreg:$0x4]  }
0x27: {  	[spmem:s4], [sflag:s17] =	dma.local [hbm:s1], $0x2800  }
0x28: {  	_ =	swait.ge [sflag:s16], $0x2800  }
0x29: {  	[sflag:s16] =	ssyncset.done $0x0  }
0x2a: {  	s1 =	simm.s32 $0x0;
	s17 =	rddreg [dreg:$0x6];
	[sflag:s16] =	ssyncadd.s32 $0xFFFFD800  }
0x2b: {  	[tilespmem:s1], [sflag:$0x6] =	stream.linear.gather [hbm4b:s17+s1], $0x1000, $0x38;
	v63 =	vld [tilespmem:$0x0]  }
0x2c: {  	_ =	swait.ge [sflag:s16], $0x1000  }
0x2d: {  	[sflag:s16] =	ssyncset.done $0x0  }
0x2e: {  	s26 =	simm.s32 $0x1000;
	s24 =	rddreg [dreg:$0x7];
	[sflag:s16] =	ssyncadd.s32 $0xFFFFF000  }
0x2f: {  	[tilespmem:s26], [sflag:$0x6] =	stream.linear.gather [hbm4b:s24+s1], $0x1000, $0x38;
	v63 =	vld [tilespmem:$0x0]  }
0x30: {  	_ =	swait.ge [sflag:s16], $0x1000  }
0x31: {  	[sflag:s16] =	ssyncset.done $0x0  }
0x32: {  	[sflag:s16] =	ssyncadd.s32 $0xFFFFF000  }
0x33: {  	s24 =	simm.s32 $0x0;
	[bflag:$0x0] =	sbarrier.arrive $0xFFFF  }
.LBB2_2:
0x34: {  	s26 =	sshll.u32 s24, $0x6  }
0x35: {  	s1 =	sor.u32 $0x20, s26  }
0x36: {  	s17 =	sadd.s32 s9, s1  }
0x37: {  	s1 =	sadd.s32 s7, s1;
	s17 =	sshll.u32 s17, $0x4  }
0x38: {  	s4 =	simm.s32 $0x0;
	s1 =	sshll.u32 s1, $0x4;
	s17 =	sadd.s32 s6, s17  }
0x39: {  	[tilespmem:s18], [sflag:$0x1] =	stream.linear.gather [hbm4b:s17+s4], $0x1000, $0x38;
	v63 =	vld [tilespmem:$0x0]  }
0x3a: {  	s1 =	sadd.s32 s2, s1;
	s17 =	simm.s32 $0x3000  }
0x3b: {  	[tilespmem:s17], [sflag:$0x1] =	stream.linear.gather [hbm4b:s1+s4], $0x1000, $0x38;
	v63 =	vld [tilespmem:$0x0]  }
0x3c: {  	_ = 	snop  }
0x3d: {  	[tilespmem:s21], [sflag:$0x2] =	stream.indirect.gather [hbm4b:s5+s20], $0x80, s4, s20, $0xb8;
	v63 =	vld [tilespmem:$0x0]  }
0x3e: {  	s4 =	simm.s32 $0x80  }
0x3f: {  	[tilespmem:s23], [sflag:$0x3] =	stream.indirect.gather [hbm4b:s5+s20], $0x80, s4, s20, $0xb8;
	v63 =	vld [tilespmem:$0x0]  }
0x40: {  	s17 =	simm.s32 $0x100  }
0x41: {  	[tilespmem:s25], [sflag:$0x4] =	stream.indirect.gather [hbm4b:s5+s20], $0x80, s17, s20, $0xb8;
	v63 =	vld [tilespmem:$0x0]  }
0x42: {  	s4 =	simm.s32 $0x180  }
0x43: {  	[tilespmem:s28], [sflag:$0x5] =	stream.indirect.gather [hbm4b:s5+s20], $0x80, s4, s20, $0xb8;
	v63 =	vld [tilespmem:$0x0]  }
0x44: {  	_ =	swait.ge [sflag:s29], $0x2000  }
0x45: {  	[sflag:s29] =	ssyncset.done $0x0  }
0x46: {  	s17 =	simm.s32 $0x1000;
	[sflag:s29] =	ssyncadd.s32 $0xFFFFE000  }
0x47: {  	[spmem:s3] =	stream.indirect.scatter.add.f32 [tilespmem:s21], [sflag:$0x6], $0x80, s17, s20, $0xb8;
	v63 =	vld [tilespmem:$0x0]  }
0x48: {  	_ =	swait.ge [sflag:s16], $0x2000  }
0x49: {  	[sflag:s16] =	ssyncset.done $0x0  }
0x4a: {  	s4 =	simm.s32 $0x200;
	[sflag:s16] =	ssyncadd.s32 $0xFFFFE000  }
0x4b: {  	[tilespmem:s21], [sflag:$0x2] =	stream.indirect.gather [hbm4b:s5+s20], $0x80, s4, s20, $0xb8;
	v63 =	vld [tilespmem:$0x0]  }
0x4c: {  	_ =	swait.ge [sflag:s30], $0x2000  }
0x4d: {  	[sflag:s30] =	ssyncset.done $0x0  }
0x4e: {  	s17 =	simm.s32 $0x1080;
	[sflag:s30] =	ssyncadd.s32 $0xFFFFE000  }
0x4f: {  	[spmem:s3] =	stream.indirect.scatter.add.f32 [tilespmem:s23], [sflag:$0x6], $0x80, s17, s20, $0xb8;
	v63 =	vld [tilespmem:$0x0]  }
0x50: {  	_ =	swait.ge [sflag:s16], $0x2000  }
0x51: {  	[sflag:s16] =	ssyncset.done $0x0  }
0x52: {  	s4 =	simm.s32 $0x280;
	[sflag:s16] =	ssyncadd.s32 $0xFFFFE000  }
0x53: {  	[tilespmem:s23], [sflag:$0x3] =	stream.indirect.gather [hbm4b:s5+s20], $0x80, s4, s20, $0xb8;
	v63 =	vld [tilespmem:$0x0]  }
0x54: {  	_ =	swait.ge [sflag:s31], $0x2000  }
0x55: {  	[sflag:s31] =	ssyncset.done $0x0  }
0x56: {  	s17 =	simm.s32 $0x1100;
	[sflag:s31] =	ssyncadd.s32 $0xFFFFE000  }
0x57: {  	[spmem:s3] =	stream.indirect.scatter.add.f32 [tilespmem:s25], [sflag:$0x6], $0x80, s17, s20, $0xb8;
	v63 =	vld [tilespmem:$0x0]  }
0x58: {  	_ =	swait.ge [sflag:s16], $0x2000  }
0x59: {  	[sflag:s16] =	ssyncset.done $0x0  }
0x5a: {  	s4 =	simm.s32 $0x300;
	[sflag:s16] =	ssyncadd.s32 $0xFFFFE000  }
0x5b: {  	[tilespmem:s25], [sflag:$0x4] =	stream.indirect.gather [hbm4b:s5+s20], $0x80, s4, s20, $0xb8;
	v63 =	vld [tilespmem:$0x0]  }
0x5c: {  	_ =	swait.ge [sflag:s0], $0x2000  }
0x5d: {  	[sflag:s0] =	ssyncset.done $0x0  }
0x5e: {  	s17 =	simm.s32 $0x1180;
	[sflag:s0] =	ssyncadd.s32 $0xFFFFE000  }
0x5f: {  	[spmem:s3] =	stream.indirect.scatter.add.f32 [tilespmem:s28], [sflag:$0x6], $0x80, s17, s20, $0xb8;
	v63 =	vld [tilespmem:$0x0]  }
0x60: {  	_ =	swait.ge [sflag:s16], $0x2000  }
0x61: {  	[sflag:s16] =	ssyncset.done $0x0  }
0x62: {  	s1 =	simm.s32 $0x800;
	s17 =	simm.s32 $0x380;
	[sflag:s16] =	ssyncadd.s32 $0xFFFFE000  }
.LBB2_3:
0x63: {  	[tilespmem:s28], [sflag:$0x5] =	stream.indirect.gather [hbm4b:s5+s20], $0x80, s17, s20, $0xb8;
	v63 =	vld [tilespmem:$0x0]  }
0x64: {  	s4 =	smov.u32 s1  }
0x65: {  	p0 =	sne.s32 s1, $0x3000;
	s1 =	sadd.s32 $0x800, s1;
	_ =	swait.ge [sflag:s29], $0x2000  }
0x66: {  	s17 =	sshra.s32 s4, $0x2;
	[sflag:s29] =	ssyncset.done $0x0  }
0x67: {  	s4 =	sadd.s32 $0x1000, s17;
	[sflag:s29] =	ssyncadd.s32 $0xFFFFE000  }
0x68: {  	[spmem:s3] =	stream.indirect.scatter.add.f32 [tilespmem:s21], [sflag:$0x6], $0x80, s4, s20, $0xb8;
	v63 =	vld [tilespmem:$0x0]  }
0x69: {  	_ =	swait.ge [sflag:s16], $0x2000  }
0x6a: {  	[sflag:s16] =	ssyncset.done $0x0  }
0x6b: {  	s4 =	sadd.s32 $0x200, s17;
	[sflag:s16] =	ssyncadd.s32 $0xFFFFE000  }
0x6c: {  	[tilespmem:s21], [sflag:$0x2] =	stream.indirect.gather [hbm4b:s5+s20], $0x80, s4, s20, $0xb8;
	v63 =	vld [tilespmem:$0x0]  }
0x6d: {  	_ =	swait.ge [sflag:s30], $0x2000  }
0x6e: {  	[sflag:s30] =	ssyncset.done $0x0  }
0x6f: {  	s4 =	sadd.s32 $0x1080, s17;
	[sflag:s30] =	ssyncadd.s32 $0xFFFFE000  }
0x70: {  	[spmem:s3] =	stream.indirect.scatter.add.f32 [tilespmem:s23], [sflag:$0x6], $0x80, s4, s20, $0xb8;
	v63 =	vld [tilespmem:$0x0]  }
0x71: {  	_ =	swait.ge [sflag:s16], $0x2000  }
0x72: {  	[sflag:s16] =	ssyncset.done $0x0  }
0x73: {  	s4 =	sadd.s32 $0x280, s17;
	[sflag:s16] =	ssyncadd.s32 $0xFFFFE000  }
0x74: {  	[tilespmem:s23], [sflag:$0x3] =	stream.indirect.gather [hbm4b:s5+s20], $0x80, s4, s20, $0xb8;
	v63 =	vld [tilespmem:$0x0]  }
0x75: {  	_ =	swait.ge [sflag:s31], $0x2000  }
0x76: {  	[sflag:s31] =	ssyncset.done $0x0  }
0x77: {  	s4 =	sadd.s32 $0x1100, s17;
	[sflag:s31] =	ssyncadd.s32 $0xFFFFE000  }
0x78: {  	[spmem:s3] =	stream.indirect.scatter.add.f32 [tilespmem:s25], [sflag:$0x6], $0x80, s4, s20, $0xb8;
	v63 =	vld [tilespmem:$0x0]  }
0x79: {  	_ =	swait.ge [sflag:s16], $0x2000  }
0x7a: {  	[sflag:s16] =	ssyncset.done $0x0  }
0x7b: {  	s4 =	sadd.s32 $0x300, s17;
	[sflag:s16] =	ssyncadd.s32 $0xFFFFE000  }
0x7c: {  	[tilespmem:s25], [sflag:$0x4] =	stream.indirect.gather [hbm4b:s5+s20], $0x80, s4, s20, $0xb8;
	v63 =	vld [tilespmem:$0x0]  }
0x7d: {  	_ =	swait.ge [sflag:s0], $0x2000  }
0x7e: {  	[sflag:s0] =	ssyncset.done $0x0  }
.Ltmp2:
0x7f: {  	s4 =	sadd.s32 $0x1180, s17;
	[sflag:s0] =	ssyncadd.s32 $0xFFFFE000;
	(pc) =	sbr.rel @p0 .LBB2_3-.Ltmp2, $4  }
0x80: {  	[spmem:s3] =	stream.indirect.scatter.add.f32 [tilespmem:s28], [sflag:$0x6], $0x80, s4, s20, $0xb8;
	v63 =	vld [tilespmem:$0x0]  }
0x81: {  	_ =	swait.ge [sflag:s16], $0x2000  }
0x82: {  	[sflag:s16] =	ssyncset.done $0x0  }
0x83: {  	s17 =	sadd.s32 $0x380, s17;
	[sflag:s16] =	ssyncadd.s32 $0xFFFFE000  }
0x84: {  	[tilespmem:s28], [sflag:$0x5] =	stream.indirect.gather [hbm4b:s5+s20], $0x80, s17, s20, $0xb8;
	v63 =	vld [tilespmem:$0x0]  }
0x85: {  	_ =	swait.ge [sflag:s29], $0x2000  }
0x86: {  	[sflag:s29] =	ssyncset.done $0x0  }
0x87: {  	s1 =	simm.s32 $0x1E00;
	[sflag:s29] =	ssyncadd.s32 $0xFFFFE000  }
0x88: {  	[spmem:s3] =	stream.indirect.scatter.add.f32 [tilespmem:s21], [sflag:$0x6], $0x80, s1, s20, $0xb8;
	v63 =	vld [tilespmem:$0x0]  }
0x89: {  	_ =	swait.ge [sflag:s16], $0x2000  }
0x8a: {  	[sflag:s16] =	ssyncset.done $0x0  }
0x8b: {  	[sflag:s16] =	ssyncadd.s32 $0xFFFFE000  }
0x8c: {  	_ =	swait.ge [sflag:s30], $0x2000  }
0x8d: {  	[sflag:s30] =	ssyncset.done $0x0  }
0x8e: {  	s4 =	simm.s32 $0x1E80;
	[sflag:s30] =	ssyncadd.s32 $0xFFFFE000  }
0x8f: {  	[spmem:s3] =	stream.indirect.scatter.add.f32 [tilespmem:s23], [sflag:$0x6], $0x80, s4, s20, $0xb8;
	v63 =	vld [tilespmem:$0x0]  }
0x90: {  	_ =	swait.ge [sflag:s16], $0x2000  }
0x91: {  	[sflag:s16] =	ssyncset.done $0x0  }
0x92: {  	[sflag:s16] =	ssyncadd.s32 $0xFFFFE000  }
0x93: {  	_ =	swait.ge [sflag:s31], $0x2000  }
0x94: {  	[sflag:s31] =	ssyncset.done $0x0  }
0x95: {  	s17 =	simm.s32 $0x1F00;
	[sflag:s31] =	ssyncadd.s32 $0xFFFFE000  }
0x96: {  	[spmem:s3] =	stream.indirect.scatter.add.f32 [tilespmem:s25], [sflag:$0x6], $0x80, s17, s20, $0xb8;
	v63 =	vld [tilespmem:$0x0]  }
0x97: {  	_ =	swait.ge [sflag:s16], $0x2000  }
0x98: {  	[sflag:s16] =	ssyncset.done $0x0  }
0x99: {  	[sflag:s16] =	ssyncadd.s32 $0xFFFFE000  }
0x9a: {  	_ =	swait.ge [sflag:s0], $0x2000  }
0x9b: {  	[sflag:s0] =	ssyncset.done $0x0  }
0x9c: {  	[sflag:s0] =	ssyncadd.s32 $0xFFFFE000  }
0x9d: {  	[spmem:s3] =	stream.indirect.scatter.add.f32 [tilespmem:s28], [sflag:$0x6], $0x80, s8, s20, $0xb8;
	v63 =	vld [tilespmem:$0x0]  }
0x9e: {  	_ =	swait.ge [sflag:s16], $0x2000  }
0x9f: {  	[sflag:s16] =	ssyncset.done $0x0  }
0xa0: {  	[sflag:s16] =	ssyncadd.s32 $0xFFFFE000  }
0xa1: {  	_ =	swait.ge [sflag:s11], $0x1000  }
0xa2: {  	p0 =	seq.s32 s24, $0x4;
	[sflag:s11] =	ssyncset.done $0x0  }
0xa3: {  	s1 =	sadd.s32 @!p0 $0x40, s26;
	[sflag:s11] =	ssyncadd.s32 $0xFFFFF000  }
0xa4: {  	s4 =	sadd.s32 @!p0 s9, s1;
	s1 =	sadd.s32 @!p0 s7, s1;
	_ =	swait.ge [sflag:s11], $0x1000  }
0xa5: {  	s4 =	sshll.u32 @!p0 s4, $0x4;
	s1 =	sshll.u32 @!p0 s1, $0x4;
	[sflag:s11] =	ssyncset.done $0x0  }
0xa6: {  	s4 =	sadd.s32 @!p0 s6, s4;
	s17 =	simm.s32 @!p0 $0x0;
	[sflag:s11] =	ssyncadd.s32 $0xFFFFF000  }
0xa7: {  	[tilespmem:s17], [sflag:$0x1] =	stream.linear.gather @!p0 [hbm4b:s4+s17], $0x1000, $0x38;
	v63 =	vld [tilespmem:$0x0]  }
0xa8: {  	s1 =	sadd.s32 @!p0 s2, s1;
	s4 =	simm.s32 @!p0 $0x1000  }
0xa9: {  	[tilespmem:s4], [sflag:$0x1] =	stream.linear.gather @!p0 [hbm4b:s1+s17], $0x1000, $0x38;
	v63 =	vld [tilespmem:$0x0]  }
0xaa: {  	_ = 	snop  }
0xab: {  	[tilespmem:s21], [sflag:$0x2] =	stream.indirect.gather [hbm4b:s5+s20], $0x80, s18, s20, $0xb8;
	v63 =	vld [tilespmem:$0x0]  }
0xac: {  	_ = 	snop  }
0xad: {  	[tilespmem:s23], [sflag:$0x3] =	stream.indirect.gather [hbm4b:s5+s20], $0x80, s12, s20, $0xb8;
	v63 =	vld [tilespmem:$0x0]  }
0xae: {  	_ = 	snop  }
0xaf: {  	[tilespmem:s25], [sflag:$0x4] =	stream.indirect.gather [hbm4b:s5+s20], $0x80, s13, s20, $0xb8;
	v63 =	vld [tilespmem:$0x0]  }
0xb0: {  	_ = 	snop  }
0xb1: {  	[tilespmem:s28], [sflag:$0x5] =	stream.indirect.gather [hbm4b:s5+s20], $0x80, s14, s20, $0xb8;
	v63 =	vld [tilespmem:$0x0]  }
0xb2: {  	_ =	swait.ge [sflag:s29], $0x2000  }
0xb3: {  	[sflag:s29] =	ssyncset.done $0x0  }
0xb4: {  	s26 =	simm.s32 $0x3000;
	[sflag:s29] =	ssyncadd.s32 $0xFFFFE000  }
0xb5: {  	[spmem:s3] =	stream.indirect.scatter.add.f32 [tilespmem:s21], [sflag:$0x6], $0x80, s26, s20, $0xb8;
	v63 =	vld [tilespmem:$0x0]  }
0xb6: {  	_ =	swait.ge [sflag:s16], $0x2000  }
0xb7: {  	[sflag:s16] =	ssyncset.done $0x0  }
0xb8: {  	s4 =	simm.s32 $0x2200;
	[sflag:s16] =	ssyncadd.s32 $0xFFFFE000  }
0xb9: {  	[tilespmem:s21], [sflag:$0x2] =	stream.indirect.gather [hbm4b:s5+s20], $0x80, s4, s20, $0xb8;
	v63 =	vld [tilespmem:$0x0]  }
0xba: {  	_ =	swait.ge [sflag:s30], $0x2000  }
0xbb: {  	[sflag:s30] =	ssyncset.done $0x0  }
0xbc: {  	s17 =	simm.s32 $0x3080;
	[sflag:s30] =	ssyncadd.s32 $0xFFFFE000  }
0xbd: {  	[spmem:s3] =	stream.indirect.scatter.add.f32 [tilespmem:s23], [sflag:$0x6], $0x80, s17, s20, $0xb8;
	v63 =	vld [tilespmem:$0x0]  }
0xbe: {  	_ =	swait.ge [sflag:s16], $0x2000  }
0xbf: {  	[sflag:s16] =	ssyncset.done $0x0  }
0xc0: {  	s26 =	simm.s32 $0x2280;
	[sflag:s16] =	ssyncadd.s32 $0xFFFFE000  }
0xc1: {  	[tilespmem:s23], [sflag:$0x3] =	stream.indirect.gather [hbm4b:s5+s20], $0x80, s26, s20, $0xb8;
	v63 =	vld [tilespmem:$0x0]  }
0xc2: {  	_ =	swait.ge [sflag:s31], $0x2000  }
0xc3: {  	[sflag:s31] =	ssyncset.done $0x0  }
0xc4: {  	s4 =	simm.s32 $0x3100;
	[sflag:s31] =	ssyncadd.s32 $0xFFFFE000  }
0xc5: {  	[spmem:s3] =	stream.indirect.scatter.add.f32 [tilespmem:s25], [sflag:$0x6], $0x80, s4, s20, $0xb8;
	v63 =	vld [tilespmem:$0x0]  }
0xc6: {  	_ =	swait.ge [sflag:s16], $0x2000  }
0xc7: {  	[sflag:s16] =	ssyncset.done $0x0  }
0xc8: {  	s17 =	simm.s32 $0x2300;
	[sflag:s16] =	ssyncadd.s32 $0xFFFFE000  }
0xc9: {  	[tilespmem:s25], [sflag:$0x4] =	stream.indirect.gather [hbm4b:s5+s20], $0x80, s17, s20, $0xb8;
	v63 =	vld [tilespmem:$0x0]  }
0xca: {  	_ =	swait.ge [sflag:s0], $0x2000  }
0xcb: {  	[sflag:s0] =	ssyncset.done $0x0  }
0xcc: {  	s26 =	simm.s32 $0x3180;
	[sflag:s0] =	ssyncadd.s32 $0xFFFFE000  }
0xcd: {  	[spmem:s3] =	stream.indirect.scatter.add.f32 [tilespmem:s28], [sflag:$0x6], $0x80, s26, s20, $0xb8;
	v63 =	vld [tilespmem:$0x0]  }
0xce: {  	_ =	swait.ge [sflag:s16], $0x2000  }
0xcf: {  	[sflag:s16] =	ssyncset.done $0x0  }
0xd0: {  	s1 =	simm.s32 $0x800;
	s17 =	simm.s32 $0x2380;
	[sflag:s16] =	ssyncadd.s32 $0xFFFFE000  }
.LBB2_5:
0xd1: {  	[tilespmem:s28], [sflag:$0x5] =	stream.indirect.gather [hbm4b:s5+s20], $0x80, s17, s20, $0xb8;
	v63 =	vld [tilespmem:$0x0]  }
0xd2: {  	s4 =	smov.u32 s1  }
0xd3: {  	p1 =	sne.s32 s1, $0x3000;
	s1 =	sadd.s32 $0x800, s1;
	_ =	swait.ge [sflag:s29], $0x2000  }
0xd4: {  	s17 =	sshra.s32 s4, $0x2;
	[sflag:s29] =	ssyncset.done $0x0  }
0xd5: {  	s4 =	sadd.s32 $0x3000, s17;
	[sflag:s29] =	ssyncadd.s32 $0xFFFFE000  }
0xd6: {  	[spmem:s3] =	stream.indirect.scatter.add.f32 [tilespmem:s21], [sflag:$0x6], $0x80, s4, s20, $0xb8;
	v63 =	vld [tilespmem:$0x0]  }
0xd7: {  	_ =	swait.ge [sflag:s16], $0x2000  }
0xd8: {  	[sflag:s16] =	ssyncset.done $0x0  }
0xd9: {  	s4 =	sadd.s32 $0x2200, s17;
	[sflag:s16] =	ssyncadd.s32 $0xFFFFE000  }
0xda: {  	[tilespmem:s21], [sflag:$0x2] =	stream.indirect.gather [hbm4b:s5+s20], $0x80, s4, s20, $0xb8;
	v63 =	vld [tilespmem:$0x0]  }
0xdb: {  	_ =	swait.ge [sflag:s30], $0x2000  }
0xdc: {  	[sflag:s30] =	ssyncset.done $0x0  }
0xdd: {  	s4 =	sadd.s32 $0x3080, s17;
	[sflag:s30] =	ssyncadd.s32 $0xFFFFE000  }
0xde: {  	[spmem:s3] =	stream.indirect.scatter.add.f32 [tilespmem:s23], [sflag:$0x6], $0x80, s4, s20, $0xb8;
	v63 =	vld [tilespmem:$0x0]  }
0xdf: {  	_ =	swait.ge [sflag:s16], $0x2000  }
0xe0: {  	[sflag:s16] =	ssyncset.done $0x0  }
0xe1: {  	s4 =	sadd.s32 $0x2280, s17;
	[sflag:s16] =	ssyncadd.s32 $0xFFFFE000  }
0xe2: {  	[tilespmem:s23], [sflag:$0x3] =	stream.indirect.gather [hbm4b:s5+s20], $0x80, s4, s20, $0xb8;
	v63 =	vld [tilespmem:$0x0]  }
0xe3: {  	_ =	swait.ge [sflag:s31], $0x2000  }
0xe4: {  	[sflag:s31] =	ssyncset.done $0x0  }
0xe5: {  	s4 =	sadd.s32 $0x3100, s17;
	[sflag:s31] =	ssyncadd.s32 $0xFFFFE000  }
0xe6: {  	[spmem:s3] =	stream.indirect.scatter.add.f32 [tilespmem:s25], [sflag:$0x6], $0x80, s4, s20, $0xb8;
	v63 =	vld [tilespmem:$0x0]  }
0xe7: {  	_ =	swait.ge [sflag:s16], $0x2000  }
0xe8: {  	[sflag:s16] =	ssyncset.done $0x0  }
0xe9: {  	s4 =	sadd.s32 $0x2300, s17;
	[sflag:s16] =	ssyncadd.s32 $0xFFFFE000  }
0xea: {  	[tilespmem:s25], [sflag:$0x4] =	stream.indirect.gather [hbm4b:s5+s20], $0x80, s4, s20, $0xb8;
	v63 =	vld [tilespmem:$0x0]  }
0xeb: {  	_ =	swait.ge [sflag:s0], $0x2000  }
0xec: {  	[sflag:s0] =	ssyncset.done $0x0  }
.Ltmp3:
0xed: {  	s4 =	sadd.s32 $0x3180, s17;
	[sflag:s0] =	ssyncadd.s32 $0xFFFFE000;
	(pc) =	sbr.rel @p1 .LBB2_5-.Ltmp3, $4  }
0xee: {  	[spmem:s3] =	stream.indirect.scatter.add.f32 [tilespmem:s28], [sflag:$0x6], $0x80, s4, s20, $0xb8;
	v63 =	vld [tilespmem:$0x0]  }
0xef: {  	_ =	swait.ge [sflag:s16], $0x2000  }
0xf0: {  	[sflag:s16] =	ssyncset.done $0x0  }
0xf1: {  	s17 =	sadd.s32 $0x2380, s17;
	[sflag:s16] =	ssyncadd.s32 $0xFFFFE000  }
0xf2: {  	[tilespmem:s28], [sflag:$0x5] =	stream.indirect.gather [hbm4b:s5+s20], $0x80, s17, s20, $0xb8;
	v63 =	vld [tilespmem:$0x0]  }
0xf3: {  	_ =	swait.ge [sflag:s29], $0x2000  }
0xf4: {  	[sflag:s29] =	ssyncset.done $0x0  }
0xf5: {  	[sflag:s29] =	ssyncadd.s32 $0xFFFFE000  }
0xf6: {  	[spmem:s3] =	stream.indirect.scatter.add.f32 [tilespmem:s21], [sflag:$0x6], $0x80, s10, s20, $0xb8;
	v63 =	vld [tilespmem:$0x0]  }
0xf7: {  	_ =	swait.ge [sflag:s16], $0x2000  }
0xf8: {  	[sflag:s16] =	ssyncset.done $0x0  }
0xf9: {  	[sflag:s16] =	ssyncadd.s32 $0xFFFFE000  }
0xfa: {  	_ =	swait.ge [sflag:s30], $0x2000  }
0xfb: {  	[sflag:s30] =	ssyncset.done $0x0  }
0xfc: {  	[sflag:s30] =	ssyncadd.s32 $0xFFFFE000  }
0xfd: {  	[spmem:s3] =	stream.indirect.scatter.add.f32 [tilespmem:s23], [sflag:$0x6], $0x80, s15, s20, $0xb8;
	v63 =	vld [tilespmem:$0x0]  }
0xfe: {  	_ =	swait.ge [sflag:s16], $0x2000  }
0xff: {  	[sflag:s16] =	ssyncset.done $0x0  }
0x100: {  	[sflag:s16] =	ssyncadd.s32 $0xFFFFE000  }
0x101: {  	_ =	swait.ge [sflag:s31], $0x2000  }
0x102: {  	[sflag:s31] =	ssyncset.done $0x0  }
0x103: {  	[sflag:s31] =	ssyncadd.s32 $0xFFFFE000  }
0x104: {  	[spmem:s3] =	stream.indirect.scatter.add.f32 [tilespmem:s25], [sflag:$0x6], $0x80, s19, s20, $0xb8;
	v63 =	vld [tilespmem:$0x0]  }
0x105: {  	_ =	swait.ge [sflag:s16], $0x2000  }
0x106: {  	[sflag:s16] =	ssyncset.done $0x0  }
0x107: {  	[sflag:s16] =	ssyncadd.s32 $0xFFFFE000  }
0x108: {  	_ =	swait.ge [sflag:s0], $0x2000  }
0x109: {  	[sflag:s0] =	ssyncset.done $0x0  }
.Ltmp4:
0x10a: {  	[sflag:s0] =	ssyncadd.s32 $0xFFFFE000;
	(pc) =	sbr.rel @p0 .LBB2_8-.Ltmp4, $4  }
0x10b: {  	[spmem:s3] =	stream.indirect.scatter.add.f32 [tilespmem:s28], [sflag:$0x6], $0x80, s22, s20, $0xb8;
	v63 =	vld [tilespmem:$0x0]  }
0x10c: {  	_ =	swait.ge [sflag:s16], $0x2000  }
0x10d: {  	[sflag:s16] =	ssyncset.done $0x0  }
0x10e: {  	[sflag:s16] =	ssyncadd.s32 $0xFFFFE000  }
0x10f: {  	_ =	swait.ge [sflag:s11], $0x1000  }
.Ltmp5:
0x110: {  	[sflag:s11] =	ssyncset.done $0x0;
	(pc) =	sbr.rel .LBB2_2-.Ltmp5, $4  }
0x111: {  	[sflag:s11] =	ssyncadd.s32 $0xFFFFF000  }
0x112: {  	_ =	swait.ge [sflag:s11], $0x1000  }
0x113: {  	[sflag:s11] =	ssyncset.done $0x0  }
0x114: {  	s24 =	sadd.s32 $0x1, s24;
	[sflag:s11] =	ssyncadd.s32 $0xFFFFF000  }
.LBB2_9:
0x115: {  	_ =	sfence.sel $0x180000  }
0x116: {  	[bflag:$0x0] =	sbarrier.arrive $0xFFFF  }
0x117: {  	_ =	strace $0x9000004A  }
0x118: {  	s0 =	stileid.u32;
	[bflag:$0x2] =	sbarrier.arrive $0xFFFF  }
0x119: {  	p0 =	sne.s32 s0, $0x0;
	s0 =	rddreg [dreg:$0x3]  }
0x11a: {  	s0 =	sadd.s32 @!p0 $0x100000, s0  }
0x11b: {  	[sflag:s0] =	ssyncadd.tile.s32 @!p0 $0x1;
	_ =	shalt  }
.Lfunc_end2:
_tile_overlayer_lowered:
.L_overlay_start_2:
0x11c: {  	(tag) =	ssettag $0x2  }
0x11d: {  	s0 =	rddreg [dreg:$0x0];
	s2 =	stileid.u32  }
0x11e: {  	s1 =	rddreg [dreg:$0x1];
	p0 =	sne.s32 s2, $0x0  }
0x11f: {  	s3 =	rddreg [dreg:$0x2];
	[bflag:$0x3] =	sbarrier.arrive $0xFFFF;
	s2 =	simm.s32 @!p0 $0x1C06  }
0x120: {  	[timem:s3], [sflag:s2] =	dma.local @!p0 [hbm:s0], s1  }
0x121: {  	s0 =	simm.s32 @!p0 $0x6  }
0x122: {  	_ =	swait.ge @!p0 [sflag:s0], s1  }
0x123: {  	s1 =	ssub.s32 @!p0 $0x0, s1;
	[sflag:s0] =	ssyncset.done @!p0 $0x0  }
0x124: {  	[sflag:s0] =	ssyncadd.s32 @!p0 s1  }
0x125: {  	[bflag:$0x3] =	sbarrier.arrive $0xFFFF  }
0x126: {  	_ =	shalt  }

// kernel: kernel.16.cloned.1.call-start
scs
__scs_entry_jumppad:
0x0: {  	(pc) =	sbr.rel $0x88, $3  }
0x1: {  	(tag) =	ssettag $0x0;
	lr =	simm.s32 $0x1  }
0x2: {  	[smem:$0x3F9B] =	sst lr;
	_ =	strace $0xD0000000  }
0x3: {  	_ = 	snop  }
0x4: {  	_ = 	snop  }
0x5: {  	_ = 	snop  }
0x6: {  	_ = 	snop  }
0x7: {  	_ = 	snop  }
__scs_overlays_trampoline_lowered:
0x8: {  	[smem:$0x3FAA] =	sst s0  }
0x9: {  	[smem:$0x3FAB] =	sst s1  }
0xa: {  	[smem:$0x3FAC] =	sst s2  }
0xb: {  	[smem:$0x3FAD] =	sst s3  }
0xc: {  	[smem:$0x3FAE] =	sst s4  }
0xd: {  	[smem:$0x3FAF] =	sst s5  }
0xe: {  	[smem:$0x3FB0] =	sst s6  }
0xf: {  	[smem:$0x3FB1] =	sst s7  }
0x10: {  	[smem:$0x3FB2] =	sst s8  }
0x11: {  	[smem:$0x3FB3] =	sst s9;
	s0 =	simm.s32 @!p0 $0x0  }
0x12: {  	s1 =	sld [smem:$0x3F99];
	s0 =	simm.s32 @p0 $0x1  }
0x13: {  	[smem:$0x3FB4] =	sst s0;
	s0 =	simm.s32 @!p1 $0x0  }
0x14: {  	s2 =	sld [smem:$0x3F98];
	s0 =	simm.s32 @p1 $0x1  }
0x15: {  	[smem:$0x3FB5] =	sst s0;
	s0 =	simm.s32 @!p2 $0x0  }
0x16: {  	s3 =	sld [smem:$0x3FDB];
	s0 =	simm.s32 @p2 $0x1  }
0x17: {  	s4 =	simm.s32 $0x1BF5;
	[smem:$0x3FB7] =	sst s0  }
0x18: {  	s0 =	sld [smem:$0x3F9A];
	_ =	swait.ge [sflag:s4], $0x0  }
0x19: {  	s7 =	sld [smem:$0x3F9B]  }
0x1a: {  	s8 =	sadd.s32 $0xFFFFE003, lr  }
0x1b: {  	s9 =	sadd.s32 $0xFFFFFEF7, lr;
	s5 =	simm.s32 $0xFFFFFFFF;
	p2 =	slt.u32 s8, $0xFFFFF086  }
0x1c: {  	p1 =	slt.u32 s9, $0xF7A;
	s5 =	simm.s32 @!p2 $0x0  }
0x1d: {  	s5 =	simm.s32 @p1 $0x1;
	p0 =	seq.s32 s7, s2  }
0x1e: {  	s7 =	smul.u32 @!p0 $0xF7A, s2;
	p2 =	seq.s32 @!p0 s5, $0x0  }
0x1f: {  	s9 =	smul.u32 $0xF7A, s1;
	s8 =	simm.s32 @!p0 $0x1BF5;
	p2 =	por !p2, p0  }
0x20: {  	[sflag:s8] =	ssyncset.s32 @!p0 $0xFFFFF086;
	s6 =	sadd.s32 @!p0 s3, s7;
	s7 =	simm.s32 @!p0 $0x108  }
0x21: {  	s3 =	sadd.s32 s3, s9;
	s6 =	sadd.s32 @!p0 $0x88, s6;
	s7 =	simm.s32 @p2 $0x1082  }
0x22: {  	[simem:s7], [sflag:s8] =	dma.local @!p0 [hbm:s6], $0xF7A  }
0x23: {  	s9 =	sor.u32 $0xD0000000, s2;
	s6 =	simm.s32 $0x108;
	_ =	swait.ge @!p0 [sflag:s8], $0x0  }
0x24: {  	s3 =	sadd.s32 $0x88, s3;
	s6 =	simm.s32 @!p1 $0x1082;
	[sflag:s4] =	ssyncset.s32 $0xFFFFF086  }
0x25: {  	[simem:s6], [sflag:s4] =	dma.local [hbm:s3], $0xF7A  }
0x26: {  	[smem:$0x3F9B] =	sst s1;
	(tag) =	ssettag s2;
	_ =	strace s9  }
0x27: {  	s1 =	sld [smem:$0x3FAB]  }
0x28: {  	s2 =	sld [smem:$0x3FAC]  }
0x29: {  	s4 =	sld [smem:$0x3FAE]  }
0x2a: {  	p0 =	seq.s32 s5, $0x0;
	s5 =	sld [smem:$0x3FAF]  }
0x2b: {  	s6 =	sld [smem:$0x3FB0]  }
0x2c: {  	s7 =	sld [smem:$0x3FB1]  }
0x2d: {  	s3 =	simm.s32 $0x108;
	s8 =	sld [smem:$0x3FB2]  }
0x2e: {  	s3 =	simm.s32 @!p0 $0x1082;
	s9 =	sld [smem:$0x3FB3]  }
0x2f: {  	lr =	sadd.s32 s0, s3;
	s0 =	sld [smem:$0x3FAA]  }
0x30: {  	s3 =	sld [smem:$0x3FAD]  }
0x31: {  	[smem:$0x3FB6] =	sst s10  }
0x32: {  	s10 =	sld [smem:$0x3FB4];
	_ =	sdelay $0x3  }
0x33: {  	p0 =	seq.s32 s10, $0x1;
	s10 =	sld [smem:$0x3FB6];
	_ =	sdelay $0x3  }
0x34: {  	[smem:$0x3FB6] =	sst s10  }
0x35: {  	s10 =	sld [smem:$0x3FB5];
	_ =	sdelay $0x3  }
0x36: {  	p1 =	seq.s32 s10, $0x1;
	s10 =	sld [smem:$0x3FB6];
	_ =	sdelay $0x3  }
0x37: {  	[smem:$0x3FB6] =	sst s10  }
0x38: {  	s10 =	sld [smem:$0x3FB7]  }
0x39: {  	_ = 	snop;
	(pc) =	sbr.ind lr, $3  }
0x3a: {  	_ = 	snop  }
0x3b: {  	_ = 	snop  }
0x3c: {  	p2 =	seq.s32 s10, $0x1;
	s10 =	sld [smem:$0x3FB6]  }
0x3d: {  	_ =	shalt  }
0x3e: {  	_ =	shalt  }
0x3f: {  	_ =	shalt  }
0x40: {  	_ =	shalt  }
0x41: {  	_ =	shalt  }
0x42: {  	_ =	shalt  }
0x43: {  	_ =	shalt  }
0x44: {  	_ =	shalt  }
0x45: {  	_ =	shalt  }
0x46: {  	_ =	shalt  }
0x47: {  	_ =	shalt  }
0x48: {  	_ =	shalt  }
0x49: {  	_ =	shalt  }
0x4a: {  	_ =	shalt  }
0x4b: {  	_ =	shalt  }
0x4c: {  	_ =	shalt  }
0x4d: {  	_ =	shalt  }
0x4e: {  	_ =	shalt  }
0x4f: {  	_ =	shalt  }
0x50: {  	_ =	shalt  }
0x51: {  	_ =	shalt  }
0x52: {  	_ =	shalt  }
0x53: {  	_ =	shalt  }
0x54: {  	_ =	shalt  }
0x55: {  	_ =	shalt  }
0x56: {  	_ =	shalt  }
0x57: {  	_ =	shalt  }
0x58: {  	_ =	shalt  }
0x59: {  	_ =	shalt  }
0x5a: {  	_ =	shalt  }
0x5b: {  	_ =	shalt  }
0x5c: {  	_ =	shalt  }
0x5d: {  	_ =	shalt  }
0x5e: {  	_ =	shalt  }
0x5f: {  	_ =	shalt  }
0x60: {  	_ =	shalt  }
0x61: {  	_ =	shalt  }
0x62: {  	_ =	shalt  }
0x63: {  	_ =	shalt  }
0x64: {  	_ =	shalt  }
0x65: {  	_ =	shalt  }
0x66: {  	_ =	shalt  }
0x67: {  	_ =	shalt  }
0x68: {  	_ =	shalt  }
0x69: {  	_ =	shalt  }
0x6a: {  	_ =	shalt  }
0x6b: {  	_ =	shalt  }
0x6c: {  	_ =	shalt  }
0x6d: {  	_ =	shalt  }
0x6e: {  	_ =	shalt  }
0x6f: {  	_ =	shalt  }
0x70: {  	_ =	shalt  }
0x71: {  	_ =	shalt  }
0x72: {  	_ =	shalt  }
0x73: {  	_ =	shalt  }
0x74: {  	_ =	shalt  }
0x75: {  	_ =	shalt  }
0x76: {  	_ =	shalt  }
0x77: {  	_ =	shalt  }
0x78: {  	_ =	shalt  }
0x79: {  	_ =	shalt  }
0x7a: {  	_ =	shalt  }
0x7b: {  	_ =	shalt  }
0x7c: {  	_ =	shalt  }
0x7d: {  	_ =	shalt  }
0x7e: {  	_ =	shalt  }
0x7f: {  	_ =	shalt  }
0x80: {  	_ =	shalt  }
0x81: {  	_ =	shalt  }
0x82: {  	_ =	shalt  }
0x83: {  	_ =	shalt  }
0x84: {  	_ =	shalt  }
0x85: {  	_ =	shalt  }
0x86: {  	_ =	shalt  }
0x87: {  	_ =	shalt  }
.Lfunc_end0:
.L_simem_size_0:
called_computation.2_lowered:
.L_overlay_start_0:
0x88: {  	s2 =	sld [smem:$0x3FD9]  }
0x89: {  	s3 =	sld [smem:$0x3FFE];
	_ =	sdelay $0x1  }
0x8a: {  	s1 =	srdreg.scid  }
0x8b: {  	s0 =	sand.u32 $0x1, s1  }
0x8c: {  	s14 =	sshll.u32 s0, $0xA;
	s2 =	sadd.s32 s3, s2  }
0x8d: {  	s2 =	sadd.s32 s2, s14  }
0x8e: {  	[smem:$0x3FC2] =	sst s2  }
0x8f: {  	_ = 	snop  }
0x90: {  	s2 =	sld [smem:$0x3FD0];
	_ =	sdelay $0x2  }
0x91: {  	s15 =	simm.s32 $0xA;
	s4 =	simm.s32 $0x10  }
0x92: {  	[smem:s4], [sflag:s15] =	dma.local [hbm:s2], $0x1  }
0x93: {  	_ =	swait.eq [sflag:s15], $0x1  }
0x94: {  	[sflag:s15] =	ssyncset.done $0x0  }
0x95: {  	[sflag:s15] =	ssyncadd.s32 $0xFFFFFFFF  }
0x96: {  	s16 =	sld [smem:$0x10];
	(tm) =	ssettm $0x1  }
0x97: {  	s17 =	sld [smem:$0x3FFB];
	_ =	sdelay $0x3  }
0x98: {  	_ =	strace s17  }
0x99: {  	s3 =	sld [smem:$0x3FFC];
	_ =	sdelay $0x3  }
0x9a: {  	_ =	strace s3  }
0x9b: {  	s3 =	sld [smem:$0x3FFD];
	_ =	sdelay $0x3  }
0x9c: {  	_ =	strace s3  }
0x9d: {  	_ =	strace $0x8FFFFFFF  }
0x9e: {  	s18 =	sld [smem:$0x3FDB];
	_ =	sdelay $0x1  }
0x9f: {  	s19 =	simm.s32 $_scs_section_size  }
0xa0: {  	s5 =	simm.s32 $_size__tile_overlayer_lowered;
	s6 =	simm.s32 $_tile_overlayer_lowered  }
0xa1: {  	s22 =	simm.s32 $0x1BFF;
	s21 =	sshll.u32 s6, $0x1;
	s3 =	sadd.s32 s19, s18  }
0xa2: {  	s7 =	simm.s32 $0x0;
	s20 =	sshll.u32 s5, $0x1;
	s5 =	sadd.s32 s21, s3  }
0xa3: {  	[timem:s7], [sflag:s22] =	dma.local [hbm:s5], s20  }
0xa4: {  	_ =	swait.ge [sflag:s22], s20  }
0xa5: {  	s4 =	ssub.s32 $0x0, s20;
	[sflag:s22] =	ssyncset.done $0x0  }
0xa6: {  	[sflag:s22] =	ssyncadd.s32 s4;
	_ =	sdelay $0x1  }
0xa7: {  	s23 =	simm.s32 $0x1B8B  }
0xa8: {  	_ =	swait.ge [sflag:s23], $0x1  }
0xa9: {  	[sflag:s23] =	ssyncset.done $0x0  }
0xaa: {  	s25 =	simm.s32 $0x1B8E;
	s24 =	sld [smem:$0x3FFE];
	[sflag:s23] =	ssyncadd.s32 $0xFFFFFFFF  }
0xab: {  	s26 =	simm.s32 $execute0_lowered;
	[smem:$0x3FD2] =	sst s25  }
0xac: {  	s5 =	sshll.u32 s26, $0x1;
	_ =	strace $0x8000004C;
	[dreg:$0x1] =	wrdreg $0xFFFFFFFF  }
0xad: {  	s28 =	simm.s32 $_size_execute0_lowered;
	s3 =	sadd.s32 s3, s5;
	[dreg:$0x0] =	wrdreg $0x0  }
0xae: {  	s5 =	sshll.u32 s28, $0x1;
	[dreg:$0x2] =	wrdreg s3  }
0xaf: {  	[dreg:$0x3] =	wrdreg s5  }
0xb0: {  	[dreg:$0x4] =	wrdreg $0xC0  }
0xb1: {  	_ =	task [dreg:s7], $0x5FFFF  }
0xb2: {  	[dreg:$0x1] =	wrdreg $0xFFFFFFFF  }
0xb3: {  	[dreg:$0x0] =	wrdreg $0x60  }
0xb4: {  	[dreg:$0x2] =	wrdreg s24  }
0xb5: {  	[dreg:$0x3] =	wrdreg s16  }
0xb6: {  	[dreg:$0x4] =	wrdreg $0x20000  }
0xb7: {  	[dreg:$0x5] =	wrdreg $0x9  }
0xb8: {  	_ =	task.clear_ibuf [dreg:s7], $0x6FFFF;
	_ =	strace $0x9000004C  }
0xb9: {  	s29 =	simm.s32 $0x9;
	_ =	strace $0x8000004E  }
0xba: {  	_ =	swait.ge [sflag:s29], $0x1  }
0xbb: {  	[sflag:s29] =	ssyncadd.s32 $0xFFFFFFFF  }
0xbc: {  	_ =	strace $0x9000004E  }
0xbd: {  	_ =	sfence  }
0xbe: {  	s30 =	sld [smem:$0x0];
	_ =	sdelay $0x2  }
0xbf: {  	s31 =	sshll.u32 s1, $0xD;
	s1 =	sshrl.u32 s1, $0x2  }
0xc0: {  	s3 =	sand.u32 $0x4000, s31;
	s1 =	sadd.s32 s1, s30  }
0xc1: {  	s0 =	sor.u32 s3, s0;
	s1 =	sshll.u32 s1, $0x11  }
0xc2: {  	s0 =	sor.u32 s1, s0  }
0xc3: {  	s0 =	sadd.s32 $0x8F2B, s0  }
0xc4: {  	[sflag:s0] =	ssyncadd.remote.s32 $0x1  }
0xc5: {  	_ =	sfence.sel $0xFFFF  }
0xc6: {  	[dreg:$0x0] =	wrdreg $0xFFFFFFFF;
	(pc) =	sbr.abs _section_cstart, $3  }
0xc7: {  	[dreg:$0x1] =	wrdreg $0xFFFFFFFF  }
0xc8: {  	_ =	task.clear_ibuf [dreg:s7], $0x2FFFF;
	_ =	strace $0x9FFFFFFF  }
0xc9: {  	(tm) =	ssettm $0x7FFFFFFF  }
tec
execute0_lowered:
.L_overlay_start_1:
0x0: {  	(tag) =	ssettag $0x1  }
0x1: {  	s0 =	rddreg [dreg:$0x0]  }
0x2: {  	s11 =	rddreg [dreg:$0x1]  }
0x3: {  	s2 =	rddreg [dreg:$0x2];
	s4 =	simm.s32 $0x0  }
0x4: {  	s1 =	srdreg.scid;
	s12 =	stileid.u32;
	s17 =	simm.s32 $0x6  }
0x5: {  	s29 =	simm.s32 $0x1C000;
	s30 =	simm.s32 $0x2;
	s18 =	simm.s32 $0x1700  }
0x6: {  	s13 =	simm.s32 $0x1E80;
	s16 =	simm.s32 $0x1F80;
	s28 =	simm.s32 $0x0  }
0x7: {  	[smem:$0x7FF] =	sst s4;
	s1 =	sand.u32 $0x1, s1;
	s3 =	smul.u32 $0x2800, s12  }
0x8: {  	s5 =	sadd.s32 $0xA6000, s0;
	s6 =	sadd.s32 $0xF6000, s0;
	s9 =	smul.u32 $0x50000, s12  }
0x9: {  	s10 =	sadd.s32 $0xA3800, s0;
	s22 =	smul.u32 $0x5000, s12;
	s25 =	sshll.u32 s12, $0x6  }
0xa: {  	_ =	strace $0x8000004D;
	s7 =	smul.u32 $0x28000, s1;
	s8 =	sshll.u32 s1, $0x4  }
0xb: {  	[dreg:$0x4] =	wrdreg s10;
	s20 =	ssub.s32 $0x2, s1;
	s1 =	smul.u32 $0x50000, s1  }
0xc: {  	s23 =	sor.u32 $0x1C06, s25;
	s10 =	simm.s32 $0x1780;
	s8 =	sor.u32 s12, s8  }
0xd: {  	s21 =	sshrl.u32 s20, $0x1;
	s9 =	sshrl.u32 s9, $0x2;
	s12 =	simm.s32 $0x5  }
0xe: {  	[dreg:$0x5] =	wrdreg s23;
	s3 =	sadd.s32 s3, s7;
	s19 =	smul.u32 $0xA00, s8  }
0xf: {  	s24 =	sadd.s32 s9, s2;
	s1 =	sadd.s32 s22, s1;
	s22 =	simm.s32 $0x16000  }
0x10: {  	s9 =	simm.s32 $0x4;
	s8 =	simm.s32 $0x1F00;
	s0 =	sadd.s32 s3, s0  }
0x11: {  	s3 =	ssub.s32 s20, s21;
	s31 =	sor.u32 $0x800, s1;
	s1 =	sadd.s32 $0x1000, s1  }
0x12: {  	s25 =	sshrl.u32 s24, $0x3;
	s20 =	simm.s32 $0x1800;
	[dreg:$0xa] =	wrdreg s1  }
0x13: {  	s21 =	simm.s32 $0x40;
	s26 =	sadd.s32 s6, s19;
	[dreg:$0xb] =	wrdreg s25  }
0x14: {  	s24 =	simm.s32 $0x18000;
	s7 =	sadd.s32 s11, s19;
	[dreg:$0x6] =	wrdreg s26  }
.Ltmp0:
0x15: {  	s0 =	sadd.s32 $0x2B800, s0;
	[dreg:$0x7] =	wrdreg s7;
	(pc) =	sbr.rel .LBB2_1-.Ltmp0, $4  }
0x16: {  	s3 =	smax.u32 s3, $0x1;
	s19 =	simm.s32 $0x1000;
	[dreg:$0x8] =	wrdreg s0  }
0x17: {  	[dreg:$0x9] =	wrdreg s3;
	s0 =	sshrl.u32 s31, $0x3;
	s26 =	simm.s32 $0x1A000  }
0x18: {  	s3 =	simm.s32 $0x1;
	s7 =	simm.s32 $0x1D80;
	s14 =	sadd.s32 s0, s11  }
0x19: {  	s15 =	sadd.s32 s0, s6;
	s0 =	simm.s32 $0x3;
	s11 =	simm.s32 $0x1E00  }
.LBB2_4:
0x1a: {  	[bflag:$0x0] =	sbarrier.arrive $0xFFFF  }
0x1b: {  	s23 =	rddreg [dreg:$0x5]  }
0x1c: {  	s1 =	rddreg [dreg:$0x8]  }
0x1d: {  	s25 =	rddreg [dreg:$0xb]  }
0x1e: {  	[hbm:s1], [sflag:s23] =	dma.local [spmem:s25], $0x2800  }
0x1f: {  	_ =	swait.ge [sflag:s17], $0x2800  }
0x20: {  	s28 =	rddreg [dreg:$0xc]  }
0x21: {  	s31 =	rddreg [dreg:$0x9];
	s28 =	sadd.s32 $0x1, s28  }
0x22: {  	p0 =	sne.s32 s28, s31  }
.Ltmp1:
0x23: {  	_ = 	snop;
	(pc) =	sbr.rel @!p0 .LBB2_5-.Ltmp1, $3  }
0x24: {  	_ =	sdelay $0x1  }
0x25: {  	[sflag:s17] =	ssyncset.done $0x0  }
0x26: {  	[sflag:s17] =	ssyncadd.s32 $0xFFFFD800  }
.LBB2_1:
0x27: {  	[dreg:$0xc] =	wrdreg s28  }
0x28: {  	s1 =	rddreg [dreg:$0x4]  }
0x29: {  	[spmem:s25], [sflag:s23] =	dma.local [hbm:s1], $0x2800  }
0x2a: {  	_ =	swait.ge [sflag:s17], $0x2800  }
0x2b: {  	[sflag:s17] =	ssyncset.done $0x0  }
0x2c: {  	s25 =	rddreg [dreg:$0x6];
	[sflag:s17] =	ssyncadd.s32 $0xFFFFD800  }
0x2d: {  	[tilespmem:s4], [sflag:$0x6] =	stream.linear.gather [hbm4b:s25+s4], $0x800, $0x38;
	[tilespmem:$0x1E000] =	vst v63  }
0x2e: {  	_ =	swait.ge [sflag:s17], $0x800  }
0x2f: {  	[sflag:s17] =	ssyncset.done $0x0  }
0x30: {  	s31 =	simm.s32 $0x800;
	s28 =	rddreg [dreg:$0x7];
	[sflag:s17] =	ssyncadd.s32 $0xFFFFF800  }
0x31: {  	[tilespmem:s31], [sflag:$0x6] =	stream.linear.gather [hbm4b:s28+s4], $0x800, $0x38;
	[tilespmem:$0x1E000] =	vst v63  }
0x32: {  	_ =	swait.ge [sflag:s17], $0x800  }
0x33: {  	[sflag:s17] =	ssyncset.done $0x0  }
0x34: {  	[sflag:s17] =	ssyncadd.s32 $0xFFFFF800  }
0x35: {  	[bflag:$0x0] =	sbarrier.arrive $0xFFFF  }
0x36: {  	s1 =	simm.s32 $0x0;
	s23 =	rddreg [dreg:$0xa]  }
.LBB2_2:
0x37: {  	s25 =	sadd.s32 s1, s15  }
0x38: {  	[tilespmem:s19], [sflag:$0x1] =	stream.linear.gather [hbm4b:s25+s4], $0x800, $0x38;
	[tilespmem:$0x1E000] =	vst v63  }
0x39: {  	s31 =	sadd.s32 s1, s14  }
0x3a: {  	[tilespmem:s20], [sflag:$0x1] =	stream.linear.gather [hbm4b:s31+s4], $0x800, $0x38;
	[tilespmem:$0x1E000] =	vst v63  }
0x3b: {  	_ = 	snop  }
0x3c: {  	[tilespmem:s22], [sflag:$0x2] =	stream.indirect.gather [hbm4b:s5+s21], $0x80, s4, s21, $0xb8;
	[tilespmem:$0x1E000] =	vst v63  }
0x3d: {  	s28 =	simm.s32 $0x80  }
0x3e: {  	[tilespmem:s24], [sflag:$0x3] =	stream.indirect.gather [hbm4b:s5+s21], $0x80, s28, s21, $0xb8;
	[tilespmem:$0x1E000] =	vst v63  }
0x3f: {  	s31 =	simm.s32 $0x100  }
0x40: {  	[tilespmem:s26], [sflag:$0x4] =	stream.indirect.gather [hbm4b:s5+s21], $0x80, s31, s21, $0xb8;
	[tilespmem:$0x1E000] =	vst v63  }
0x41: {  	s28 =	simm.s32 $0x180  }
0x42: {  	[tilespmem:s29], [sflag:$0x5] =	stream.indirect.gather [hbm4b:s5+s21], $0x80, s28, s21, $0xb8;
	[tilespmem:$0x1E000] =	vst v63  }
0x43: {  	_ =	swait.ge [sflag:s30], $0x2000  }
0x44: {  	[sflag:s30] =	ssyncset.done $0x0  }
0x45: {  	s31 =	simm.s32 $0x800;
	[sflag:s30] =	ssyncadd.s32 $0xFFFFE000  }
0x46: {  	[spmem:s2] =	stream.indirect.scatter.add.f32 [tilespmem:s22], [sflag:$0x6], $0x80, s31, s21, $0xb8;
	[tilespmem:$0x1E000] =	vst v63  }
0x47: {  	_ =	swait.ge [sflag:s17], $0x2000  }
0x48: {  	[sflag:s17] =	ssyncset.done $0x0  }
0x49: {  	s28 =	simm.s32 $0x200;
	[sflag:s17] =	ssyncadd.s32 $0xFFFFE000  }
0x4a: {  	[tilespmem:s22], [sflag:$0x2] =	stream.indirect.gather [hbm4b:s5+s21], $0x80, s28, s21, $0xb8;
	[tilespmem:$0x1E000] =	vst v63  }
0x4b: {  	_ =	swait.ge [sflag:s0], $0x2000  }
0x4c: {  	[sflag:s0] =	ssyncset.done $0x0  }
0x4d: {  	s31 =	simm.s32 $0x880;
	[sflag:s0] =	ssyncadd.s32 $0xFFFFE000  }
0x4e: {  	[spmem:s2] =	stream.indirect.scatter.add.f32 [tilespmem:s24], [sflag:$0x6], $0x80, s31, s21, $0xb8;
	[tilespmem:$0x1E000] =	vst v63  }
0x4f: {  	_ =	swait.ge [sflag:s17], $0x2000  }
0x50: {  	[sflag:s17] =	ssyncset.done $0x0  }
0x51: {  	s28 =	simm.s32 $0x280;
	[sflag:s17] =	ssyncadd.s32 $0xFFFFE000  }
0x52: {  	[tilespmem:s24], [sflag:$0x3] =	stream.indirect.gather [hbm4b:s5+s21], $0x80, s28, s21, $0xb8;
	[tilespmem:$0x1E000] =	vst v63  }
0x53: {  	_ =	swait.ge [sflag:s9], $0x2000  }
0x54: {  	[sflag:s9] =	ssyncset.done $0x0  }
0x55: {  	s31 =	simm.s32 $0x900;
	[sflag:s9] =	ssyncadd.s32 $0xFFFFE000  }
0x56: {  	[spmem:s2] =	stream.indirect.scatter.add.f32 [tilespmem:s26], [sflag:$0x6], $0x80, s31, s21, $0xb8;
	[tilespmem:$0x1E000] =	vst v63  }
0x57: {  	_ =	swait.ge [sflag:s17], $0x2000  }
0x58: {  	[sflag:s17] =	ssyncset.done $0x0  }
0x59: {  	s28 =	simm.s32 $0x300;
	[sflag:s17] =	ssyncadd.s32 $0xFFFFE000  }
0x5a: {  	[tilespmem:s26], [sflag:$0x4] =	stream.indirect.gather [hbm4b:s5+s21], $0x80, s28, s21, $0xb8;
	[tilespmem:$0x1E000] =	vst v63  }
0x5b: {  	_ =	swait.ge [sflag:s12], $0x2000  }
0x5c: {  	[sflag:s12] =	ssyncset.done $0x0  }
0x5d: {  	s31 =	simm.s32 $0x980;
	[sflag:s12] =	ssyncadd.s32 $0xFFFFE000  }
0x5e: {  	[spmem:s2] =	stream.indirect.scatter.add.f32 [tilespmem:s29], [sflag:$0x6], $0x80, s31, s21, $0xb8;
	[tilespmem:$0x1E000] =	vst v63  }
0x5f: {  	_ =	swait.ge [sflag:s17], $0x2000  }
0x60: {  	[sflag:s17] =	ssyncset.done $0x0  }
0x61: {  	s28 =	simm.s32 $0x380;
	[sflag:s17] =	ssyncadd.s32 $0xFFFFE000  }
0x62: {  	[tilespmem:s29], [sflag:$0x5] =	stream.indirect.gather [hbm4b:s5+s21], $0x80, s28, s21, $0xb8;
	[tilespmem:$0x1E000] =	vst v63  }
0x63: {  	_ =	swait.ge [sflag:s30], $0x2000  }
0x64: {  	[sflag:s30] =	ssyncset.done $0x0  }
0x65: {  	s31 =	simm.s32 $0xA00;
	[sflag:s30] =	ssyncadd.s32 $0xFFFFE000  }
0x66: {  	[spmem:s2] =	stream.indirect.scatter.add.f32 [tilespmem:s22], [sflag:$0x6], $0x80, s31, s21, $0xb8;
	[tilespmem:$0x1E000] =	vst v63  }
0x67: {  	_ =	swait.ge [sflag:s17], $0x2000  }
0x68: {  	[sflag:s17] =	ssyncset.done $0x0  }
0x69: {  	s28 =	simm.s32 $0x400;
	[sflag:s17] =	ssyncadd.s32 $0xFFFFE000  }
0x6a: {  	[tilespmem:s22], [sflag:$0x2] =	stream.indirect.gather [hbm4b:s5+s21], $0x80, s28, s21, $0xb8;
	[tilespmem:$0x1E000] =	vst v63  }
0x6b: {  	_ =	swait.ge [sflag:s0], $0x2000  }
0x6c: {  	[sflag:s0] =	ssyncset.done $0x0  }
0x6d: {  	s31 =	simm.s32 $0xA80;
	[sflag:s0] =	ssyncadd.s32 $0xFFFFE000  }
0x6e: {  	[spmem:s2] =	stream.indirect.scatter.add.f32 [tilespmem:s24], [sflag:$0x6], $0x80, s31, s21, $0xb8;
	[tilespmem:$0x1E000] =	vst v63  }
0x6f: {  	_ =	swait.ge [sflag:s17], $0x2000  }
0x70: {  	[sflag:s17] =	ssyncset.done $0x0  }
0x71: {  	s28 =	simm.s32 $0x480;
	[sflag:s17] =	ssyncadd.s32 $0xFFFFE000  }
0x72: {  	[tilespmem:s24], [sflag:$0x3] =	stream.indirect.gather [hbm4b:s5+s21], $0x80, s28, s21, $0xb8;
	[tilespmem:$0x1E000] =	vst v63  }
0x73: {  	_ =	swait.ge [sflag:s9], $0x2000  }
0x74: {  	[sflag:s9] =	ssyncset.done $0x0  }
0x75: {  	s31 =	simm.s32 $0xB00;
	[sflag:s9] =	ssyncadd.s32 $0xFFFFE000  }
0x76: {  	[spmem:s2] =	stream.indirect.scatter.add.f32 [tilespmem:s26], [sflag:$0x6], $0x80, s31, s21, $0xb8;
	[tilespmem:$0x1E000] =	vst v63  }
0x77: {  	_ =	swait.ge [sflag:s17], $0x2000  }
0x78: {  	[sflag:s17] =	ssyncset.done $0x0  }
0x79: {  	s28 =	simm.s32 $0x500;
	[sflag:s17] =	ssyncadd.s32 $0xFFFFE000  }
0x7a: {  	[tilespmem:s26], [sflag:$0x4] =	stream.indirect.gather [hbm4b:s5+s21], $0x80, s28, s21, $0xb8;
	[tilespmem:$0x1E000] =	vst v63  }
0x7b: {  	_ =	swait.ge [sflag:s12], $0x2000  }
0x7c: {  	[sflag:s12] =	ssyncset.done $0x0  }
0x7d: {  	s31 =	simm.s32 $0xB80;
	[sflag:s12] =	ssyncadd.s32 $0xFFFFE000  }
0x7e: {  	[spmem:s2] =	stream.indirect.scatter.add.f32 [tilespmem:s29], [sflag:$0x6], $0x80, s31, s21, $0xb8;
	[tilespmem:$0x1E000] =	vst v63  }
0x7f: {  	_ =	swait.ge [sflag:s17], $0x2000  }
0x80: {  	[sflag:s17] =	ssyncset.done $0x0  }
0x81: {  	s28 =	simm.s32 $0x580;
	[sflag:s17] =	ssyncadd.s32 $0xFFFFE000  }
0x82: {  	[tilespmem:s29], [sflag:$0x5] =	stream.indirect.gather [hbm4b:s5+s21], $0x80, s28, s21, $0xb8;
	[tilespmem:$0x1E000] =	vst v63  }
0x83: {  	_ =	swait.ge [sflag:s30], $0x2000  }
0x84: {  	[sflag:s30] =	ssyncset.done $0x0  }
0x85: {  	s31 =	simm.s32 $0xC00;
	[sflag:s30] =	ssyncadd.s32 $0xFFFFE000  }
0x86: {  	[spmem:s2] =	stream.indirect.scatter.add.f32 [tilespmem:s22], [sflag:$0x6], $0x80, s31, s21, $0xb8;
	[tilespmem:$0x1E000] =	vst v63  }
0x87: {  	_ =	swait.ge [sflag:s17], $0x2000  }
0x88: {  	[sflag:s17] =	ssyncset.done $0x0  }
0x89: {  	s28 =	simm.s32 $0x600;
	[sflag:s17] =	ssyncadd.s32 $0xFFFFE000  }
0x8a: {  	[tilespmem:s22], [sflag:$0x2] =	stream.indirect.gather [hbm4b:s5+s21], $0x80, s28, s21, $0xb8;
	[tilespmem:$0x1E000] =	vst v63  }
0x8b: {  	_ =	swait.ge [sflag:s0], $0x2000  }
0x8c: {  	[sflag:s0] =	ssyncset.done $0x0  }
0x8d: {  	s31 =	simm.s32 $0xC80;
	[sflag:s0] =	ssyncadd.s32 $0xFFFFE000  }
0x8e: {  	[spmem:s2] =	stream.indirect.scatter.add.f32 [tilespmem:s24], [sflag:$0x6], $0x80, s31, s21, $0xb8;
	[tilespmem:$0x1E000] =	vst v63  }
0x8f: {  	_ =	swait.ge [sflag:s17], $0x2000  }
0x90: {  	[sflag:s17] =	ssyncset.done $0x0  }
0x91: {  	s28 =	simm.s32 $0x680;
	[sflag:s17] =	ssyncadd.s32 $0xFFFFE000  }
0x92: {  	[tilespmem:s24], [sflag:$0x3] =	stream.indirect.gather [hbm4b:s5+s21], $0x80, s28, s21, $0xb8;
	[tilespmem:$0x1E000] =	vst v63  }
0x93: {  	_ =	swait.ge [sflag:s9], $0x2000  }
0x94: {  	[sflag:s9] =	ssyncset.done $0x0  }
0x95: {  	s31 =	simm.s32 $0xD00;
	[sflag:s9] =	ssyncadd.s32 $0xFFFFE000  }
0x96: {  	[spmem:s2] =	stream.indirect.scatter.add.f32 [tilespmem:s26], [sflag:$0x6], $0x80, s31, s21, $0xb8;
	[tilespmem:$0x1E000] =	vst v63  }
0x97: {  	_ =	swait.ge [sflag:s17], $0x2000  }
0x98: {  	[sflag:s17] =	ssyncset.done $0x0  }
0x99: {  	s28 =	simm.s32 $0x700;
	[sflag:s17] =	ssyncadd.s32 $0xFFFFE000  }
0x9a: {  	[tilespmem:s26], [sflag:$0x4] =	stream.indirect.gather [hbm4b:s5+s21], $0x80, s28, s21, $0xb8;
	[tilespmem:$0x1E000] =	vst v63  }
0x9b: {  	_ =	swait.ge [sflag:s12], $0x2000  }
0x9c: {  	[sflag:s12] =	ssyncset.done $0x0  }
0x9d: {  	s31 =	simm.s32 $0xD80;
	[sflag:s12] =	ssyncadd.s32 $0xFFFFE000  }
0x9e: {  	[spmem:s2] =	stream.indirect.scatter.add.f32 [tilespmem:s29], [sflag:$0x6], $0x80, s31, s21, $0xb8;
	[tilespmem:$0x1E000] =	vst v63  }
0x9f: {  	_ =	swait.ge [sflag:s17], $0x2000  }
0xa0: {  	[sflag:s17] =	ssyncset.done $0x0  }
0xa1: {  	s28 =	simm.s32 $0x780;
	[sflag:s17] =	ssyncadd.s32 $0xFFFFE000  }
0xa2: {  	[tilespmem:s29], [sflag:$0x5] =	stream.indirect.gather [hbm4b:s5+s21], $0x80, s28, s21, $0xb8;
	[tilespmem:$0x1E000] =	vst v63  }
0xa3: {  	_ =	swait.ge [sflag:s30], $0x2000  }
0xa4: {  	[sflag:s30] =	ssyncset.done $0x0  }
0xa5: {  	s31 =	simm.s32 $0xE00;
	[sflag:s30] =	ssyncadd.s32 $0xFFFFE000  }
0xa6: {  	[spmem:s2] =	stream.indirect.scatter.add.f32 [tilespmem:s22], [sflag:$0x6], $0x80, s31, s21, $0xb8;
	[tilespmem:$0x1E000] =	vst v63  }
0xa7: {  	_ =	swait.ge [sflag:s17], $0x2000  }
0xa8: {  	[sflag:s17] =	ssyncset.done $0x0  }
0xa9: {  	[sflag:s17] =	ssyncadd.s32 $0xFFFFE000  }
0xaa: {  	_ =	swait.ge [sflag:s0], $0x2000  }
0xab: {  	[sflag:s0] =	ssyncset.done $0x0  }
0xac: {  	s28 =	simm.s32 $0xE80;
	[sflag:s0] =	ssyncadd.s32 $0xFFFFE000  }
0xad: {  	[spmem:s2] =	stream.indirect.scatter.add.f32 [tilespmem:s24], [sflag:$0x6], $0x80, s28, s21, $0xb8;
	[tilespmem:$0x1E000] =	vst v63  }
0xae: {  	_ =	swait.ge [sflag:s17], $0x2000  }
0xaf: {  	[sflag:s17] =	ssyncset.done $0x0  }
0xb0: {  	[sflag:s17] =	ssyncadd.s32 $0xFFFFE000  }
0xb1: {  	_ =	swait.ge [sflag:s9], $0x2000  }
0xb2: {  	[sflag:s9] =	ssyncset.done $0x0  }
0xb3: {  	s31 =	simm.s32 $0xF00;
	[sflag:s9] =	ssyncadd.s32 $0xFFFFE000  }
0xb4: {  	[spmem:s2] =	stream.indirect.scatter.add.f32 [tilespmem:s26], [sflag:$0x6], $0x80, s31, s21, $0xb8;
	[tilespmem:$0x1E000] =	vst v63  }
0xb5: {  	_ =	swait.ge [sflag:s17], $0x2000  }
0xb6: {  	[sflag:s17] =	ssyncset.done $0x0  }
0xb7: {  	[sflag:s17] =	ssyncadd.s32 $0xFFFFE000  }
0xb8: {  	_ =	swait.ge [sflag:s12], $0x2000  }
0xb9: {  	[sflag:s12] =	ssyncset.done $0x0  }
0xba: {  	s28 =	simm.s32 $0xF80;
	[sflag:s12] =	ssyncadd.s32 $0xFFFFE000  }
0xbb: {  	[spmem:s2] =	stream.indirect.scatter.add.f32 [tilespmem:s29], [sflag:$0x6], $0x80, s28, s21, $0xb8;
	[tilespmem:$0x1E000] =	vst v63  }
0xbc: {  	_ =	swait.ge [sflag:s17], $0x2000  }
0xbd: {  	[sflag:s17] =	ssyncset.done $0x0  }
0xbe: {  	[sflag:s17] =	ssyncadd.s32 $0xFFFFE000  }
0xbf: {  	_ =	swait.ge [sflag:s3], $0x800  }
0xc0: {  	[sflag:s3] =	ssyncset.done $0x0  }
0xc1: {  	[sflag:s3] =	ssyncadd.s32 $0xFFFFF800  }
0xc2: {  	p0 =	seq.s32 s1, $0x800;
	_ =	swait.ge [sflag:s3], $0x800  }
0xc3: {  	s25 =	sshrl.u32 @!p0 s23, $0x3;
	[sflag:s3] =	ssyncset.done $0x0  }
0xc4: {  	s31 =	simm.s32 @!p0 $0x0;
	s28 =	sadd.s32 @!p0 s6, s25;
	[sflag:s3] =	ssyncadd.s32 $0xFFFFF800  }
0xc5: {  	[tilespmem:s31], [sflag:$0x1] =	stream.linear.gather @!p0 [hbm4b:s28+s31], $0x800, $0x38;
	[tilespmem:$0x1E000] =	vst v63  }
0xc6: {  	s28 =	rddreg [dreg:$0x1]  }
0xc7: {  	s25 =	sadd.s32 @!p0 s28, s25;
	s28 =	simm.s32 @!p0 $0x800  }
0xc8: {  	[tilespmem:s28], [sflag:$0x1] =	stream.linear.gather @!p0 [hbm4b:s25+s31], $0x800, $0x38;
	[tilespmem:$0x1E000] =	vst v63  }
0xc9: {  	_ = 	snop  }
0xca: {  	[tilespmem:s22], [sflag:$0x2] =	stream.indirect.gather [hbm4b:s5+s21], $0x80, s19, s21, $0xb8;
	[tilespmem:$0x1E000] =	vst v63  }
0xcb: {  	s31 =	simm.s32 $0x1080  }
0xcc: {  	[tilespmem:s24], [sflag:$0x3] =	stream.indirect.gather [hbm4b:s5+s21], $0x80, s31, s21, $0xb8;
	[tilespmem:$0x1E000] =	vst v63  }
0xcd: {  	s28 =	simm.s32 $0x1100  }
0xce: {  	[tilespmem:s26], [sflag:$0x4] =	stream.indirect.gather [hbm4b:s5+s21], $0x80, s28, s21, $0xb8;
	[tilespmem:$0x1E000] =	vst v63  }
0xcf: {  	s31 =	simm.s32 $0x1180  }
0xd0: {  	[tilespmem:s29], [sflag:$0x5] =	stream.indirect.gather [hbm4b:s5+s21], $0x80, s31, s21, $0xb8;
	[tilespmem:$0x1E000] =	vst v63  }
0xd1: {  	_ =	swait.ge [sflag:s30], $0x2000  }
0xd2: {  	[sflag:s30] =	ssyncset.done $0x0  }
0xd3: {  	[sflag:s30] =	ssyncadd.s32 $0xFFFFE000  }
0xd4: {  	[spmem:s2] =	stream.indirect.scatter.add.f32 [tilespmem:s22], [sflag:$0x6], $0x80, s20, s21, $0xb8;
	[tilespmem:$0x1E000] =	vst v63  }
0xd5: {  	_ =	swait.ge [sflag:s17], $0x2000  }
0xd6: {  	[sflag:s17] =	ssyncset.done $0x0  }
0xd7: {  	s28 =	simm.s32 $0x1200;
	[sflag:s17] =	ssyncadd.s32 $0xFFFFE000  }
0xd8: {  	[tilespmem:s22], [sflag:$0x2] =	stream.indirect.gather [hbm4b:s5+s21], $0x80, s28, s21, $0xb8;
	[tilespmem:$0x1E000] =	vst v63  }
0xd9: {  	_ =	swait.ge [sflag:s0], $0x2000  }
0xda: {  	[sflag:s0] =	ssyncset.done $0x0  }
0xdb: {  	s31 =	simm.s32 $0x1880;
	[sflag:s0] =	ssyncadd.s32 $0xFFFFE000  }
0xdc: {  	[spmem:s2] =	stream.indirect.scatter.add.f32 [tilespmem:s24], [sflag:$0x6], $0x80, s31, s21, $0xb8;
	[tilespmem:$0x1E000] =	vst v63  }
0xdd: {  	_ =	swait.ge [sflag:s17], $0x2000  }
0xde: {  	[sflag:s17] =	ssyncset.done $0x0  }
0xdf: {  	s28 =	simm.s32 $0x1280;
	[sflag:s17] =	ssyncadd.s32 $0xFFFFE000  }
0xe0: {  	[tilespmem:s24], [sflag:$0x3] =	stream.indirect.gather [hbm4b:s5+s21], $0x80, s28, s21, $0xb8;
	[tilespmem:$0x1E000] =	vst v63  }
0xe1: {  	_ =	swait.ge [sflag:s9], $0x2000  }
0xe2: {  	[sflag:s9] =	ssyncset.done $0x0  }
0xe3: {  	s31 =	simm.s32 $0x1900;
	[sflag:s9] =	ssyncadd.s32 $0xFFFFE000  }
0xe4: {  	[spmem:s2] =	stream.indirect.scatter.add.f32 [tilespmem:s26], [sflag:$0x6], $0x80, s31, s21, $0xb8;
	[tilespmem:$0x1E000] =	vst v63  }
0xe5: {  	_ =	swait.ge [sflag:s17], $0x2000  }
0xe6: {  	[sflag:s17] =	ssyncset.done $0x0  }
0xe7: {  	s28 =	simm.s32 $0x1300;
	[sflag:s17] =	ssyncadd.s32 $0xFFFFE000  }
0xe8: {  	[tilespmem:s26], [sflag:$0x4] =	stream.indirect.gather [hbm4b:s5+s21], $0x80, s28, s21, $0xb8;
	[tilespmem:$0x1E000] =	vst v63  }
0xe9: {  	_ =	swait.ge [sflag:s12], $0x2000  }
0xea: {  	[sflag:s12] =	ssyncset.done $0x0  }
0xeb: {  	s31 =	simm.s32 $0x1980;
	[sflag:s12] =	ssyncadd.s32 $0xFFFFE000  }
0xec: {  	[spmem:s2] =	stream.indirect.scatter.add.f32 [tilespmem:s29], [sflag:$0x6], $0x80, s31, s21, $0xb8;
	[tilespmem:$0x1E000] =	vst v63  }
0xed: {  	_ =	swait.ge [sflag:s17], $0x2000  }
0xee: {  	[sflag:s17] =	ssyncset.done $0x0  }
0xef: {  	s28 =	simm.s32 $0x1380;
	[sflag:s17] =	ssyncadd.s32 $0xFFFFE000  }
0xf0: {  	[tilespmem:s29], [sflag:$0x5] =	stream.indirect.gather [hbm4b:s5+s21], $0x80, s28, s21, $0xb8;
	[tilespmem:$0x1E000] =	vst v63  }
0xf1: {  	_ =	swait.ge [sflag:s30], $0x2000  }
0xf2: {  	[sflag:s30] =	ssyncset.done $0x0  }
0xf3: {  	s31 =	simm.s32 $0x1A00;
	[sflag:s30] =	ssyncadd.s32 $0xFFFFE000  }
0xf4: {  	[spmem:s2] =	stream.indirect.scatter.add.f32 [tilespmem:s22], [sflag:$0x6], $0x80, s31, s21, $0xb8;
	[tilespmem:$0x1E000] =	vst v63  }
0xf5: {  	_ =	swait.ge [sflag:s17], $0x2000  }
0xf6: {  	[sflag:s17] =	ssyncset.done $0x0  }
0xf7: {  	s28 =	simm.s32 $0x1400;
	[sflag:s17] =	ssyncadd.s32 $0xFFFFE000  }
0xf8: {  	[tilespmem:s22], [sflag:$0x2] =	stream.indirect.gather [hbm4b:s5+s21], $0x80, s28, s21, $0xb8;
	[tilespmem:$0x1E000] =	vst v63  }
0xf9: {  	_ =	swait.ge [sflag:s0], $0x2000  }
0xfa: {  	[sflag:s0] =	ssyncset.done $0x0  }
0xfb: {  	s31 =	simm.s32 $0x1A80;
	[sflag:s0] =	ssyncadd.s32 $0xFFFFE000  }
0xfc: {  	[spmem:s2] =	stream.indirect.scatter.add.f32 [tilespmem:s24], [sflag:$0x6], $0x80, s31, s21, $0xb8;
	[tilespmem:$0x1E000] =	vst v63  }
0xfd: {  	_ =	swait.ge [sflag:s17], $0x2000  }
0xfe: {  	[sflag:s17] =	ssyncset.done $0x0  }
0xff: {  	s28 =	simm.s32 $0x1480;
	[sflag:s17] =	ssyncadd.s32 $0xFFFFE000  }
0x100: {  	[tilespmem:s24], [sflag:$0x3] =	stream.indirect.gather [hbm4b:s5+s21], $0x80, s28, s21, $0xb8;
	[tilespmem:$0x1E000] =	vst v63  }
0x101: {  	_ =	swait.ge [sflag:s9], $0x2000  }
0x102: {  	[sflag:s9] =	ssyncset.done $0x0  }
0x103: {  	s31 =	simm.s32 $0x1B00;
	[sflag:s9] =	ssyncadd.s32 $0xFFFFE000  }
0x104: {  	[spmem:s2] =	stream.indirect.scatter.add.f32 [tilespmem:s26], [sflag:$0x6], $0x80, s31, s21, $0xb8;
	[tilespmem:$0x1E000] =	vst v63  }
0x105: {  	_ =	swait.ge [sflag:s17], $0x2000  }
0x106: {  	[sflag:s17] =	ssyncset.done $0x0  }
0x107: {  	s28 =	simm.s32 $0x1500;
	[sflag:s17] =	ssyncadd.s32 $0xFFFFE000  }
0x108: {  	[tilespmem:s26], [sflag:$0x4] =	stream.indirect.gather [hbm4b:s5+s21], $0x80, s28, s21, $0xb8;
	[tilespmem:$0x1E000] =	vst v63  }
0x109: {  	_ =	swait.ge [sflag:s12], $0x2000  }
0x10a: {  	[sflag:s12] =	ssyncset.done $0x0  }
0x10b: {  	s31 =	simm.s32 $0x1B80;
	[sflag:s12] =	ssyncadd.s32 $0xFFFFE000  }
0x10c: {  	[spmem:s2] =	stream.indirect.scatter.add.f32 [tilespmem:s29], [sflag:$0x6], $0x80, s31, s21, $0xb8;
	[tilespmem:$0x1E000] =	vst v63  }
0x10d: {  	_ =	swait.ge [sflag:s17], $0x2000  }
0x10e: {  	[sflag:s17] =	ssyncset.done $0x0  }
0x10f: {  	s28 =	simm.s32 $0x1580;
	[sflag:s17] =	ssyncadd.s32 $0xFFFFE000  }
0x110: {  	[tilespmem:s29], [sflag:$0x5] =	stream.indirect.gather [hbm4b:s5+s21], $0x80, s28, s21, $0xb8;
	[tilespmem:$0x1E000] =	vst v63  }
0x111: {  	_ =	swait.ge [sflag:s30], $0x2000  }
0x112: {  	[sflag:s30] =	ssyncset.done $0x0  }
0x113: {  	s31 =	simm.s32 $0x1C00;
	[sflag:s30] =	ssyncadd.s32 $0xFFFFE000  }
0x114: {  	[spmem:s2] =	stream.indirect.scatter.add.f32 [tilespmem:s22], [sflag:$0x6], $0x80, s31, s21, $0xb8;
	[tilespmem:$0x1E000] =	vst v63  }
0x115: {  	_ =	swait.ge [sflag:s17], $0x2000  }
0x116: {  	[sflag:s17] =	ssyncset.done $0x0  }
0x117: {  	s28 =	simm.s32 $0x1600;
	[sflag:s17] =	ssyncadd.s32 $0xFFFFE000  }
0x118: {  	[tilespmem:s22], [sflag:$0x2] =	stream.indirect.gather [hbm4b:s5+s21], $0x80, s28, s21, $0xb8;
	[tilespmem:$0x1E000] =	vst v63  }
0x119: {  	_ =	swait.ge [sflag:s0], $0x2000  }
0x11a: {  	[sflag:s0] =	ssyncset.done $0x0  }
0x11b: {  	s31 =	simm.s32 $0x1C80;
	[sflag:s0] =	ssyncadd.s32 $0xFFFFE000  }
0x11c: {  	[spmem:s2] =	stream.indirect.scatter.add.f32 [tilespmem:s24], [sflag:$0x6], $0x80, s31, s21, $0xb8;
	[tilespmem:$0x1E000] =	vst v63  }
0x11d: {  	_ =	swait.ge [sflag:s17], $0x2000  }
0x11e: {  	[sflag:s17] =	ssyncset.done $0x0  }
0x11f: {  	s28 =	simm.s32 $0x1680;
	[sflag:s17] =	ssyncadd.s32 $0xFFFFE000  }
0x120: {  	[tilespmem:s24], [sflag:$0x3] =	stream.indirect.gather [hbm4b:s5+s21], $0x80, s28, s21, $0xb8;
	[tilespmem:$0x1E000] =	vst v63  }
0x121: {  	_ =	swait.ge [sflag:s9], $0x2000  }
0x122: {  	[sflag:s9] =	ssyncset.done $0x0  }
0x123: {  	s31 =	simm.s32 $0x1D00;
	[sflag:s9] =	ssyncadd.s32 $0xFFFFE000  }
0x124: {  	[spmem:s2] =	stream.indirect.scatter.add.f32 [tilespmem:s26], [sflag:$0x6], $0x80, s31, s21, $0xb8;
	[tilespmem:$0x1E000] =	vst v63  }
0x125: {  	_ =	swait.ge [sflag:s17], $0x2000  }
0x126: {  	[sflag:s17] =	ssyncset.done $0x0  }
0x127: {  	[sflag:s17] =	ssyncadd.s32 $0xFFFFE000  }
0x128: {  	[tilespmem:s26], [sflag:$0x4] =	stream.indirect.gather [hbm4b:s5+s21], $0x80, s18, s21, $0xb8;
	[tilespmem:$0x1E000] =	vst v63  }
0x129: {  	_ =	swait.ge [sflag:s12], $0x2000  }
0x12a: {  	[sflag:s12] =	ssyncset.done $0x0  }
0x12b: {  	[sflag:s12] =	ssyncadd.s32 $0xFFFFE000  }
0x12c: {  	[spmem:s2] =	stream.indirect.scatter.add.f32 [tilespmem:s29], [sflag:$0x6], $0x80, s7, s21, $0xb8;
	[tilespmem:$0x1E000] =	vst v63  }
0x12d: {  	_ =	swait.ge [sflag:s17], $0x2000  }
0x12e: {  	[sflag:s17] =	ssyncset.done $0x0  }
0x12f: {  	[sflag:s17] =	ssyncadd.s32 $0xFFFFE000  }
0x130: {  	[tilespmem:s29], [sflag:$0x5] =	stream.indirect.gather [hbm4b:s5+s21], $0x80, s10, s21, $0xb8;
	[tilespmem:$0x1E000] =	vst v63  }
0x131: {  	_ =	swait.ge [sflag:s30], $0x2000  }
0x132: {  	[sflag:s30] =	ssyncset.done $0x0  }
0x133: {  	[sflag:s30] =	ssyncadd.s32 $0xFFFFE000  }
0x134: {  	[spmem:s2] =	stream.indirect.scatter.add.f32 [tilespmem:s22], [sflag:$0x6], $0x80, s11, s21, $0xb8;
	[tilespmem:$0x1E000] =	vst v63  }
0x135: {  	_ =	swait.ge [sflag:s17], $0x2000  }
0x136: {  	[sflag:s17] =	ssyncset.done $0x0  }
0x137: {  	[sflag:s17] =	ssyncadd.s32 $0xFFFFE000  }
0x138: {  	_ =	swait.ge [sflag:s0], $0x2000  }
0x139: {  	[sflag:s0] =	ssyncset.done $0x0  }
0x13a: {  	[sflag:s0] =	ssyncadd.s32 $0xFFFFE000  }
0x13b: {  	[spmem:s2] =	stream.indirect.scatter.add.f32 [tilespmem:s24], [sflag:$0x6], $0x80, s13, s21, $0xb8;
	[tilespmem:$0x1E000] =	vst v63  }
0x13c: {  	_ =	swait.ge [sflag:s17], $0x2000  }
0x13d: {  	[sflag:s17] =	ssyncset.done $0x0  }
0x13e: {  	[sflag:s17] =	ssyncadd.s32 $0xFFFFE000  }
0x13f: {  	_ =	swait.ge [sflag:s9], $0x2000  }
0x140: {  	[sflag:s9] =	ssyncset.done $0x0  }
0x141: {  	[sflag:s9] =	ssyncadd.s32 $0xFFFFE000  }
0x142: {  	[spmem:s2] =	stream.indirect.scatter.add.f32 [tilespmem:s26], [sflag:$0x6], $0x80, s8, s21, $0xb8;
	[tilespmem:$0x1E000] =	vst v63  }
0x143: {  	_ =	swait.ge [sflag:s17], $0x2000  }
0x144: {  	[sflag:s17] =	ssyncset.done $0x0  }
0x145: {  	[sflag:s17] =	ssyncadd.s32 $0xFFFFE000  }
0x146: {  	_ =	swait.ge [sflag:s12], $0x2000  }
0x147: {  	[sflag:s12] =	ssyncset.done $0x0  }
.Ltmp2:
0x148: {  	[sflag:s12] =	ssyncadd.s32 $0xFFFFE000;
	(pc) =	sbr.rel @p0 .LBB2_4-.Ltmp2, $4  }
0x149: {  	[spmem:s2] =	stream.indirect.scatter.add.f32 [tilespmem:s29], [sflag:$0x6], $0x80, s16, s21, $0xb8;
	[tilespmem:$0x1E000] =	vst v63  }
0x14a: {  	_ =	swait.ge [sflag:s17], $0x2000  }
0x14b: {  	[sflag:s17] =	ssyncset.done $0x0  }
0x14c: {  	[sflag:s17] =	ssyncadd.s32 $0xFFFFE000  }
0x14d: {  	_ =	swait.ge [sflag:s3], $0x800  }
.Ltmp3:
0x14e: {  	[sflag:s3] =	ssyncset.done $0x0;
	(pc) =	sbr.rel .LBB2_2-.Ltmp3, $4  }
0x14f: {  	[sflag:s3] =	ssyncadd.s32 $0xFFFFF800  }
0x150: {  	_ =	swait.ge [sflag:s3], $0x800  }
0x151: {  	[sflag:s3] =	ssyncset.done $0x0  }
0x152: {  	s23 =	sadd.s32 $0x1000, s23;
	s1 =	sadd.s32 $0x200, s1;
	[sflag:s3] =	ssyncadd.s32 $0xFFFFF800  }
.LBB2_5:
0x153: {  	_ =	sfence.sel $0x180000  }
0x154: {  	[bflag:$0x0] =	sbarrier.arrive $0xFFFF  }
0x155: {  	_ =	strace $0x9000004D  }
0x156: {  	s0 =	stileid.u32;
	[bflag:$0x2] =	sbarrier.arrive $0xFFFF  }
0x157: {  	p0 =	sne.s32 s0, $0x0;
	s0 =	rddreg [dreg:$0x3]  }
0x158: {  	s0 =	sadd.s32 @!p0 $0x100000, s0  }
0x159: {  	[sflag:s0] =	ssyncadd.tile.s32 @!p0 $0x1;
	_ =	shalt  }
.Lfunc_end2:
_tile_overlayer_lowered:
.L_overlay_start_2:
0x15a: {  	(tag) =	ssettag $0x2  }
0x15b: {  	s0 =	rddreg [dreg:$0x0];
	s2 =	stileid.u32  }
0x15c: {  	s1 =	rddreg [dreg:$0x1];
	p0 =	sne.s32 s2, $0x0  }
0x15d: {  	s3 =	rddreg [dreg:$0x2];
	[bflag:$0x3] =	sbarrier.arrive $0xFFFF;
	s2 =	simm.s32 @!p0 $0x1C06  }
0x15e: {  	[timem:s3], [sflag:s2] =	dma.local @!p0 [hbm:s0], s1  }
0x15f: {  	s0 =	simm.s32 @!p0 $0x6  }
0x160: {  	_ =	swait.ge @!p0 [sflag:s0], s1  }
0x161: {  	s1 =	ssub.s32 @!p0 $0x0, s1;
	[sflag:s0] =	ssyncset.done @!p0 $0x0  }
0x162: {  	[sflag:s0] =	ssyncadd.s32 @!p0 s1  }
0x163: {  	[bflag:$0x3] =	sbarrier.arrive $0xFFFF  }
0x164: {  	_ =	shalt  }

</sc_bundles>
